<compile_context>
chip_gen: v7x
topology: tpu7x:2x2x1
jax: 0.10.2.dev20260603
libtpu: 0.0.44.dev20260713+nightly
codegen_flags: <defaults>
</compile_context>

<pallas_src>
import jax
import jax.numpy as jnp
from jax import lax
from jax.experimental import pallas as pl
from jax.experimental.pallas import tpu as pltpu
from jax.experimental.pallas import tpu_sc as plsc

N_NODES = 10000
D = 128
N_EDGES = 320000

NC = 2
NS = 16
NW = NC * NS

K = 128
NCHUNK = 80
EPW = K * NCHUNK
NE_PAD = NW * EPW
PAD = NE_PAD - N_EDGES
PAD_ROWS = 64
NP = N_NODES + PAD_ROWS

WB = 624
WB_TAIL = NP - NS * WB
DEG_PT = 640
DEGN = NS * DEG_PT


def _mesh():
    return plsc.VectorSubcoreMesh(
        core_axis_name="c", subcore_axis_name="s", num_cores=NC, num_subcores=NS
    )



def _deg_body(srcw, dstw, degp, acc_s, acc_d, idx_s, idx_d, ones_v, zb, semd):
    c = lax.axis_index("c")
    s = lax.axis_index("s")
    wid = c * NS + s
    zero16 = jnp.zeros((16,), jnp.float32)
    one16 = jnp.full((16,), 1.0, jnp.float32)

    def z(i, carry):
        zb[pl.ds(i * 16, 16)] = zero16
        return carry

    lax.fori_loop(0, DEG_PT // 16, z, 0)

    def o(i, carry):
        ones_v[pl.ds(i * 16, 16)] = one16
        return carry

    lax.fori_loop(0, K // 16, o, 0)

    pltpu.sync_copy(zb, acc_s.at[pl.ds(s * DEG_PT, DEG_PT)])
    pltpu.sync_copy(zb, acc_d.at[pl.ds(s * DEG_PT, DEG_PT)])
    plsc.subcore_barrier()

    pltpu.sync_copy(srcw.at[wid], idx_s)
    pltpu.sync_copy(dstw.at[wid], idx_d)

    GB = 8

    def _issue(g):
        def f(jj, carry):
            j = g * GB + jj
            pltpu.async_copy(ones_v, acc_s.at[idx_s.at[j]], semd, add=True)
            pltpu.async_copy(ones_v, acc_d.at[idx_d.at[j]], semd, add=True)
            return carry
        lax.fori_loop(0, GB, f, 0)

    def _drain(g):
        def f(jj, carry):
            j = g * GB + jj
            pltpu.make_async_copy(ones_v, acc_s.at[idx_s.at[j]], semd).wait()
            pltpu.make_async_copy(ones_v, acc_d.at[idx_d.at[j]], semd).wait()
            return carry
        lax.fori_loop(0, GB, f, 0)

    _issue(0)

    def outer(g, carry):
        @pl.when(g + 1 < NCHUNK // GB)
        def _i():
            _issue(g + 1)

        _drain(g)
        return carry

    lax.fori_loop(0, NCHUNK // GB, outer, 0)
    plsc.subcore_barrier()

    pltpu.sync_copy(acc_s.at[pl.ds(s * DEG_PT, DEG_PT)],
                    degp.at[c, 0, pl.ds(s * DEG_PT, DEG_PT)])
    pltpu.sync_copy(acc_d.at[pl.ds(s * DEG_PT, DEG_PT)],
                    degp.at[c, 1, pl.ds(s * DEG_PT, DEG_PT)])


def _agg_body(h, srcw, dstw, outp, acc, idx_s, idx_d, rows0, rows1,
              sem0, sem1):
    c = lax.axis_index("c")
    s = lax.axis_index("s")
    wid = c * NS + s
    zero16 = jnp.zeros((16,), jnp.float32)

    def z(i, carry):
        rows0[i // 8, pl.ds((i % 8) * 16, 16)] = zero16
        return carry

    lax.fori_loop(0, K * 8, z, 0)

    pltpu.async_copy(srcw.at[wid], idx_s, sem1)
    pltpu.async_copy(dstw.at[wid, pl.ds(0, NCHUNK // 2)], idx_d, sem1)

    for kk in range(WB // K):
        pltpu.async_copy(rows0, acc.at[pl.ds(s * WB + kk * K, K)], sem0)
    rem = WB % K
    pltpu.async_copy(rows0.at[pl.ds(0, rem)],
                     acc.at[pl.ds(s * WB + WB - rem, rem)], sem0)

    @pl.when(s == 0)
    def _zero_tail():
        pltpu.async_copy(rows0.at[pl.ds(0, WB_TAIL)],
                         acc.at[pl.ds(NS * WB, WB_TAIL)], sem0)

    for kk in range(WB // K):
        pltpu.make_async_copy(rows0, acc.at[pl.ds(s * WB + kk * K, K)],
                              sem0).wait()
    pltpu.make_async_copy(rows0.at[pl.ds(0, rem)],
                          acc.at[pl.ds(s * WB + WB - rem, rem)], sem0).wait()

    @pl.when(s == 0)
    def _zero_tail_drain():
        pltpu.make_async_copy(rows0.at[pl.ds(0, WB_TAIL)],
                              acc.at[pl.ds(NS * WB, WB_TAIL)], sem0).wait()

    pltpu.make_async_copy(srcw.at[wid], idx_s, sem1).wait()
    pltpu.make_async_copy(dstw.at[wid, pl.ds(0, NCHUNK // 2)],
                          idx_d, sem1).wait()
    plsc.subcore_barrier()

    rows = (rows0, rows1)
    sems = (sem0, sem1)
    H2 = K // 2

    def _gissue(j, b):
        pltpu.async_copy(h.at[idx_s.at[j, pl.ds(0, H2)]],
                         rows[b].at[pl.ds(0, H2)], sems[b])
        pltpu.async_copy(h.at[idx_s.at[j, pl.ds(H2, H2)]],
                         rows[b].at[pl.ds(H2, H2)], sems[b])

    def _gwait(j, b):
        pltpu.make_async_copy(h.at[idx_s.at[j, pl.ds(0, H2)]],
                              rows[b].at[pl.ds(0, H2)], sems[b]).wait()
        pltpu.make_async_copy(h.at[idx_s.at[j, pl.ds(H2, H2)]],
                              rows[b].at[pl.ds(H2, H2)], sems[b]).wait()

    _gissue(0, 0)
    _gissue(1, 1)

    def make_outer(half):
        def outer(i, carry):
            for b in range(2):
                j = half * (NCHUNK // 2) + 2 * i + b
                _gwait(j, b)
                pltpu.sync_copy(rows[b],
                                acc.at[idx_d.at[j - half * (NCHUNK // 2)]],
                                add=True)

                @pl.when(j + 2 < NCHUNK)
                def _issue():
                    _gissue(j + 2, b)

            return carry
        return outer

    lax.fori_loop(0, NCHUNK // 4, make_outer(0), 0)
    pltpu.sync_copy(dstw.at[wid, pl.ds(NCHUNK // 2, NCHUNK // 2)], idx_d)
    lax.fori_loop(0, NCHUNK // 4, make_outer(1), 0)
    plsc.subcore_barrier()

    pltpu.sync_copy(acc.at[pl.ds(s * WB, WB)], outp.at[c, pl.ds(s * WB, WB)])

    @pl.when(s == 0)
    def _writeback_tail():
        nreal = N_NODES - NS * WB
        pltpu.sync_copy(acc.at[pl.ds(NS * WB, nreal)],
                        outp.at[c, pl.ds(NS * WB, nreal)])


def _deg_call(srcw, dstw):
    return pl.kernel(
        _deg_body,
        out_type=jax.ShapeDtypeStruct((NC, 2, DEGN), jnp.float32),
        mesh=_mesh(),
        scratch_types=[
            pltpu.VMEM_SHARED((DEGN,), jnp.float32),
            pltpu.VMEM_SHARED((DEGN,), jnp.float32),
            pltpu.VMEM((NCHUNK, K), jnp.int32),
            pltpu.VMEM((NCHUNK, K), jnp.int32),
            pltpu.VMEM((K,), jnp.float32),
            pltpu.VMEM((DEG_PT,), jnp.float32),
            pltpu.SemaphoreType.DMA,
        ],
    )(srcw, dstw)


def _agg_call(h, srcw, dstw):
    return pl.kernel(
        _agg_body,
        out_type=jax.ShapeDtypeStruct((NC, N_NODES, D), jnp.float32),
        mesh=_mesh(),
        scratch_types=[
            pltpu.VMEM_SHARED((NP, D), jnp.float32),
            pltpu.VMEM((NCHUNK, K), jnp.int32),
            pltpu.VMEM((NCHUNK // 2, K), jnp.int32),
            pltpu.VMEM((K, D), jnp.float32),
            pltpu.VMEM((K, D), jnp.float32),
            pltpu.SemaphoreType.DMA,
            pltpu.SemaphoreType.DMA,
        ],
    )(h, srcw, dstw)



def _norm(d0, d1):
    deg = d0 + d1
    return jnp.where(deg > 0, lax.rsqrt(jnp.maximum(deg, 1e-12)), 0.0)


def _tcscale_body(x_ref, w_ref, ds0_ref, ds1_ref, h_ref):
    ns = _norm(ds0_ref[...], ds1_ref[...])[:N_NODES]
    xw = jnp.dot(x_ref[...], w_ref[...], preferred_element_type=jnp.float32)
    h_ref[...] = xw * ns


def _tc2_body(p_ref, b1_ref, w_ref, dd0_ref, dd1_ref, ds0_ref, ds1_ref, h_ref):
    nd = _norm(dd0_ref[...], dd1_ref[...])[:N_NODES]
    ns = _norm(ds0_ref[...], ds1_ref[...])[:N_NODES]
    o1 = jnp.maximum((p_ref[0] + p_ref[1]) * nd + b1_ref[...], 0.0)
    h_ref[...] = jnp.dot(o1, w_ref[...], preferred_element_type=jnp.float32) * ns


def _tc3_body(p_ref, b2_ref, dd0_ref, dd1_ref, o_ref):
    nd = _norm(dd0_ref[...], dd1_ref[...])[:N_NODES]
    o_ref[...] = (p_ref[0] + p_ref[1]) * nd + b2_ref[...]


def _tcscale(x, W1, ds0, ds1):
    return pl.pallas_call(
        _tcscale_body,
        out_shape=jax.ShapeDtypeStruct((N_NODES, D), jnp.float32),
    )(x, W1, ds0, ds1)


def _tc2(p, b1, W2, dd0, dd1, ds0, ds1):
    return pl.pallas_call(
        _tc2_body,
        out_shape=jax.ShapeDtypeStruct((N_NODES, D), jnp.float32),
    )(p, b1, W2, dd0, dd1, ds0, ds1)


def _tc3(p, b2, dd0, dd1):
    return pl.pallas_call(
        _tc3_body,
        out_shape=jax.ShapeDtypeStruct((N_NODES, D), jnp.float32),
    )(p, b2, dd0, dd1)



def kernel(x, edge_index, W1, b1, W2, b2):
    ar = jnp.arange(PAD, dtype=jnp.int32)
    dummy_hi = N_NODES + (ar % PAD_ROWS)
    src_flat = edge_index[0].astype(jnp.int32)
    dst_flat = edge_index[1].astype(jnp.int32)
    src = jnp.concatenate([src_flat, ar % N_NODES]).reshape(NW, NCHUNK, K)
    src_deg = jnp.concatenate([src_flat, dummy_hi]).reshape(NW, NCHUNK, K)
    dst = jnp.concatenate([dst_flat, dummy_hi]).reshape(NW, NCHUNK, K)

    degp = _deg_call(src_deg, dst)
    ds0 = degp[0, 0].reshape(DEGN, 1)
    ds1 = degp[1, 0].reshape(DEGN, 1)
    dd0 = degp[0, 1].reshape(DEGN, 1)
    dd1 = degp[1, 1].reshape(DEGN, 1)

    h1 = _tcscale(x, W1, ds0, ds1)
    p1 = _agg_call(h1, src, dst)
    h2 = _tc2(p1, b1.reshape(1, D), W2, dd0, dd1, ds0, ds1)
    p2 = _agg_call(h2, src, dst)
    return _tc3(p2, b2.reshape(1, D), dd0, dd1)

# --- scband reference (transcript-rebuilt; emitter-appended) ---
"""Pipeline reference for scband-ssp-gcn-50955492000379 (READ-ONLY COPY).

The authoritative reference and input builder live on the scoring server;
editing this copy changes nothing except your own understanding.
"""

import jax, jax.numpy as jnp
import numpy as np

N_NODES = 10000
D_FEAT = 128
HID = 128
OUT = 128
N_EDGES = 320000


def gcn_layer(x, src, dst, W, b, n_nodes):
    # DGL GraphConv with norm='both': D_out^{-1/2} applied at src, sum-aggregate, D_in^{-1/2} at dst, then XW + b
    ones = jnp.ones((src.shape[0],), dtype=x.dtype)
    deg_out = jax.ops.segment_sum(ones, src, num_segments=n_nodes)
    deg_in = jax.ops.segment_sum(ones, dst, num_segments=n_nodes)
    norm_src = jnp.where(deg_out > 0, jax.lax.rsqrt(jnp.maximum(deg_out, 1e-12)), 0.0)
    norm_dst = jnp.where(deg_in > 0, jax.lax.rsqrt(jnp.maximum(deg_in, 1e-12)), 0.0)
    h = x * norm_src[:, None]
    msgs = jnp.take(h, src, axis=0)                     # gather (SparseCore)
    agg = jax.ops.segment_sum(msgs, dst, num_segments=n_nodes)  # scatter-add
    agg = agg * norm_dst[:, None]
    return agg @ W + b


def setup_inputs(seed: int = 0) -> dict:
    key = jax.random.key(seed)
    k1, k2, k3, k4, k5 = jax.random.split(key, 5)
    x = jax.random.normal(k1, (N_NODES, D_FEAT), dtype=jnp.float32)
    edge_index = jax.random.randint(k2, (2, N_EDGES), 0, N_NODES, dtype=jnp.int64)
    s1 = 1.0 / np.sqrt(D_FEAT)
    s2 = 1.0 / np.sqrt(HID)
    W1 = jax.random.uniform(k3, (D_FEAT, HID), dtype=jnp.float32, minval=-s1, maxval=s1)
    b1 = jnp.zeros((HID,), dtype=jnp.float32)
    W2 = jax.random.uniform(k4, (HID, OUT), dtype=jnp.float32, minval=-s2, maxval=s2)
    b2 = jnp.zeros((OUT,), dtype=jnp.float32)
    return {"x": x, "edge_index": edge_index, "W1": W1, "b1": b1, "W2": W2, "b2": b2}


def reference(x, edge_index, W1, b1, W2, b2):
    src = edge_index[0]
    dst = edge_index[1]
    # encoder: GraphConv(d_feat -> hid) + ReLU
    h = gcn_layer(x, src, dst, W1, b1, N_NODES)
    h = jax.nn.relu(h)
    # classify: GraphConv(hid -> out)
    out = gcn_layer(h, src, dst, W2, b2, N_NODES)
    return out

if __name__ == "__main__":
    import jax
    _d = setup_inputs()
    print(jax.jit(kernel)(*tuple(_d.values())))

</pallas_src>

<mosaic_0001>
#map = affine_map<(d0, d1) -> (0, 0, 0)>
module attributes {stable_mosaic.version = 14 : i64} {
  func.func @_deg_body(%arg0: i32, %arg1: i32, %arg2: memref<32x80x128xi32, #tpu.memory_space<hbm>>, %arg3: memref<32x80x128xi32, #tpu.memory_space<hbm>>, %arg4: memref<2x2x10240xf32, #tpu.memory_space<hbm>>, %arg5: memref<10240xf32, #tpu.memory_space<vmem_shared>>, %arg6: memref<10240xf32, #tpu.memory_space<vmem_shared>>, %arg7: memref<80x128xi32, #tpu.memory_space<vmem>>, %arg8: memref<80x128xi32, #tpu.memory_space<vmem>>, %arg9: memref<128xf32, #tpu.memory_space<vmem>>, %arg10: memref<640xf32, #tpu.memory_space<vmem>>, %arg11: memref<!tpu.dma_semaphore, #tpu.memory_space<semaphore_mem>>) attributes {dimension_semantics = [#tpu.dimension_semantics<core_parallel>, #tpu.dimension_semantics<subcore_parallel>], iteration_bounds = array<i64: 2, 16>, scalar_prefetch = 0 : i64, scratch_operands = 7 : i64, tpu.core_type = #tpu.core_type<sc_vector_subcore>, window_params = [{transform_indices = #map}, {transform_indices = #map}, {transform_indices = #map}]} {
    %mul3A = arith.constant 16 : i32
    %mul3A_0 = arith.muli %arg0, %mul3A : i32
    %add3A = arith.addi %mul3A_0, %arg1 : i32
    %broadcast_in_dim3A = arith.constant 0.000000e+00 : f32
    %broadcast_in_dim3A_1 = vector.broadcast %broadcast_in_dim3A : f32 to vector<16xf32>
    %broadcast_in_dim3A_2 = arith.constant 1.000000e+00 : f32
    %broadcast_in_dim3A_3 = vector.broadcast %broadcast_in_dim3A_2 : f32 to vector<16xf32>
    %scan3A = arith.constant 0 : i32
    %scan3A_4 = arith.constant 0 : i32
    %scan3A_5 = arith.constant 40 : i32
    %scan3A_6 = arith.addi %scan3A_4, %scan3A_5 : i32
    %scan3A_7 = arith.constant 1 : i32
    scf.for %scan3A_41 = %scan3A_4 to %scan3A_6 step %scan3A_7  : i32 {
      %mul3A_42 = arith.constant 16 : i32
      %mul3A_43 = arith.muli %scan3A_41, %mul3A_42 : i32
      %swap3A = arith.index_cast %mul3A_43 : i32 to index
      %swap3A_44 = tpu.vector_load %arg10[%swap3A] {strides = array<i32>} : memref<640xf32, #tpu.memory_space<vmem>>, vector<16xf32>,
      %swap3A_45 = vector.shape_cast %swap3A_44 : vector<16xf32> to vector<16xf32>
      %swap3A_46 = vector.shape_cast %broadcast_in_dim3A_1 : vector<16xf32> to vector<16xf32>
      tpu.vector_store %arg10[%swap3A], %swap3A_46 {strides = array<i32>} : memref<640xf32, #tpu.memory_space<vmem>>, vector<16xf32>,
    }
    %scan3A_8 = arith.constant 40 : i32
    %scan3A_9 = arith.constant 0 : i32
    %scan3A_10 = arith.constant 0 : i32
    %scan3A_11 = arith.constant 8 : i32
    %scan3A_12 = arith.addi %scan3A_10, %scan3A_11 : i32
    %scan3A_13 = arith.constant 1 : i32
    scf.for %scan3A_41 = %scan3A_10 to %scan3A_12 step %scan3A_13  : i32 {
      %mul3A_42 = arith.constant 16 : i32
      %mul3A_43 = arith.muli %scan3A_41, %mul3A_42 : i32
      %swap3A = arith.index_cast %mul3A_43 : i32 to index
      %swap3A_44 = tpu.vector_load %arg9[%swap3A] {strides = array<i32>} : memref<128xf32, #tpu.memory_space<vmem>>, vector<16xf32>,
      %swap3A_45 = vector.shape_cast %swap3A_44 : vector<16xf32> to vector<16xf32>
      %swap3A_46 = vector.shape_cast %broadcast_in_dim3A_3 : vector<16xf32> to vector<16xf32>
      tpu.vector_store %arg9[%swap3A], %swap3A_46 {strides = array<i32>} : memref<128xf32, #tpu.memory_space<vmem>>, vector<16xf32>,
    }
    %scan3A_14 = arith.constant 8 : i32
    %mul3A_15 = arith.constant 640 : i32
    %mul3A_16 = arith.muli %arg1, %mul3A_15 : i32
    "tpu.region"() ({
      %run_scoped3A_41 = tpu.sem_alloc : memref<!tpu.dma_semaphore, #tpu.memory_space<semaphore_mem>>
      %dma_start3A = tpu.memref_slice %arg5[%mul3A_16] : memref<10240xf32, #tpu.memory_space<vmem_shared>> -> memref<640xf32, #tpu.memory_space<vmem_shared>>
      %dma_start3A_42 = tpu.memref_slice %arg5[%mul3A_16] : memref<10240xf32, #tpu.memory_space<vmem_shared>> -> memref<640xf32, #tpu.memory_space<vmem_shared>>
      tpu.enqueue_dma source(%arg10 : memref<640xf32, #tpu.memory_space<vmem>>) target(%dma_start3A_42 : memref<640xf32, #tpu.memory_space<vmem_shared>>) target_semaphore(%run_scoped3A_41 : memref<!tpu.dma_semaphore, #tpu.memory_space<semaphore_mem>>)
      %dma_wait3A = tpu.memref_slice %arg5[%mul3A_16] : memref<10240xf32, #tpu.memory_space<vmem_shared>> -> memref<640xf32, #tpu.memory_space<vmem_shared>>
      %dma_wait3A_43 = tpu.memref_slice %arg5[%mul3A_16] : memref<10240xf32, #tpu.memory_space<vmem_shared>> -> memref<640xf32, #tpu.memory_space<vmem_shared>>
      tpu.wait_dma2 semaphore(%run_scoped3A_41 : memref<!tpu.dma_semaphore, #tpu.memory_space<semaphore_mem>>) src(%arg10 : memref<640xf32, #tpu.memory_space<vmem>>) dst(%dma_wait3A_43 : memref<640xf32, #tpu.memory_space<vmem_shared>>)
      tpu.yield
    }) : () -> ()
    %mul3A_17 = arith.constant 640 : i32
    %mul3A_18 = arith.muli %arg1, %mul3A_17 : i32
    "tpu.region"() ({
      %run_scoped3A_41 = tpu.sem_alloc : memref<!tpu.dma_semaphore, #tpu.memory_space<semaphore_mem>>
      %dma_start3A = tpu.memref_slice %arg6[%mul3A_18] : memref<10240xf32, #tpu.memory_space<vmem_shared>> -> memref<640xf32, #tpu.memory_space<vmem_shared>>
      %dma_start3A_42 = tpu.memref_slice %arg6[%mul3A_18] : memref<10240xf32, #tpu.memory_space<vmem_shared>> -> memref<640xf32, #tpu.memory_space<vmem_shared>>
      tpu.enqueue_dma source(%arg10 : memref<640xf32, #tpu.memory_space<vmem>>) target(%dma_start3A_42 : memref<640xf32, #tpu.memory_space<vmem_shared>>) target_semaphore(%run_scoped3A_41 : memref<!tpu.dma_semaphore, #tpu.memory_space<semaphore_mem>>)
      %dma_wait3A = tpu.memref_slice %arg6[%mul3A_18] : memref<10240xf32, #tpu.memory_space<vmem_shared>> -> memref<640xf32, #tpu.memory_space<vmem_shared>>
      %dma_wait3A_43 = tpu.memref_slice %arg6[%mul3A_18] : memref<10240xf32, #tpu.memory_space<vmem_shared>> -> memref<640xf32, #tpu.memory_space<vmem_shared>>
      tpu.wait_dma2 semaphore(%run_scoped3A_41 : memref<!tpu.dma_semaphore, #tpu.memory_space<semaphore_mem>>) src(%arg10 : memref<640xf32, #tpu.memory_space<vmem>>) dst(%dma_wait3A_43 : memref<640xf32, #tpu.memory_space<vmem_shared>>)
      tpu.yield
    }) : () -> ()
    %barrier3A = arith.constant 0 : index
    tpu.barrier barrier_id(%barrier3A)
    "tpu.region"() ({
      %run_scoped3A_41 = tpu.sem_alloc : memref<!tpu.dma_semaphore, #tpu.memory_space<semaphore_mem>>
      %dma_start3A = arith.constant 0 : i32
      %dma_start3A_42 = arith.constant 0 : i32
      %dma_start3A_43 = tpu.memref_slice %arg2[%add3A, %dma_start3A, %dma_start3A_42] : memref<32x80x128xi32, #tpu.memory_space<hbm>> -> memref<1x80x128xi32, #tpu.memory_space<hbm>>
      %dma_start3A_44 = tpu.memref_squeeze %dma_start3A_43 : memref<1x80x128xi32, #tpu.memory_space<hbm>> -> memref<80x128xi32, #tpu.memory_space<hbm>>
      %dma_start3A_45 = arith.constant 0 : i32
      %dma_start3A_46 = arith.constant 0 : i32
      %dma_start3A_47 = tpu.memref_slice %arg2[%add3A, %dma_start3A_45, %dma_start3A_46] : memref<32x80x128xi32, #tpu.memory_space<hbm>> -> memref<1x80x128xi32, #tpu.memory_space<hbm>>
      %dma_start3A_48 = tpu.memref_squeeze %dma_start3A_47 : memref<1x80x128xi32, #tpu.memory_space<hbm>> -> memref<80x128xi32, #tpu.memory_space<hbm>>
      tpu.enqueue_dma source(%dma_start3A_48 : memref<80x128xi32, #tpu.memory_space<hbm>>) target(%arg7 : memref<80x128xi32, #tpu.memory_space<vmem>>) target_semaphore(%run_scoped3A_41 : memref<!tpu.dma_semaphore, #tpu.memory_space<semaphore_mem>>)
      %dma_wait3A = arith.constant 0 : i32
      %dma_wait3A_49 = arith.constant 0 : i32
      %dma_wait3A_50 = tpu.memref_slice %arg2[%add3A, %dma_wait3A, %dma_wait3A_49] : memref<32x80x128xi32, #tpu.memory_space<hbm>> -> memref<1x80x128xi32, #tpu.memory_space<hbm>>
      %dma_wait3A_51 = tpu.memref_squeeze %dma_wait3A_50 : memref<1x80x128xi32, #tpu.memory_space<hbm>> -> memref<80x128xi32, #tpu.memory_space<hbm>>
      %dma_wait3A_52 = arith.constant 0 : i32
      %dma_wait3A_53 = arith.constant 0 : i32
      %dma_wait3A_54 = tpu.memref_slice %arg2[%add3A, %dma_wait3A_52, %dma_wait3A_53] : memref<32x80x128xi32, #tpu.memory_space<hbm>> -> memref<1x80x128xi32, #tpu.memory_space<hbm>>
      %dma_wait3A_55 = tpu.memref_squeeze %dma_wait3A_54 : memref<1x80x128xi32, #tpu.memory_space<hbm>> -> memref<80x128xi32, #tpu.memory_space<hbm>>
      tpu.wait_dma2 semaphore(%run_scoped3A_41 : memref<!tpu.dma_semaphore, #tpu.memory_space<semaphore_mem>>) src(%dma_wait3A_55 : memref<80x128xi32, #tpu.memory_space<hbm>>) dst(%arg7 : memref<80x128xi32, #tpu.memory_space<vmem>>)
      tpu.yield
    }) : () -> ()
    "tpu.region"() ({
      %run_scoped3A_41 = tpu.sem_alloc : memref<!tpu.dma_semaphore, #tpu.memory_space<semaphore_mem>>
      %dma_start3A = arith.constant 0 : i32
      %dma_start3A_42 = arith.constant 0 : i32
      %dma_start3A_43 = tpu.memref_slice %arg3[%add3A, %dma_start3A, %dma_start3A_42] : memref<32x80x128xi32, #tpu.memory_space<hbm>> -> memref<1x80x128xi32, #tpu.memory_space<hbm>>
      %dma_start3A_44 = tpu.memref_squeeze %dma_start3A_43 : memref<1x80x128xi32, #tpu.memory_space<hbm>> -> memref<80x128xi32, #tpu.memory_space<hbm>>
      %dma_start3A_45 = arith.constant 0 : i32
      %dma_start3A_46 = arith.constant 0 : i32
      %dma_start3A_47 = tpu.memref_slice %arg3[%add3A, %dma_start3A_45, %dma_start3A_46] : memref<32x80x128xi32, #tpu.memory_space<hbm>> -> memref<1x80x128xi32, #tpu.memory_space<hbm>>
      %dma_start3A_48 = tpu.memref_squeeze %dma_start3A_47 : memref<1x80x128xi32, #tpu.memory_space<hbm>> -> memref<80x128xi32, #tpu.memory_space<hbm>>
      tpu.enqueue_dma source(%dma_start3A_48 : memref<80x128xi32, #tpu.memory_space<hbm>>) target(%arg8 : memref<80x128xi32, #tpu.memory_space<vmem>>) target_semaphore(%run_scoped3A_41 : memref<!tpu.dma_semaphore, #tpu.memory_space<semaphore_mem>>)
      %dma_wait3A = arith.constant 0 : i32
      %dma_wait3A_49 = arith.constant 0 : i32
      %dma_wait3A_50 = tpu.memref_slice %arg3[%add3A, %dma_wait3A, %dma_wait3A_49] : memref<32x80x128xi32, #tpu.memory_space<hbm>> -> memref<1x80x128xi32, #tpu.memory_space<hbm>>
      %dma_wait3A_51 = tpu.memref_squeeze %dma_wait3A_50 : memref<1x80x128xi32, #tpu.memory_space<hbm>> -> memref<80x128xi32, #tpu.memory_space<hbm>>
      %dma_wait3A_52 = arith.constant 0 : i32
      %dma_wait3A_53 = arith.constant 0 : i32
      %dma_wait3A_54 = tpu.memref_slice %arg3[%add3A, %dma_wait3A_52, %dma_wait3A_53] : memref<32x80x128xi32, #tpu.memory_space<hbm>> -> memref<1x80x128xi32, #tpu.memory_space<hbm>>
      %dma_wait3A_55 = tpu.memref_squeeze %dma_wait3A_54 : memref<1x80x128xi32, #tpu.memory_space<hbm>> -> memref<80x128xi32, #tpu.memory_space<hbm>>
      tpu.wait_dma2 semaphore(%run_scoped3A_41 : memref<!tpu.dma_semaphore, #tpu.memory_space<semaphore_mem>>) src(%dma_wait3A_55 : memref<80x128xi32, #tpu.memory_space<hbm>>) dst(%arg8 : memref<80x128xi32, #tpu.memory_space<vmem>>)
      tpu.yield
    }) : () -> ()
    %scan3A_19 = arith.constant 0 : i32
    %scan3A_20 = arith.constant 0 : i32
    %scan3A_21 = arith.constant 8 : i32
    %scan3A_22 = arith.addi %scan3A_20, %scan3A_21 : i32
    %scan3A_23 = arith.constant 1 : i32
    scf.for %scan3A_41 = %scan3A_20 to %scan3A_22 step %scan3A_23  : i32 {
      %add3A_42 = arith.constant 0 : i32
      %add3A_43 = arith.addi %add3A_42, %scan3A_41 : i32
      %dma_start3A = arith.constant 0 : i32
      %dma_start3A_44 = tpu.memref_slice %arg7[%add3A_43, %dma_start3A] : memref<80x128xi32, #tpu.memory_space<vmem>> -> memref<1x128xi32, #tpu.memory_space<vmem>>
      %dma_start3A_45 = tpu.memref_squeeze %dma_start3A_44 : memref<1x128xi32, #tpu.memory_space<vmem>> -> memref<128xi32, #tpu.memory_space<vmem>>
      %dma_start3A_46 = arith.constant 0 : i32
      %dma_start3A_47 = tpu.memref_slice %arg5[%dma_start3A_46] : memref<10240xf32, #tpu.memory_space<vmem_shared>> -> memref<10240xf32, #tpu.memory_space<vmem_shared>>
      tpu.enqueue_indirect_dma source(%arg9 : memref<128xf32, #tpu.memory_space<vmem>>) target(%dma_start3A_47 : memref<10240xf32, #tpu.memory_space<vmem_shared>>) offsets(%dma_start3A_45 : memref<128xi32, #tpu.memory_space<vmem>>) semaphore(%arg11 : memref<!tpu.dma_semaphore, #tpu.memory_space<semaphore_mem>>) {add = true}
      %dma_start3A_48 = arith.constant 0 : i32
      %dma_start3A_49 = tpu.memref_slice %arg8[%add3A_43, %dma_start3A_48] : memref<80x128xi32, #tpu.memory_space<vmem>> -> memref<1x128xi32, #tpu.memory_space<vmem>>
      %dma_start3A_50 = tpu.memref_squeeze %dma_start3A_49 : memref<1x128xi32, #tpu.memory_space<vmem>> -> memref<128xi32, #tpu.memory_space<vmem>>
      %dma_start3A_51 = arith.constant 0 : i32
      %dma_start3A_52 = tpu.memref_slice %arg6[%dma_start3A_51] : memref<10240xf32, #tpu.memory_space<vmem_shared>> -> memref<10240xf32, #tpu.memory_space<vmem_shared>>
      tpu.enqueue_indirect_dma source(%arg9 : memref<128xf32, #tpu.memory_space<vmem>>) target(%dma_start3A_52 : memref<10240xf32, #tpu.memory_space<vmem_shared>>) offsets(%dma_start3A_50 : memref<128xi32, #tpu.memory_space<vmem>>) semaphore(%arg11 : memref<!tpu.dma_semaphore, #tpu.memory_space<semaphore_mem>>) {add = true}
    }
    %scan3A_24 = arith.constant 8 : i32
    %scan3A_25 = arith.constant 0 : i32
    %scan3A_26 = arith.constant 0 : i32
    %scan3A_27 = arith.constant 10 : i32
    %scan3A_28 = arith.addi %scan3A_26, %scan3A_27 : i32
    %scan3A_29 = arith.constant 1 : i32
    scf.for %scan3A_41 = %scan3A_26 to %scan3A_28 step %scan3A_29  : i32 {
      %add3A_42 = arith.constant 1 : i32
      %add3A_43 = arith.addi %scan3A_41, %add3A_42 : i32
      %lt3A = arith.constant 10 : i32
      %lt3A_44 = arith.cmpi slt, %add3A_43, %lt3A : i32
      %convert_element_type3A = arith.extui %lt3A_44 : i1 to i32
      %cond3A = arith.constant 0 : i32
      %cond3A_45 = arith.cmpi ne, %convert_element_type3A, %cond3A : i32
      scf.if %cond3A_45 {
        %add3A_52 = arith.constant 1 : i32
        %add3A_53 = arith.addi %scan3A_41, %add3A_52 : i32
        %scan3A_54 = arith.constant 0 : i32
        %scan3A_55 = arith.constant 0 : i32
        %scan3A_56 = arith.constant 8 : i32
        %scan3A_57 = arith.addi %scan3A_55, %scan3A_56 : i32
        %scan3A_58 = arith.constant 1 : i32
        scf.for %scan3A_60 = %scan3A_55 to %scan3A_57 step %scan3A_58  : i32 {
          %mul3A_61 = arith.constant 8 : i32
          %mul3A_62 = arith.muli %add3A_53, %mul3A_61 : i32
          %add3A_63 = arith.addi %mul3A_62, %scan3A_60 : i32
          %dma_start3A = arith.constant 0 : i32
          %dma_start3A_64 = tpu.memref_slice %arg7[%add3A_63, %dma_start3A] : memref<80x128xi32, #tpu.memory_space<vmem>> -> memref<1x128xi32, #tpu.memory_space<vmem>>
          %dma_start3A_65 = tpu.memref_squeeze %dma_start3A_64 : memref<1x128xi32, #tpu.memory_space<vmem>> -> memref<128xi32, #tpu.memory_space<vmem>>
          %dma_start3A_66 = arith.constant 0 : i32
          %dma_start3A_67 = tpu.memref_slice %arg5[%dma_start3A_66] : memref<10240xf32, #tpu.memory_space<vmem_shared>> -> memref<10240xf32, #tpu.memory_space<vmem_shared>>
          tpu.enqueue_indirect_dma source(%arg9 : memref<128xf32, #tpu.memory_space<vmem>>) target(%dma_start3A_67 : memref<10240xf32, #tpu.memory_space<vmem_shared>>) offsets(%dma_start3A_65 : memref<128xi32, #tpu.memory_space<vmem>>) semaphore(%arg11 : memref<!tpu.dma_semaphore, #tpu.memory_space<semaphore_mem>>) {add = true}
          %dma_start3A_68 = arith.constant 0 : i32
          %dma_start3A_69 = tpu.memref_slice %arg8[%add3A_63, %dma_start3A_68] : memref<80x128xi32, #tpu.memory_space<vmem>> -> memref<1x128xi32, #tpu.memory_space<vmem>>
          %dma_start3A_70 = tpu.memref_squeeze %dma_start3A_69 : memref<1x128xi32, #tpu.memory_space<vmem>> -> memref<128xi32, #tpu.memory_space<vmem>>
          %dma_start3A_71 = arith.constant 0 : i32
          %dma_start3A_72 = tpu.memref_slice %arg6[%dma_start3A_71] : memref<10240xf32, #tpu.memory_space<vmem_shared>> -> memref<10240xf32, #tpu.memory_space<vmem_shared>>
          tpu.enqueue_indirect_dma source(%arg9 : memref<128xf32, #tpu.memory_space<vmem>>) target(%dma_start3A_72 : memref<10240xf32, #tpu.memory_space<vmem_shared>>) offsets(%dma_start3A_70 : memref<128xi32, #tpu.memory_space<vmem>>) semaphore(%arg11 : memref<!tpu.dma_semaphore, #tpu.memory_space<semaphore_mem>>) {add = true}
        }
        %scan3A_59 = arith.constant 8 : i32
      } else {
      }
      %scan3A_46 = arith.constant 0 : i32
      %scan3A_47 = arith.constant 0 : i32
      %scan3A_48 = arith.constant 8 : i32
      %scan3A_49 = arith.addi %scan3A_47, %scan3A_48 : i32
      %scan3A_50 = arith.constant 1 : i32
      scf.for %scan3A_52 = %scan3A_47 to %scan3A_49 step %scan3A_50  : i32 {
        %mul3A_53 = arith.constant 8 : i32
        %mul3A_54 = arith.muli %scan3A_41, %mul3A_53 : i32
        %add3A_55 = arith.addi %mul3A_54, %scan3A_52 : i32
        %dma_wait3A = arith.constant 0 : i32
        %dma_wait3A_56 = tpu.memref_slice %arg7[%add3A_55, %dma_wait3A] : memref<80x128xi32, #tpu.memory_space<vmem>> -> memref<1x128xi32, #tpu.memory_space<vmem>>
        %dma_wait3A_57 = tpu.memref_squeeze %dma_wait3A_56 : memref<1x128xi32, #tpu.memory_space<vmem>> -> memref<128xi32, #tpu.memory_space<vmem>>
        %dma_wait3A_58 = arith.constant 0 : i32
        %dma_wait3A_59 = tpu.memref_slice %arg5[%dma_wait3A_58] : memref<10240xf32, #tpu.memory_space<vmem_shared>> -> memref<10240xf32, #tpu.memory_space<vmem_shared>>
        tpu.wait_indirect_dma semaphore(%arg11 : memref<!tpu.dma_semaphore, #tpu.memory_space<semaphore_mem>>) src(%arg9 : memref<128xf32, #tpu.memory_space<vmem>>) dst(%dma_wait3A_59 : memref<10240xf32, #tpu.memory_space<vmem_shared>>)
        %dma_wait3A_60 = arith.constant 0 : i32
        %dma_wait3A_61 = tpu.memref_slice %arg8[%add3A_55, %dma_wait3A_60] : memref<80x128xi32, #tpu.memory_space<vmem>> -> memref<1x128xi32, #tpu.memory_space<vmem>>
        %dma_wait3A_62 = tpu.memref_squeeze %dma_wait3A_61 : memref<1x128xi32, #tpu.memory_space<vmem>> -> memref<128xi32, #tpu.memory_space<vmem>>
        %dma_wait3A_63 = arith.constant 0 : i32
        %dma_wait3A_64 = tpu.memref_slice %arg6[%dma_wait3A_63] : memref<10240xf32, #tpu.memory_space<vmem_shared>> -> memref<10240xf32, #tpu.memory_space<vmem_shared>>
        tpu.wait_indirect_dma semaphore(%arg11 : memref<!tpu.dma_semaphore, #tpu.memory_space<semaphore_mem>>) src(%arg9 : memref<128xf32, #tpu.memory_space<vmem>>) dst(%dma_wait3A_64 : memref<10240xf32, #tpu.memory_space<vmem_shared>>)
      }
      %scan3A_51 = arith.constant 8 : i32
    }
    %scan3A_30 = arith.constant 10 : i32
    %barrier3A_31 = arith.constant 0 : index
    tpu.barrier barrier_id(%barrier3A_31)
    %mul3A_32 = arith.constant 640 : i32
    %mul3A_33 = arith.muli %arg1, %mul3A_32 : i32
    %mul3A_34 = arith.constant 640 : i32
    %mul3A_35 = arith.muli %arg1, %mul3A_34 : i32
    %run_scoped3A = arith.constant 0 : i32
    "tpu.region"() ({
      %run_scoped3A_41 = tpu.sem_alloc : memref<!tpu.dma_semaphore, #tpu.memory_space<semaphore_mem>>
      %dma_start3A = tpu.memref_slice %arg4[%arg0, %run_scoped3A, %mul3A_35] : memref<2x2x10240xf32, #tpu.memory_space<hbm>> -> memref<1x1x640xf32, #tpu.memory_space<hbm>>
      %dma_start3A_42 = tpu.memref_squeeze %dma_start3A : memref<1x1x640xf32, #tpu.memory_space<hbm>> -> memref<640xf32, #tpu.memory_space<hbm>>
      %dma_start3A_43 = tpu.memref_slice %arg5[%mul3A_33] : memref<10240xf32, #tpu.memory_space<vmem_shared>> -> memref<640xf32, #tpu.memory_space<vmem_shared>>
      tpu.enqueue_dma source(%dma_start3A_43 : memref<640xf32, #tpu.memory_space<vmem_shared>>) target(%dma_start3A_42 : memref<640xf32, #tpu.memory_space<hbm>>) target_semaphore(%run_scoped3A_41 : memref<!tpu.dma_semaphore, #tpu.memory_space<semaphore_mem>>)
      %dma_wait3A = tpu.memref_slice %arg4[%arg0, %run_scoped3A, %mul3A_35] : memref<2x2x10240xf32, #tpu.memory_space<hbm>> -> memref<1x1x640xf32, #tpu.memory_space<hbm>>
      %dma_wait3A_44 = tpu.memref_squeeze %dma_wait3A : memref<1x1x640xf32, #tpu.memory_space<hbm>> -> memref<640xf32, #tpu.memory_space<hbm>>
      %dma_wait3A_45 = tpu.memref_slice %arg5[%mul3A_33] : memref<10240xf32, #tpu.memory_space<vmem_shared>> -> memref<640xf32, #tpu.memory_space<vmem_shared>>
      tpu.wait_dma2 semaphore(%run_scoped3A_41 : memref<!tpu.dma_semaphore, #tpu.memory_space<semaphore_mem>>) src(%dma_wait3A_45 : memref<640xf32, #tpu.memory_space<vmem_shared>>) dst(%dma_wait3A_44 : memref<640xf32, #tpu.memory_space<hbm>>)
      tpu.yield
    }) : () -> ()
    %mul3A_36 = arith.constant 640 : i32
    %mul3A_37 = arith.muli %arg1, %mul3A_36 : i32
    %mul3A_38 = arith.constant 640 : i32
    %mul3A_39 = arith.muli %arg1, %mul3A_38 : i32
    %run_scoped3A_40 = arith.constant 1 : i32
    "tpu.region"() ({
      %run_scoped3A_41 = tpu.sem_alloc : memref<!tpu.dma_semaphore, #tpu.memory_space<semaphore_mem>>
      %dma_start3A = tpu.memref_slice %arg4[%arg0, %run_scoped3A_40, %mul3A_39] : memref<2x2x10240xf32, #tpu.memory_space<hbm>> -> memref<1x1x640xf32, #tpu.memory_space<hbm>>
      %dma_start3A_42 = tpu.memref_squeeze %dma_start3A : memref<1x1x640xf32, #tpu.memory_space<hbm>> -> memref<640xf32, #tpu.memory_space<hbm>>
      %dma_start3A_43 = tpu.memref_slice %arg6[%mul3A_37] : memref<10240xf32, #tpu.memory_space<vmem_shared>> -> memref<640xf32, #tpu.memory_space<vmem_shared>>
      tpu.enqueue_dma source(%dma_start3A_43 : memref<640xf32, #tpu.memory_space<vmem_shared>>) target(%dma_start3A_42 : memref<640xf32, #tpu.memory_space<hbm>>) target_semaphore(%run_scoped3A_41 : memref<!tpu.dma_semaphore, #tpu.memory_space<semaphore_mem>>)
      %dma_wait3A = tpu.memref_slice %arg4[%arg0, %run_scoped3A_40, %mul3A_39] : memref<2x2x10240xf32, #tpu.memory_space<hbm>> -> memref<1x1x640xf32, #tpu.memory_space<hbm>>
      %dma_wait3A_44 = tpu.memref_squeeze %dma_wait3A : memref<1x1x640xf32, #tpu.memory_space<hbm>> -> memref<640xf32, #tpu.memory_space<hbm>>
      %dma_wait3A_45 = tpu.memref_slice %arg6[%mul3A_37] : memref<10240xf32, #tpu.memory_space<vmem_shared>> -> memref<640xf32, #tpu.memory_space<vmem_shared>>
      tpu.wait_dma2 semaphore(%run_scoped3A_41 : memref<!tpu.dma_semaphore, #tpu.memory_space<semaphore_mem>>) src(%dma_wait3A_45 : memref<640xf32, #tpu.memory_space<vmem_shared>>) dst(%dma_wait3A_44 : memref<640xf32, #tpu.memory_space<hbm>>)
      tpu.yield
    }) : () -> ()
    return
  }
}

#map = affine_map<(d0, d1) -> (0, 0)>
#map1 = affine_map<(d0, d1) -> (0, 0, 0)>
module attributes {stable_mosaic.version = 14 : i64} {
  func.func @_agg_body(%arg0: i32, %arg1: i32, %arg2: memref<10000x128xf32, #tpu.memory_space<hbm>>, %arg3: memref<32x80x128xi32, #tpu.memory_space<hbm>>, %arg4: memref<32x80x128xi32, #tpu.memory_space<hbm>>, %arg5: memref<2x10000x128xf32, #tpu.memory_space<hbm>>, %arg6: memref<10064x128xf32, #tpu.memory_space<vmem_shared>>, %arg7: memref<80x128xi32, #tpu.memory_space<vmem>>, %arg8: memref<40x128xi32, #tpu.memory_space<vmem>>, %arg9: memref<128x128xf32, #tpu.memory_space<vmem>>, %arg10: memref<128x128xf32, #tpu.memory_space<vmem>>, %arg11: memref<!tpu.dma_semaphore, #tpu.memory_space<semaphore_mem>>, %arg12: memref<!tpu.dma_semaphore, #tpu.memory_space<semaphore_mem>>) attributes {dimension_semantics = [#tpu.dimension_semantics<core_parallel>, #tpu.dimension_semantics<subcore_parallel>], iteration_bounds = array<i64: 2, 16>, scalar_prefetch = 0 : i64, scratch_operands = 7 : i64, tpu.core_type = #tpu.core_type<sc_vector_subcore>, window_params = [{transform_indices = #map}, {transform_indices = #map1}, {transform_indices = #map1}, {transform_indices = #map1}]} {
    %mul3A = arith.constant 16 : i32
    %mul3A_0 = arith.muli %arg0, %mul3A : i32
    %add3A = arith.addi %mul3A_0, %arg1 : i32
    %broadcast_in_dim3A = arith.constant 0.000000e+00 : f32
    %broadcast_in_dim3A_1 = vector.broadcast %broadcast_in_dim3A : f32 to vector<16xf32>
    %scan3A = arith.constant 0 : i32
    %scan3A_2 = arith.constant 0 : i32
    %scan3A_3 = arith.constant 1024 : i32
    %scan3A_4 = arith.addi %scan3A_2, %scan3A_3 : i32
    %scan3A_5 = arith.constant 1 : i32
    scf.for %scan3A_201 = %scan3A_2 to %scan3A_4 step %scan3A_5  : i32 {
      %jit3A = arith.constant 8 : i32
      %div3A = arith.divsi %scan3A_201, %jit3A : i32
      %sign3A = arith.constant 0 : i32
      %sign3A_202 = arith.cmpi sgt, %scan3A_201, %sign3A : i32
      %sign3A_203 = arith.extui %sign3A_202 : i1 to i32
      %sign3A_204 = arith.constant 0 : i32
      %sign3A_205 = arith.cmpi slt, %scan3A_201, %sign3A_204 : i32
      %sign3A_206 = arith.extui %sign3A_205 : i1 to i32
      %sign3A_207 = arith.subi %sign3A_203, %sign3A_206 : i32
      %sign3A_208 = arith.constant 0 : i32
      %sign3A_209 = arith.cmpi sgt, %jit3A, %sign3A_208 : i32
      %sign3A_210 = arith.extui %sign3A_209 : i1 to i32
      %sign3A_211 = arith.constant 0 : i32
      %sign3A_212 = arith.cmpi slt, %jit3A, %sign3A_211 : i32
      %sign3A_213 = arith.extui %sign3A_212 : i1 to i32
      %sign3A_214 = arith.subi %sign3A_210, %sign3A_213 : i32
      %ne3A = arith.cmpi ne, %sign3A_207, %sign3A_214 : i32
      %rem3A = arith.remsi %scan3A_201, %jit3A : i32
      %ne3A_215 = arith.constant 0 : i32
      %ne3A_216 = arith.cmpi ne, %rem3A, %ne3A_215 : i32
      %and3A = arith.andi %ne3A, %ne3A_216 : i1
      %sub3A_217 = arith.constant 1 : i32
      %sub3A_218 = arith.subi %div3A, %sub3A_217 : i32
      %select_n3A = arith.select %and3A, %sub3A_218, %div3A : i32
      %jit3A_219 = arith.constant 8 : i32
      %eq3A_220 = arith.constant 0 : i32
      %eq3A_221 = arith.cmpi eq, %jit3A_219, %eq3A_220 : i32
      %jit3A_222 = arith.constant 1 : i32
      %select_n3A_223 = arith.select %eq3A_221, %jit3A_222, %jit3A_219 : i32
      %rem3A_224 = arith.remsi %scan3A_201, %select_n3A_223 : i32
      %ne3A_225 = arith.constant 0 : i32
      %ne3A_226 = arith.cmpi ne, %rem3A_224, %ne3A_225 : i32
      %lt3A = arith.constant 0 : i32
      %lt3A_227 = arith.cmpi slt, %rem3A_224, %lt3A : i32
      %lt3A_228 = arith.constant 0 : i32
      %lt3A_229 = arith.cmpi slt, %select_n3A_223, %lt3A_228 : i32
      %ne3A_230 = arith.xori %lt3A_227, %lt3A_229 : i1
      %and3A_231 = arith.andi %ne3A_230, %ne3A_226 : i1
      %add3A_232 = arith.addi %rem3A_224, %select_n3A_223 : i32
      %select_n3A_233 = arith.select %and3A_231, %add3A_232, %rem3A_224 : i32
      %mul3A_234 = arith.constant 16 : i32
      %mul3A_235 = arith.muli %select_n3A_233, %mul3A_234 : i32
      %swap3A = arith.index_cast %select_n3A : i32 to index
      %swap3A_236 = arith.index_cast %mul3A_235 : i32 to index
      %swap3A_237 = tpu.vector_load %arg9[%swap3A, %swap3A_236] {strides = array<i32>} : memref<128x128xf32, #tpu.memory_space<vmem>>, vector<1x16xf32>,
      %swap3A_238 = vector.shape_cast %swap3A_237 : vector<1x16xf32> to vector<16xf32>
      %swap3A_239 = vector.shape_cast %broadcast_in_dim3A_1 : vector<16xf32> to vector<1x16xf32>
      tpu.vector_store %arg9[%swap3A, %swap3A_236], %swap3A_239 {strides = array<i32>} : memref<128x128xf32, #tpu.memory_space<vmem>>, vector<1x16xf32>,
    }
    %scan3A_6 = arith.constant 1024 : i32
    %dma_start3A = arith.constant 0 : i32
    %dma_start3A_7 = arith.constant 0 : i32
    %dma_start3A_8 = tpu.memref_slice %arg3[%add3A, %dma_start3A, %dma_start3A_7] : memref<32x80x128xi32, #tpu.memory_space<hbm>> -> memref<1x80x128xi32, #tpu.memory_space<hbm>>
    %dma_start3A_9 = tpu.memref_squeeze %dma_start3A_8 : memref<1x80x128xi32, #tpu.memory_space<hbm>> -> memref<80x128xi32, #tpu.memory_space<hbm>>
    %dma_start3A_10 = arith.constant 0 : i32
    %dma_start3A_11 = arith.constant 0 : i32
    %dma_start3A_12 = tpu.memref_slice %arg3[%add3A, %dma_start3A_10, %dma_start3A_11] : memref<32x80x128xi32, #tpu.memory_space<hbm>> -> memref<1x80x128xi32, #tpu.memory_space<hbm>>
    %dma_start3A_13 = tpu.memref_squeeze %dma_start3A_12 : memref<1x80x128xi32, #tpu.memory_space<hbm>> -> memref<80x128xi32, #tpu.memory_space<hbm>>
    tpu.enqueue_dma source(%dma_start3A_13 : memref<80x128xi32, #tpu.memory_space<hbm>>) target(%arg7 : memref<80x128xi32, #tpu.memory_space<vmem>>) target_semaphore(%arg12 : memref<!tpu.dma_semaphore, #tpu.memory_space<semaphore_mem>>)
    %dma_start3A_14 = arith.constant 0 : i32
    %dma_start3A_15 = arith.constant 0 : i32
    %dma_start3A_16 = tpu.memref_slice %arg4[%add3A, %dma_start3A_14, %dma_start3A_15] : memref<32x80x128xi32, #tpu.memory_space<hbm>> -> memref<1x40x128xi32, #tpu.memory_space<hbm>>
    %dma_start3A_17 = tpu.memref_squeeze %dma_start3A_16 : memref<1x40x128xi32, #tpu.memory_space<hbm>> -> memref<40x128xi32, #tpu.memory_space<hbm>>
    %dma_start3A_18 = arith.constant 0 : i32
    %dma_start3A_19 = arith.constant 0 : i32
    %dma_start3A_20 = tpu.memref_slice %arg4[%add3A, %dma_start3A_18, %dma_start3A_19] : memref<32x80x128xi32, #tpu.memory_space<hbm>> -> memref<1x40x128xi32, #tpu.memory_space<hbm>>
    %dma_start3A_21 = tpu.memref_squeeze %dma_start3A_20 : memref<1x40x128xi32, #tpu.memory_space<hbm>> -> memref<40x128xi32, #tpu.memory_space<hbm>>
    tpu.enqueue_dma source(%dma_start3A_21 : memref<40x128xi32, #tpu.memory_space<hbm>>) target(%arg8 : memref<40x128xi32, #tpu.memory_space<vmem>>) target_semaphore(%arg12 : memref<!tpu.dma_semaphore, #tpu.memory_space<semaphore_mem>>)
    %mul3A_22 = arith.constant 624 : i32
    %mul3A_23 = arith.muli %arg1, %mul3A_22 : i32
    %add3A_24 = arith.constant 0 : i32
    %add3A_25 = arith.addi %mul3A_23, %add3A_24 : i32
    %dma_start3A_26 = arith.constant 0 : i32
    %dma_start3A_27 = tpu.memref_slice %arg6[%add3A_25, %dma_start3A_26] : memref<10064x128xf32, #tpu.memory_space<vmem_shared>> -> memref<128x128xf32, #tpu.memory_space<vmem_shared>>
    %dma_start3A_28 = arith.constant 0 : i32
    %dma_start3A_29 = tpu.memref_slice %arg6[%add3A_25, %dma_start3A_28] : memref<10064x128xf32, #tpu.memory_space<vmem_shared>> -> memref<128x128xf32, #tpu.memory_space<vmem_shared>>
    tpu.enqueue_dma source(%arg9 : memref<128x128xf32, #tpu.memory_space<vmem>>) target(%dma_start3A_29 : memref<128x128xf32, #tpu.memory_space<vmem_shared>>) target_semaphore(%arg11 : memref<!tpu.dma_semaphore, #tpu.memory_space<semaphore_mem>>)
    %mul3A_30 = arith.constant 624 : i32
    %mul3A_31 = arith.muli %arg1, %mul3A_30 : i32
    %add3A_32 = arith.constant 128 : i32
    %add3A_33 = arith.addi %mul3A_31, %add3A_32 : i32
    %dma_start3A_34 = arith.constant 0 : i32
    %dma_start3A_35 = tpu.memref_slice %arg6[%add3A_33, %dma_start3A_34] : memref<10064x128xf32, #tpu.memory_space<vmem_shared>> -> memref<128x128xf32, #tpu.memory_space<vmem_shared>>
    %dma_start3A_36 = arith.constant 0 : i32
    %dma_start3A_37 = tpu.memref_slice %arg6[%add3A_33, %dma_start3A_36] : memref<10064x128xf32, #tpu.memory_space<vmem_shared>> -> memref<128x128xf32, #tpu.memory_space<vmem_shared>>
    tpu.enqueue_dma source(%arg9 : memref<128x128xf32, #tpu.memory_space<vmem>>) target(%dma_start3A_37 : memref<128x128xf32, #tpu.memory_space<vmem_shared>>) target_semaphore(%arg11 : memref<!tpu.dma_semaphore, #tpu.memory_space<semaphore_mem>>)
    %mul3A_38 = arith.constant 624 : i32
    %mul3A_39 = arith.muli %arg1, %mul3A_38 : i32
    %add3A_40 = arith.constant 256 : i32
    %add3A_41 = arith.addi %mul3A_39, %add3A_40 : i32
    %dma_start3A_42 = arith.constant 0 : i32
    %dma_start3A_43 = tpu.memref_slice %arg6[%add3A_41, %dma_start3A_42] : memref<10064x128xf32, #tpu.memory_space<vmem_shared>> -> memref<128x128xf32, #tpu.memory_space<vmem_shared>>
    %dma_start3A_44 = arith.constant 0 : i32
    %dma_start3A_45 = tpu.memref_slice %arg6[%add3A_41, %dma_start3A_44] : memref<10064x128xf32, #tpu.memory_space<vmem_shared>> -> memref<128x128xf32, #tpu.memory_space<vmem_shared>>
    tpu.enqueue_dma source(%arg9 : memref<128x128xf32, #tpu.memory_space<vmem>>) target(%dma_start3A_45 : memref<128x128xf32, #tpu.memory_space<vmem_shared>>) target_semaphore(%arg11 : memref<!tpu.dma_semaphore, #tpu.memory_space<semaphore_mem>>)
    %mul3A_46 = arith.constant 624 : i32
    %mul3A_47 = arith.muli %arg1, %mul3A_46 : i32
    %add3A_48 = arith.constant 384 : i32
    %add3A_49 = arith.addi %mul3A_47, %add3A_48 : i32
    %dma_start3A_50 = arith.constant 0 : i32
    %dma_start3A_51 = tpu.memref_slice %arg6[%add3A_49, %dma_start3A_50] : memref<10064x128xf32, #tpu.memory_space<vmem_shared>> -> memref<128x128xf32, #tpu.memory_space<vmem_shared>>
    %dma_start3A_52 = arith.constant 0 : i32
    %dma_start3A_53 = tpu.memref_slice %arg6[%add3A_49, %dma_start3A_52] : memref<10064x128xf32, #tpu.memory_space<vmem_shared>> -> memref<128x128xf32, #tpu.memory_space<vmem_shared>>
    tpu.enqueue_dma source(%arg9 : memref<128x128xf32, #tpu.memory_space<vmem>>) target(%dma_start3A_53 : memref<128x128xf32, #tpu.memory_space<vmem_shared>>) target_semaphore(%arg11 : memref<!tpu.dma_semaphore, #tpu.memory_space<semaphore_mem>>)
    %mul3A_54 = arith.constant 624 : i32
    %mul3A_55 = arith.muli %arg1, %mul3A_54 : i32
    %add3A_56 = arith.constant 624 : i32
    %add3A_57 = arith.addi %mul3A_55, %add3A_56 : i32
    %sub3A = arith.constant 112 : i32
    %sub3A_58 = arith.subi %add3A_57, %sub3A : i32
    %dma_start3A_59 = arith.constant 0 : i32
    %dma_start3A_60 = arith.constant 0 : i32
    %dma_start3A_61 = tpu.memref_slice %arg9[%dma_start3A_59, %dma_start3A_60] : memref<128x128xf32, #tpu.memory_space<vmem>> -> memref<112x128xf32, #tpu.memory_space<vmem>>
    %dma_start3A_62 = arith.constant 0 : i32
    %dma_start3A_63 = tpu.memref_slice %arg6[%sub3A_58, %dma_start3A_62] : memref<10064x128xf32, #tpu.memory_space<vmem_shared>> -> memref<112x128xf32, #tpu.memory_space<vmem_shared>>
    %dma_start3A_64 = arith.constant 0 : i32
    %dma_start3A_65 = tpu.memref_slice %arg6[%sub3A_58, %dma_start3A_64] : memref<10064x128xf32, #tpu.memory_space<vmem_shared>> -> memref<112x128xf32, #tpu.memory_space<vmem_shared>>
    %dma_start3A_66 = arith.constant 0 : i32
    %dma_start3A_67 = arith.constant 0 : i32
    %dma_start3A_68 = tpu.memref_slice %arg9[%dma_start3A_66, %dma_start3A_67] : memref<128x128xf32, #tpu.memory_space<vmem>> -> memref<112x128xf32, #tpu.memory_space<vmem>>
    tpu.enqueue_dma source(%dma_start3A_68 : memref<112x128xf32, #tpu.memory_space<vmem>>) target(%dma_start3A_65 : memref<112x128xf32, #tpu.memory_space<vmem_shared>>) target_semaphore(%arg11 : memref<!tpu.dma_semaphore, #tpu.memory_space<semaphore_mem>>)
    %eq3A = arith.constant 0 : i32
    %eq3A_69 = arith.cmpi eq, %arg1, %eq3A : i32
    %convert_element_type3A = arith.extui %eq3A_69 : i1 to i32
    %cond3A = arith.constant 0 : i32
    %cond3A_70 = arith.cmpi ne, %convert_element_type3A, %cond3A : i32
    scf.if %cond3A_70 {
      %dma_start3A_201 = arith.constant 0 : i32
      %dma_start3A_202 = arith.constant 0 : i32
      %dma_start3A_203 = tpu.memref_slice %arg9[%dma_start3A_201, %dma_start3A_202] : memref<128x128xf32, #tpu.memory_space<vmem>> -> memref<80x128xf32, #tpu.memory_space<vmem>>
      %dma_start3A_204 = arith.constant 9984 : i32
      %dma_start3A_205 = arith.constant 0 : i32
      %dma_start3A_206 = tpu.memref_slice %arg6[%dma_start3A_204, %dma_start3A_205] : memref<10064x128xf32, #tpu.memory_space<vmem_shared>> -> memref<80x128xf32, #tpu.memory_space<vmem_shared>>
      %dma_start3A_207 = arith.constant 9984 : i32
      %dma_start3A_208 = arith.constant 0 : i32
      %dma_start3A_209 = tpu.memref_slice %arg6[%dma_start3A_207, %dma_start3A_208] : memref<10064x128xf32, #tpu.memory_space<vmem_shared>> -> memref<80x128xf32, #tpu.memory_space<vmem_shared>>
      %dma_start3A_210 = arith.constant 0 : i32
      %dma_start3A_211 = arith.constant 0 : i32
      %dma_start3A_212 = tpu.memref_slice %arg9[%dma_start3A_210, %dma_start3A_211] : memref<128x128xf32, #tpu.memory_space<vmem>> -> memref<80x128xf32, #tpu.memory_space<vmem>>
      tpu.enqueue_dma source(%dma_start3A_212 : memref<80x128xf32, #tpu.memory_space<vmem>>) target(%dma_start3A_209 : memref<80x128xf32, #tpu.memory_space<vmem_shared>>) target_semaphore(%arg11 : memref<!tpu.dma_semaphore, #tpu.memory_space<semaphore_mem>>)
    } else {
    }
    %mul3A_71 = arith.constant 624 : i32
    %mul3A_72 = arith.muli %arg1, %mul3A_71 : i32
    %add3A_73 = arith.constant 0 : i32
    %add3A_74 = arith.addi %mul3A_72, %add3A_73 : i32
    %dma_wait3A = arith.constant 0 : i32
    %dma_wait3A_75 = tpu.memref_slice %arg6[%add3A_74, %dma_wait3A] : memref<10064x128xf32, #tpu.memory_space<vmem_shared>> -> memref<128x128xf32, #tpu.memory_space<vmem_shared>>
    %dma_wait3A_76 = arith.constant 0 : i32
    %dma_wait3A_77 = tpu.memref_slice %arg6[%add3A_74, %dma_wait3A_76] : memref<10064x128xf32, #tpu.memory_space<vmem_shared>> -> memref<128x128xf32, #tpu.memory_space<vmem_shared>>
    tpu.wait_dma2 semaphore(%arg11 : memref<!tpu.dma_semaphore, #tpu.memory_space<semaphore_mem>>) src(%arg9 : memref<128x128xf32, #tpu.memory_space<vmem>>) dst(%dma_wait3A_77 : memref<128x128xf32, #tpu.memory_space<vmem_shared>>)
    %mul3A_78 = arith.constant 624 : i32
    %mul3A_79 = arith.muli %arg1, %mul3A_78 : i32
    %add3A_80 = arith.constant 128 : i32
    %add3A_81 = arith.addi %mul3A_79, %add3A_80 : i32
    %dma_wait3A_82 = arith.constant 0 : i32
    %dma_wait3A_83 = tpu.memref_slice %arg6[%add3A_81, %dma_wait3A_82] : memref<10064x128xf32, #tpu.memory_space<vmem_shared>> -> memref<128x128xf32, #tpu.memory_space<vmem_shared>>
    %dma_wait3A_84 = arith.constant 0 : i32
    %dma_wait3A_85 = tpu.memref_slice %arg6[%add3A_81, %dma_wait3A_84] : memref<10064x128xf32, #tpu.memory_space<vmem_shared>> -> memref<128x128xf32, #tpu.memory_space<vmem_shared>>
    tpu.wait_dma2 semaphore(%arg11 : memref<!tpu.dma_semaphore, #tpu.memory_space<semaphore_mem>>) src(%arg9 : memref<128x128xf32, #tpu.memory_space<vmem>>) dst(%dma_wait3A_85 : memref<128x128xf32, #tpu.memory_space<vmem_shared>>)
    %mul3A_86 = arith.constant 624 : i32
    %mul3A_87 = arith.muli %arg1, %mul3A_86 : i32
    %add3A_88 = arith.constant 256 : i32
    %add3A_89 = arith.addi %mul3A_87, %add3A_88 : i32
    %dma_wait3A_90 = arith.constant 0 : i32
    %dma_wait3A_91 = tpu.memref_slice %arg6[%add3A_89, %dma_wait3A_90] : memref<10064x128xf32, #tpu.memory_space<vmem_shared>> -> memref<128x128xf32, #tpu.memory_space<vmem_shared>>
    %dma_wait3A_92 = arith.constant 0 : i32
    %dma_wait3A_93 = tpu.memref_slice %arg6[%add3A_89, %dma_wait3A_92] : memref<10064x128xf32, #tpu.memory_space<vmem_shared>> -> memref<128x128xf32, #tpu.memory_space<vmem_shared>>
    tpu.wait_dma2 semaphore(%arg11 : memref<!tpu.dma_semaphore, #tpu.memory_space<semaphore_mem>>) src(%arg9 : memref<128x128xf32, #tpu.memory_space<vmem>>) dst(%dma_wait3A_93 : memref<128x128xf32, #tpu.memory_space<vmem_shared>>)
    %mul3A_94 = arith.constant 624 : i32
    %mul3A_95 = arith.muli %arg1, %mul3A_94 : i32
    %add3A_96 = arith.constant 384 : i32
    %add3A_97 = arith.addi %mul3A_95, %add3A_96 : i32
    %dma_wait3A_98 = arith.constant 0 : i32
    %dma_wait3A_99 = tpu.memref_slice %arg6[%add3A_97, %dma_wait3A_98] : memref<10064x128xf32, #tpu.memory_space<vmem_shared>> -> memref<128x128xf32, #tpu.memory_space<vmem_shared>>
    %dma_wait3A_100 = arith.constant 0 : i32
    %dma_wait3A_101 = tpu.memref_slice %arg6[%add3A_97, %dma_wait3A_100] : memref<10064x128xf32, #tpu.memory_space<vmem_shared>> -> memref<128x128xf32, #tpu.memory_space<vmem_shared>>
    tpu.wait_dma2 semaphore(%arg11 : memref<!tpu.dma_semaphore, #tpu.memory_space<semaphore_mem>>) src(%arg9 : memref<128x128xf32, #tpu.memory_space<vmem>>) dst(%dma_wait3A_101 : memref<128x128xf32, #tpu.memory_space<vmem_shared>>)
    %mul3A_102 = arith.constant 624 : i32
    %mul3A_103 = arith.muli %arg1, %mul3A_102 : i32
    %add3A_104 = arith.constant 624 : i32
    %add3A_105 = arith.addi %mul3A_103, %add3A_104 : i32
    %sub3A_106 = arith.constant 112 : i32
    %sub3A_107 = arith.subi %add3A_105, %sub3A_106 : i32
    %dma_wait3A_108 = arith.constant 0 : i32
    %dma_wait3A_109 = arith.constant 0 : i32
    %dma_wait3A_110 = tpu.memref_slice %arg9[%dma_wait3A_108, %dma_wait3A_109] : memref<128x128xf32, #tpu.memory_space<vmem>> -> memref<112x128xf32, #tpu.memory_space<vmem>>
    %dma_wait3A_111 = arith.constant 0 : i32
    %dma_wait3A_112 = tpu.memref_slice %arg6[%sub3A_107, %dma_wait3A_111] : memref<10064x128xf32, #tpu.memory_space<vmem_shared>> -> memref<112x128xf32, #tpu.memory_space<vmem_shared>>
    %dma_wait3A_113 = arith.constant 0 : i32
    %dma_wait3A_114 = tpu.memref_slice %arg6[%sub3A_107, %dma_wait3A_113] : memref<10064x128xf32, #tpu.memory_space<vmem_shared>> -> memref<112x128xf32, #tpu.memory_space<vmem_shared>>
    %dma_wait3A_115 = arith.constant 0 : i32
    %dma_wait3A_116 = arith.constant 0 : i32
    %dma_wait3A_117 = tpu.memref_slice %arg9[%dma_wait3A_115, %dma_wait3A_116] : memref<128x128xf32, #tpu.memory_space<vmem>> -> memref<112x128xf32, #tpu.memory_space<vmem>>
    tpu.wait_dma2 semaphore(%arg11 : memref<!tpu.dma_semaphore, #tpu.memory_space<semaphore_mem>>) src(%dma_wait3A_117 : memref<112x128xf32, #tpu.memory_space<vmem>>) dst(%dma_wait3A_114 : memref<112x128xf32, #tpu.memory_space<vmem_shared>>)
    %eq3A_118 = arith.constant 0 : i32
    %eq3A_119 = arith.cmpi eq, %arg1, %eq3A_118 : i32
    %convert_element_type3A_120 = arith.extui %eq3A_119 : i1 to i32
    %cond3A_121 = arith.constant 0 : i32
    %cond3A_122 = arith.cmpi ne, %convert_element_type3A_120, %cond3A_121 : i32
    scf.if %cond3A_122 {
      %dma_wait3A_201 = arith.constant 0 : i32
      %dma_wait3A_202 = arith.constant 0 : i32
      %dma_wait3A_203 = tpu.memref_slice %arg9[%dma_wait3A_201, %dma_wait3A_202] : memref<128x128xf32, #tpu.memory_space<vmem>> -> memref<80x128xf32, #tpu.memory_space<vmem>>
      %dma_wait3A_204 = arith.constant 9984 : i32
      %dma_wait3A_205 = arith.constant 0 : i32
      %dma_wait3A_206 = tpu.memref_slice %arg6[%dma_wait3A_204, %dma_wait3A_205] : memref<10064x128xf32, #tpu.memory_space<vmem_shared>> -> memref<80x128xf32, #tpu.memory_space<vmem_shared>>
      %dma_wait3A_207 = arith.constant 9984 : i32
      %dma_wait3A_208 = arith.constant 0 : i32
      %dma_wait3A_209 = tpu.memref_slice %arg6[%dma_wait3A_207, %dma_wait3A_208] : memref<10064x128xf32, #tpu.memory_space<vmem_shared>> -> memref<80x128xf32, #tpu.memory_space<vmem_shared>>
      %dma_wait3A_210 = arith.constant 0 : i32
      %dma_wait3A_211 = arith.constant 0 : i32
      %dma_wait3A_212 = tpu.memref_slice %arg9[%dma_wait3A_210, %dma_wait3A_211] : memref<128x128xf32, #tpu.memory_space<vmem>> -> memref<80x128xf32, #tpu.memory_space<vmem>>
      tpu.wait_dma2 semaphore(%arg11 : memref<!tpu.dma_semaphore, #tpu.memory_space<semaphore_mem>>) src(%dma_wait3A_212 : memref<80x128xf32, #tpu.memory_space<vmem>>) dst(%dma_wait3A_209 : memref<80x128xf32, #tpu.memory_space<vmem_shared>>)
    } else {
    }
    %dma_wait3A_123 = arith.constant 0 : i32
    %dma_wait3A_124 = arith.constant 0 : i32
    %dma_wait3A_125 = tpu.memref_slice %arg3[%add3A, %dma_wait3A_123, %dma_wait3A_124] : memref<32x80x128xi32, #tpu.memory_space<hbm>> -> memref<1x80x128xi32, #tpu.memory_space<hbm>>
    %dma_wait3A_126 = tpu.memref_squeeze %dma_wait3A_125 : memref<1x80x128xi32, #tpu.memory_space<hbm>> -> memref<80x128xi32, #tpu.memory_space<hbm>>
    %dma_wait3A_127 = arith.constant 0 : i32
    %dma_wait3A_128 = arith.constant 0 : i32
    %dma_wait3A_129 = tpu.memref_slice %arg3[%add3A, %dma_wait3A_127, %dma_wait3A_128] : memref<32x80x128xi32, #tpu.memory_space<hbm>> -> memref<1x80x128xi32, #tpu.memory_space<hbm>>
    %dma_wait3A_130 = tpu.memref_squeeze %dma_wait3A_129 : memref<1x80x128xi32, #tpu.memory_space<hbm>> -> memref<80x128xi32, #tpu.memory_space<hbm>>
    tpu.wait_dma2 semaphore(%arg12 : memref<!tpu.dma_semaphore, #tpu.memory_space<semaphore_mem>>) src(%dma_wait3A_130 : memref<80x128xi32, #tpu.memory_space<hbm>>) dst(%arg7 : memref<80x128xi32, #tpu.memory_space<vmem>>)
    %dma_wait3A_131 = arith.constant 0 : i32
    %dma_wait3A_132 = arith.constant 0 : i32
    %dma_wait3A_133 = tpu.memref_slice %arg4[%add3A, %dma_wait3A_131, %dma_wait3A_132] : memref<32x80x128xi32, #tpu.memory_space<hbm>> -> memref<1x40x128xi32, #tpu.memory_space<hbm>>
    %dma_wait3A_134 = tpu.memref_squeeze %dma_wait3A_133 : memref<1x40x128xi32, #tpu.memory_space<hbm>> -> memref<40x128xi32, #tpu.memory_space<hbm>>
    %dma_wait3A_135 = arith.constant 0 : i32
    %dma_wait3A_136 = arith.constant 0 : i32
    %dma_wait3A_137 = tpu.memref_slice %arg4[%add3A, %dma_wait3A_135, %dma_wait3A_136] : memref<32x80x128xi32, #tpu.memory_space<hbm>> -> memref<1x40x128xi32, #tpu.memory_space<hbm>>
    %dma_wait3A_138 = tpu.memref_squeeze %dma_wait3A_137 : memref<1x40x128xi32, #tpu.memory_space<hbm>> -> memref<40x128xi32, #tpu.memory_space<hbm>>
    tpu.wait_dma2 semaphore(%arg12 : memref<!tpu.dma_semaphore, #tpu.memory_space<semaphore_mem>>) src(%dma_wait3A_138 : memref<40x128xi32, #tpu.memory_space<hbm>>) dst(%arg8 : memref<40x128xi32, #tpu.memory_space<vmem>>)
    %barrier3A = arith.constant 0 : index
    tpu.barrier barrier_id(%barrier3A)
    %dma_start3A_139 = arith.constant 0 : i32
    %dma_start3A_140 = arith.constant 0 : i32
    %dma_start3A_141 = arith.constant 0 : i32
    %dma_start3A_142 = tpu.memref_slice %arg9[%dma_start3A_140, %dma_start3A_141] : memref<128x128xf32, #tpu.memory_space<vmem>> -> memref<64x128xf32, #tpu.memory_space<vmem>>
    %dma_start3A_143 = arith.constant 0 : i32
    %dma_start3A_144 = tpu.memref_slice %arg7[%dma_start3A_139, %dma_start3A_143] : memref<80x128xi32, #tpu.memory_space<vmem>> -> memref<1x64xi32, #tpu.memory_space<vmem>>
    %dma_start3A_145 = tpu.memref_squeeze %dma_start3A_144 : memref<1x64xi32, #tpu.memory_space<vmem>> -> memref<64xi32, #tpu.memory_space<vmem>>
    %dma_start3A_146 = arith.constant 0 : i32
    %dma_start3A_147 = arith.constant 0 : i32
    %dma_start3A_148 = tpu.memref_slice %arg2[%dma_start3A_146, %dma_start3A_147] : memref<10000x128xf32, #tpu.memory_space<hbm>> -> memref<10000x128xf32, #tpu.memory_space<hbm>>
    tpu.enqueue_indirect_dma source(%dma_start3A_148 : memref<10000x128xf32, #tpu.memory_space<hbm>>) target(%dma_start3A_142 : memref<64x128xf32, #tpu.memory_space<vmem>>) offsets(%dma_start3A_145 : memref<64xi32, #tpu.memory_space<vmem>>) semaphore(%arg11 : memref<!tpu.dma_semaphore, #tpu.memory_space<semaphore_mem>>)
    %dma_start3A_149 = arith.constant 0 : i32
    %dma_start3A_150 = arith.constant 64 : i32
    %dma_start3A_151 = arith.constant 0 : i32
    %dma_start3A_152 = tpu.memref_slice %arg9[%dma_start3A_150, %dma_start3A_151] : memref<128x128xf32, #tpu.memory_space<vmem>> -> memref<64x128xf32, #tpu.memory_space<vmem>>
    %dma_start3A_153 = arith.constant 64 : i32
    %dma_start3A_154 = tpu.memref_slice %arg7[%dma_start3A_149, %dma_start3A_153] : memref<80x128xi32, #tpu.memory_space<vmem>> -> memref<1x64xi32, #tpu.memory_space<vmem>>
    %dma_start3A_155 = tpu.memref_squeeze %dma_start3A_154 : memref<1x64xi32, #tpu.memory_space<vmem>> -> memref<64xi32, #tpu.memory_space<vmem>>
    %dma_start3A_156 = arith.constant 0 : i32
    %dma_start3A_157 = arith.constant 0 : i32
    %dma_start3A_158 = tpu.memref_slice %arg2[%dma_start3A_156, %dma_start3A_157] : memref<10000x128xf32, #tpu.memory_space<hbm>> -> memref<10000x128xf32, #tpu.memory_space<hbm>>
    tpu.enqueue_indirect_dma source(%dma_start3A_158 : memref<10000x128xf32, #tpu.memory_space<hbm>>) target(%dma_start3A_152 : memref<64x128xf32, #tpu.memory_space<vmem>>) offsets(%dma_start3A_155 : memref<64xi32, #tpu.memory_space<vmem>>) semaphore(%arg11 : memref<!tpu.dma_semaphore, #tpu.memory_space<semaphore_mem>>)
    %dma_start3A_159 = arith.constant 1 : i32
    %dma_start3A_160 = arith.constant 0 : i32
    %dma_start3A_161 = arith.constant 0 : i32
    %dma_start3A_162 = tpu.memref_slice %arg10[%dma_start3A_160, %dma_start3A_161] : memref<128x128xf32, #tpu.memory_space<vmem>> -> memref<64x128xf32, #tpu.memory_space<vmem>>
    %dma_start3A_163 = arith.constant 0 : i32
    %dma_start3A_164 = tpu.memref_slice %arg7[%dma_start3A_159, %dma_start3A_163] : memref<80x128xi32, #tpu.memory_space<vmem>> -> memref<1x64xi32, #tpu.memory_space<vmem>>
    %dma_start3A_165 = tpu.memref_squeeze %dma_start3A_164 : memref<1x64xi32, #tpu.memory_space<vmem>> -> memref<64xi32, #tpu.memory_space<vmem>>
    %dma_start3A_166 = arith.constant 0 : i32
    %dma_start3A_167 = arith.constant 0 : i32
    %dma_start3A_168 = tpu.memref_slice %arg2[%dma_start3A_166, %dma_start3A_167] : memref<10000x128xf32, #tpu.memory_space<hbm>> -> memref<10000x128xf32, #tpu.memory_space<hbm>>
    tpu.enqueue_indirect_dma source(%dma_start3A_168 : memref<10000x128xf32, #tpu.memory_space<hbm>>) target(%dma_start3A_162 : memref<64x128xf32, #tpu.memory_space<vmem>>) offsets(%dma_start3A_165 : memref<64xi32, #tpu.memory_space<vmem>>) semaphore(%arg12 : memref<!tpu.dma_semaphore, #tpu.memory_space<semaphore_mem>>)
    %dma_start3A_169 = arith.constant 1 : i32
    %dma_start3A_170 = arith.constant 64 : i32
    %dma_start3A_171 = arith.constant 0 : i32
    %dma_start3A_172 = tpu.memref_slice %arg10[%dma_start3A_170, %dma_start3A_171] : memref<128x128xf32, #tpu.memory_space<vmem>> -> memref<64x128xf32, #tpu.memory_space<vmem>>
    %dma_start3A_173 = arith.constant 64 : i32
    %dma_start3A_174 = tpu.memref_slice %arg7[%dma_start3A_169, %dma_start3A_173] : memref<80x128xi32, #tpu.memory_space<vmem>> -> memref<1x64xi32, #tpu.memory_space<vmem>>
    %dma_start3A_175 = tpu.memref_squeeze %dma_start3A_174 : memref<1x64xi32, #tpu.memory_space<vmem>> -> memref<64xi32, #tpu.memory_space<vmem>>
    %dma_start3A_176 = arith.constant 0 : i32
    %dma_start3A_177 = arith.constant 0 : i32
    %dma_start3A_178 = tpu.memref_slice %arg2[%dma_start3A_176, %dma_start3A_177] : memref<10000x128xf32, #tpu.memory_space<hbm>> -> memref<10000x128xf32, #tpu.memory_space<hbm>>
    tpu.enqueue_indirect_dma source(%dma_start3A_178 : memref<10000x128xf32, #tpu.memory_space<hbm>>) target(%dma_start3A_172 : memref<64x128xf32, #tpu.memory_space<vmem>>) offsets(%dma_start3A_175 : memref<64xi32, #tpu.memory_space<vmem>>) semaphore(%arg12 : memref<!tpu.dma_semaphore, #tpu.memory_space<semaphore_mem>>)
    %scan3A_179 = arith.constant 0 : i32
    %scan3A_180 = arith.constant 0 : i32
    %scan3A_181 = arith.constant 20 : i32
    %scan3A_182 = arith.addi %scan3A_180, %scan3A_181 : i32
    %scan3A_183 = arith.constant 1 : i32
    scf.for %scan3A_201 = %scan3A_180 to %scan3A_182 step %scan3A_183  : i32 {
      %mul3A_202 = arith.constant 2 : i32
      %mul3A_203 = arith.muli %mul3A_202, %scan3A_201 : i32
      %add3A_204 = arith.constant 0 : i32
      %add3A_205 = arith.addi %add3A_204, %mul3A_203 : i32
      %add3A_206 = arith.constant 0 : i32
      %add3A_207 = arith.addi %add3A_205, %add3A_206 : i32
      %dma_wait3A_208 = arith.constant 0 : i32
      %dma_wait3A_209 = arith.constant 0 : i32
      %dma_wait3A_210 = tpu.memref_slice %arg9[%dma_wait3A_208, %dma_wait3A_209] : memref<128x128xf32, #tpu.memory_space<vmem>> -> memref<64x128xf32, #tpu.memory_space<vmem>>
      %dma_wait3A_211 = arith.constant 0 : i32
      %dma_wait3A_212 = tpu.memref_slice %arg7[%add3A_207, %dma_wait3A_211] : memref<80x128xi32, #tpu.memory_space<vmem>> -> memref<1x64xi32, #tpu.memory_space<vmem>>
      %dma_wait3A_213 = tpu.memref_squeeze %dma_wait3A_212 : memref<1x64xi32, #tpu.memory_space<vmem>> -> memref<64xi32, #tpu.memory_space<vmem>>
      %dma_wait3A_214 = arith.constant 0 : i32
      %dma_wait3A_215 = arith.constant 0 : i32
      %dma_wait3A_216 = tpu.memref_slice %arg2[%dma_wait3A_214, %dma_wait3A_215] : memref<10000x128xf32, #tpu.memory_space<hbm>> -> memref<10000x128xf32, #tpu.memory_space<hbm>>
      tpu.wait_indirect_dma semaphore(%arg11 : memref<!tpu.dma_semaphore, #tpu.memory_space<semaphore_mem>>) src(%dma_wait3A_216 : memref<10000x128xf32, #tpu.memory_space<hbm>>) dst(%dma_wait3A_210 : memref<64x128xf32, #tpu.memory_space<vmem>>)
      %dma_wait3A_217 = arith.constant 64 : i32
      %dma_wait3A_218 = arith.constant 0 : i32
      %dma_wait3A_219 = tpu.memref_slice %arg9[%dma_wait3A_217, %dma_wait3A_218] : memref<128x128xf32, #tpu.memory_space<vmem>> -> memref<64x128xf32, #tpu.memory_space<vmem>>
      %dma_wait3A_220 = arith.constant 64 : i32
      %dma_wait3A_221 = tpu.memref_slice %arg7[%add3A_207, %dma_wait3A_220] : memref<80x128xi32, #tpu.memory_space<vmem>> -> memref<1x64xi32, #tpu.memory_space<vmem>>
      %dma_wait3A_222 = tpu.memref_squeeze %dma_wait3A_221 : memref<1x64xi32, #tpu.memory_space<vmem>> -> memref<64xi32, #tpu.memory_space<vmem>>
      %dma_wait3A_223 = arith.constant 0 : i32
      %dma_wait3A_224 = arith.constant 0 : i32
      %dma_wait3A_225 = tpu.memref_slice %arg2[%dma_wait3A_223, %dma_wait3A_224] : memref<10000x128xf32, #tpu.memory_space<hbm>> -> memref<10000x128xf32, #tpu.memory_space<hbm>>
      tpu.wait_indirect_dma semaphore(%arg11 : memref<!tpu.dma_semaphore, #tpu.memory_space<semaphore_mem>>) src(%dma_wait3A_225 : memref<10000x128xf32, #tpu.memory_space<hbm>>) dst(%dma_wait3A_219 : memref<64x128xf32, #tpu.memory_space<vmem>>)
      %sub3A_226 = arith.constant 0 : i32
      %sub3A_227 = arith.subi %add3A_207, %sub3A_226 : i32
      "tpu.region"() ({
        %run_scoped3A = tpu.sem_alloc : memref<!tpu.dma_semaphore, #tpu.memory_space<semaphore_mem>>
        %dma_start3A_267 = arith.constant 0 : i32
        %dma_start3A_268 = tpu.memref_slice %arg8[%sub3A_227, %dma_start3A_267] : memref<40x128xi32, #tpu.memory_space<vmem>> -> memref<1x128xi32, #tpu.memory_space<vmem>>
        %dma_start3A_269 = tpu.memref_squeeze %dma_start3A_268 : memref<1x128xi32, #tpu.memory_space<vmem>> -> memref<128xi32, #tpu.memory_space<vmem>>
        %dma_start3A_270 = arith.constant 0 : i32
        %dma_start3A_271 = arith.constant 0 : i32
        %dma_start3A_272 = tpu.memref_slice %arg6[%dma_start3A_270, %dma_start3A_271] : memref<10064x128xf32, #tpu.memory_space<vmem_shared>> -> memref<10064x128xf32, #tpu.memory_space<vmem_shared>>
        tpu.enqueue_indirect_dma source(%arg9 : memref<128x128xf32, #tpu.memory_space<vmem>>) target(%dma_start3A_272 : memref<10064x128xf32, #tpu.memory_space<vmem_shared>>) offsets(%dma_start3A_269 : memref<128xi32, #tpu.memory_space<vmem>>) semaphore(%run_scoped3A : memref<!tpu.dma_semaphore, #tpu.memory_space<semaphore_mem>>) {add = true}
        %dma_wait3A_273 = arith.constant 0 : i32
        %dma_wait3A_274 = tpu.memref_slice %arg8[%sub3A_227, %dma_wait3A_273] : memref<40x128xi32, #tpu.memory_space<vmem>> -> memref<1x128xi32, #tpu.memory_space<vmem>>
        %dma_wait3A_275 = tpu.memref_squeeze %dma_wait3A_274 : memref<1x128xi32, #tpu.memory_space<vmem>> -> memref<128xi32, #tpu.memory_space<vmem>>
        %dma_wait3A_276 = arith.constant 0 : i32
        %dma_wait3A_277 = arith.constant 0 : i32
        %dma_wait3A_278 = tpu.memref_slice %arg6[%dma_wait3A_276, %dma_wait3A_277] : memref<10064x128xf32, #tpu.memory_space<vmem_shared>> -> memref<10064x128xf32, #tpu.memory_space<vmem_shared>>
        tpu.wait_indirect_dma semaphore(%run_scoped3A : memref<!tpu.dma_semaphore, #tpu.memory_space<semaphore_mem>>) src(%arg9 : memref<128x128xf32, #tpu.memory_space<vmem>>) dst(%dma_wait3A_278 : memref<10064x128xf32, #tpu.memory_space<vmem_shared>>)
        tpu.yield
      }) : () -> ()
      %add3A_228 = arith.constant 2 : i32
      %add3A_229 = arith.addi %add3A_207, %add3A_228 : i32
      %lt3A = arith.constant 80 : i32
      %lt3A_230 = arith.cmpi slt, %add3A_229, %lt3A : i32
      %convert_element_type3A_231 = arith.extui %lt3A_230 : i1 to i32
      %cond3A_232 = arith.constant 0 : i32
      %cond3A_233 = arith.cmpi ne, %convert_element_type3A_231, %cond3A_232 : i32
      scf.if %cond3A_233 {
        %add3A_267 = arith.constant 2 : i32
        %add3A_268 = arith.addi %add3A_207, %add3A_267 : i32
        %dma_start3A_269 = arith.constant 0 : i32
        %dma_start3A_270 = arith.constant 0 : i32
        %dma_start3A_271 = tpu.memref_slice %arg9[%dma_start3A_269, %dma_start3A_270] : memref<128x128xf32, #tpu.memory_space<vmem>> -> memref<64x128xf32, #tpu.memory_space<vmem>>
        %dma_start3A_272 = arith.constant 0 : i32
        %dma_start3A_273 = tpu.memref_slice %arg7[%add3A_268, %dma_start3A_272] : memref<80x128xi32, #tpu.memory_space<vmem>> -> memref<1x64xi32, #tpu.memory_space<vmem>>
        %dma_start3A_274 = tpu.memref_squeeze %dma_start3A_273 : memref<1x64xi32, #tpu.memory_space<vmem>> -> memref<64xi32, #tpu.memory_space<vmem>>
        %dma_start3A_275 = arith.constant 0 : i32
        %dma_start3A_276 = arith.constant 0 : i32
        %dma_start3A_277 = tpu.memref_slice %arg2[%dma_start3A_275, %dma_start3A_276] : memref<10000x128xf32, #tpu.memory_space<hbm>> -> memref<10000x128xf32, #tpu.memory_space<hbm>>
        tpu.enqueue_indirect_dma source(%dma_start3A_277 : memref<10000x128xf32, #tpu.memory_space<hbm>>) target(%dma_start3A_271 : memref<64x128xf32, #tpu.memory_space<vmem>>) offsets(%dma_start3A_274 : memref<64xi32, #tpu.memory_space<vmem>>) semaphore(%arg11 : memref<!tpu.dma_semaphore, #tpu.memory_space<semaphore_mem>>)
        %dma_start3A_278 = arith.constant 64 : i32
        %dma_start3A_279 = arith.constant 0 : i32
        %dma_start3A_280 = tpu.memref_slice %arg9[%dma_start3A_278, %dma_start3A_279] : memref<128x128xf32, #tpu.memory_space<vmem>> -> memref<64x128xf32, #tpu.memory_space<vmem>>
        %dma_start3A_281 = arith.constant 64 : i32
        %dma_start3A_282 = tpu.memref_slice %arg7[%add3A_268, %dma_start3A_281] : memref<80x128xi32, #tpu.memory_space<vmem>> -> memref<1x64xi32, #tpu.memory_space<vmem>>
        %dma_start3A_283 = tpu.memref_squeeze %dma_start3A_282 : memref<1x64xi32, #tpu.memory_space<vmem>> -> memref<64xi32, #tpu.memory_space<vmem>>
        %dma_start3A_284 = arith.constant 0 : i32
        %dma_start3A_285 = arith.constant 0 : i32
        %dma_start3A_286 = tpu.memref_slice %arg2[%dma_start3A_284, %dma_start3A_285] : memref<10000x128xf32, #tpu.memory_space<hbm>> -> memref<10000x128xf32, #tpu.memory_space<hbm>>
        tpu.enqueue_indirect_dma source(%dma_start3A_286 : memref<10000x128xf32, #tpu.memory_space<hbm>>) target(%dma_start3A_280 : memref<64x128xf32, #tpu.memory_space<vmem>>) offsets(%dma_start3A_283 : memref<64xi32, #tpu.memory_space<vmem>>) semaphore(%arg11 : memref<!tpu.dma_semaphore, #tpu.memory_space<semaphore_mem>>)
      } else {
      }
      %mul3A_234 = arith.constant 2 : i32
      %mul3A_235 = arith.muli %mul3A_234, %scan3A_201 : i32
      %add3A_236 = arith.constant 0 : i32
      %add3A_237 = arith.addi %add3A_236, %mul3A_235 : i32
      %add3A_238 = arith.constant 1 : i32
      %add3A_239 = arith.addi %add3A_237, %add3A_238 : i32
      %dma_wait3A_240 = arith.constant 0 : i32
      %dma_wait3A_241 = arith.constant 0 : i32
      %dma_wait3A_242 = tpu.memref_slice %arg10[%dma_wait3A_240, %dma_wait3A_241] : memref<128x128xf32, #tpu.memory_space<vmem>> -> memref<64x128xf32, #tpu.memory_space<vmem>>
      %dma_wait3A_243 = arith.constant 0 : i32
      %dma_wait3A_244 = tpu.memref_slice %arg7[%add3A_239, %dma_wait3A_243] : memref<80x128xi32, #tpu.memory_space<vmem>> -> memref<1x64xi32, #tpu.memory_space<vmem>>
      %dma_wait3A_245 = tpu.memref_squeeze %dma_wait3A_244 : memref<1x64xi32, #tpu.memory_space<vmem>> -> memref<64xi32, #tpu.memory_space<vmem>>
      %dma_wait3A_246 = arith.constant 0 : i32
      %dma_wait3A_247 = arith.constant 0 : i32
      %dma_wait3A_248 = tpu.memref_slice %arg2[%dma_wait3A_246, %dma_wait3A_247] : memref<10000x128xf32, #tpu.memory_space<hbm>> -> memref<10000x128xf32, #tpu.memory_space<hbm>>
      tpu.wait_indirect_dma semaphore(%arg12 : memref<!tpu.dma_semaphore, #tpu.memory_space<semaphore_mem>>) src(%dma_wait3A_248 : memref<10000x128xf32, #tpu.memory_space<hbm>>) dst(%dma_wait3A_242 : memref<64x128xf32, #tpu.memory_space<vmem>>)
      %dma_wait3A_249 = arith.constant 64 : i32
      %dma_wait3A_250 = arith.constant 0 : i32
      %dma_wait3A_251 = tpu.memref_slice %arg10[%dma_wait3A_249, %dma_wait3A_250] : memref<128x128xf32, #tpu.memory_space<vmem>> -> memref<64x128xf32, #tpu.memory_space<vmem>>
      %dma_wait3A_252 = arith.constant 64 : i32
      %dma_wait3A_253 = tpu.memref_slice %arg7[%add3A_239, %dma_wait3A_252] : memref<80x128xi32, #tpu.memory_space<vmem>> -> memref<1x64xi32, #tpu.memory_space<vmem>>
      %dma_wait3A_254 = tpu.memref_squeeze %dma_wait3A_253 : memref<1x64xi32, #tpu.memory_space<vmem>> -> memref<64xi32, #tpu.memory_space<vmem>>
      %dma_wait3A_255 = arith.constant 0 : i32
      %dma_wait3A_256 = arith.constant 0 : i32
      %dma_wait3A_257 = tpu.memref_slice %arg2[%dma_wait3A_255, %dma_wait3A_256] : memref<10000x128xf32, #tpu.memory_space<hbm>> -> memref<10000x128xf32, #tpu.memory_space<hbm>>
      tpu.wait_indirect_dma semaphore(%arg12 : memref<!tpu.dma_semaphore, #tpu.memory_space<semaphore_mem>>) src(%dma_wait3A_257 : memref<10000x128xf32, #tpu.memory_space<hbm>>) dst(%dma_wait3A_251 : memref<64x128xf32, #tpu.memory_space<vmem>>)
      %sub3A_258 = arith.constant 0 : i32
      %sub3A_259 = arith.subi %add3A_239, %sub3A_258 : i32
      "tpu.region"() ({
        %run_scoped3A = tpu.sem_alloc : memref<!tpu.dma_semaphore, #tpu.memory_space<semaphore_mem>>
        %dma_start3A_267 = arith.constant 0 : i32
        %dma_start3A_268 = tpu.memref_slice %arg8[%sub3A_259, %dma_start3A_267] : memref<40x128xi32, #tpu.memory_space<vmem>> -> memref<1x128xi32, #tpu.memory_space<vmem>>
        %dma_start3A_269 = tpu.memref_squeeze %dma_start3A_268 : memref<1x128xi32, #tpu.memory_space<vmem>> -> memref<128xi32, #tpu.memory_space<vmem>>
        %dma_start3A_270 = arith.constant 0 : i32
        %dma_start3A_271 = arith.constant 0 : i32
        %dma_start3A_272 = tpu.memref_slice %arg6[%dma_start3A_270, %dma_start3A_271] : memref<10064x128xf32, #tpu.memory_space<vmem_shared>> -> memref<10064x128xf32, #tpu.memory_space<vmem_shared>>
        tpu.enqueue_indirect_dma source(%arg10 : memref<128x128xf32, #tpu.memory_space<vmem>>) target(%dma_start3A_272 : memref<10064x128xf32, #tpu.memory_space<vmem_shared>>) offsets(%dma_start3A_269 : memref<128xi32, #tpu.memory_space<vmem>>) semaphore(%run_scoped3A : memref<!tpu.dma_semaphore, #tpu.memory_space<semaphore_mem>>) {add = true}
        %dma_wait3A_273 = arith.constant 0 : i32
        %dma_wait3A_274 = tpu.memref_slice %arg8[%sub3A_259, %dma_wait3A_273] : memref<40x128xi32, #tpu.memory_space<vmem>> -> memref<1x128xi32, #tpu.memory_space<vmem>>
        %dma_wait3A_275 = tpu.memref_squeeze %dma_wait3A_274 : memref<1x128xi32, #tpu.memory_space<vmem>> -> memref<128xi32, #tpu.memory_space<vmem>>
        %dma_wait3A_276 = arith.constant 0 : i32
        %dma_wait3A_277 = arith.constant 0 : i32
        %dma_wait3A_278 = tpu.memref_slice %arg6[%dma_wait3A_276, %dma_wait3A_277] : memref<10064x128xf32, #tpu.memory_space<vmem_shared>> -> memref<10064x128xf32, #tpu.memory_space<vmem_shared>>
        tpu.wait_indirect_dma semaphore(%run_scoped3A : memref<!tpu.dma_semaphore, #tpu.memory_space<semaphore_mem>>) src(%arg10 : memref<128x128xf32, #tpu.memory_space<vmem>>) dst(%dma_wait3A_278 : memref<10064x128xf32, #tpu.memory_space<vmem_shared>>)
        tpu.yield
      }) : () -> ()
      %add3A_260 = arith.constant 2 : i32
      %add3A_261 = arith.addi %add3A_239, %add3A_260 : i32
      %lt3A_262 = arith.constant 80 : i32
      %lt3A_263 = arith.cmpi slt, %add3A_261, %lt3A_262 : i32
      %convert_element_type3A_264 = arith.extui %lt3A_263 : i1 to i32
      %cond3A_265 = arith.constant 0 : i32
      %cond3A_266 = arith.cmpi ne, %convert_element_type3A_264, %cond3A_265 : i32
      scf.if %cond3A_266 {
        %add3A_267 = arith.constant 2 : i32
        %add3A_268 = arith.addi %add3A_239, %add3A_267 : i32
        %dma_start3A_269 = arith.constant 0 : i32
        %dma_start3A_270 = arith.constant 0 : i32
        %dma_start3A_271 = tpu.memref_slice %arg10[%dma_start3A_269, %dma_start3A_270] : memref<128x128xf32, #tpu.memory_space<vmem>> -> memref<64x128xf32, #tpu.memory_space<vmem>>
        %dma_start3A_272 = arith.constant 0 : i32
        %dma_start3A_273 = tpu.memref_slice %arg7[%add3A_268, %dma_start3A_272] : memref<80x128xi32, #tpu.memory_space<vmem>> -> memref<1x64xi32, #tpu.memory_space<vmem>>
        %dma_start3A_274 = tpu.memref_squeeze %dma_start3A_273 : memref<1x64xi32, #tpu.memory_space<vmem>> -> memref<64xi32, #tpu.memory_space<vmem>>
        %dma_start3A_275 = arith.constant 0 : i32
        %dma_start3A_276 = arith.constant 0 : i32
        %dma_start3A_277 = tpu.memref_slice %arg2[%dma_start3A_275, %dma_start3A_276] : memref<10000x128xf32, #tpu.memory_space<hbm>> -> memref<10000x128xf32, #tpu.memory_space<hbm>>
        tpu.enqueue_indirect_dma source(%dma_start3A_277 : memref<10000x128xf32, #tpu.memory_space<hbm>>) target(%dma_start3A_271 : memref<64x128xf32, #tpu.memory_space<vmem>>) offsets(%dma_start3A_274 : memref<64xi32, #tpu.memory_space<vmem>>) semaphore(%arg12 : memref<!tpu.dma_semaphore, #tpu.memory_space<semaphore_mem>>)
        %dma_start3A_278 = arith.constant 64 : i32
        %dma_start3A_279 = arith.constant 0 : i32
        %dma_start3A_280 = tpu.memref_slice %arg10[%dma_start3A_278, %dma_start3A_279] : memref<128x128xf32, #tpu.memory_space<vmem>> -> memref<64x128xf32, #tpu.memory_space<vmem>>
        %dma_start3A_281 = arith.constant 64 : i32
        %dma_start3A_282 = tpu.memref_slice %arg7[%add3A_268, %dma_start3A_281] : memref<80x128xi32, #tpu.memory_space<vmem>> -> memref<1x64xi32, #tpu.memory_space<vmem>>
        %dma_start3A_283 = tpu.memref_squeeze %dma_start3A_282 : memref<1x64xi32, #tpu.memory_space<vmem>> -> memref<64xi32, #tpu.memory_space<vmem>>
        %dma_start3A_284 = arith.constant 0 : i32
        %dma_start3A_285 = arith.constant 0 : i32
        %dma_start3A_286 = tpu.memref_slice %arg2[%dma_start3A_284, %dma_start3A_285] : memref<10000x128xf32, #tpu.memory_space<hbm>> -> memref<10000x128xf32, #tpu.memory_space<hbm>>
        tpu.enqueue_indirect_dma source(%dma_start3A_286 : memref<10000x128xf32, #tpu.memory_space<hbm>>) target(%dma_start3A_280 : memref<64x128xf32, #tpu.memory_space<vmem>>) offsets(%dma_start3A_283 : memref<64xi32, #tpu.memory_space<vmem>>) semaphore(%arg12 : memref<!tpu.dma_semaphore, #tpu.memory_space<semaphore_mem>>)
      } else {
      }
    }
    %scan3A_184 = arith.constant 20 : i32
    "tpu.region"() ({
      %run_scoped3A = tpu.sem_alloc : memref<!tpu.dma_semaphore, #tpu.memory_space<semaphore_mem>>
      %dma_start3A_201 = arith.constant 40 : i32
      %dma_start3A_202 = arith.constant 0 : i32
      %dma_start3A_203 = tpu.memref_slice %arg4[%add3A, %dma_start3A_201, %dma_start3A_202] : memref<32x80x128xi32, #tpu.memory_space<hbm>> -> memref<1x40x128xi32, #tpu.memory_space<hbm>>
      %dma_start3A_204 = tpu.memref_squeeze %dma_start3A_203 : memref<1x40x128xi32, #tpu.memory_space<hbm>> -> memref<40x128xi32, #tpu.memory_space<hbm>>
      %dma_start3A_205 = arith.constant 40 : i32
      %dma_start3A_206 = arith.constant 0 : i32
      %dma_start3A_207 = tpu.memref_slice %arg4[%add3A, %dma_start3A_205, %dma_start3A_206] : memref<32x80x128xi32, #tpu.memory_space<hbm>> -> memref<1x40x128xi32, #tpu.memory_space<hbm>>
      %dma_start3A_208 = tpu.memref_squeeze %dma_start3A_207 : memref<1x40x128xi32, #tpu.memory_space<hbm>> -> memref<40x128xi32, #tpu.memory_space<hbm>>
      tpu.enqueue_dma source(%dma_start3A_208 : memref<40x128xi32, #tpu.memory_space<hbm>>) target(%arg8 : memref<40x128xi32, #tpu.memory_space<vmem>>) target_semaphore(%run_scoped3A : memref<!tpu.dma_semaphore, #tpu.memory_space<semaphore_mem>>)
      %dma_wait3A_209 = arith.constant 40 : i32
      %dma_wait3A_210 = arith.constant 0 : i32
      %dma_wait3A_211 = tpu.memref_slice %arg4[%add3A, %dma_wait3A_209, %dma_wait3A_210] : memref<32x80x128xi32, #tpu.memory_space<hbm>> -> memref<1x40x128xi32, #tpu.memory_space<hbm>>
      %dma_wait3A_212 = tpu.memref_squeeze %dma_wait3A_211 : memref<1x40x128xi32, #tpu.memory_space<hbm>> -> memref<40x128xi32, #tpu.memory_space<hbm>>
      %dma_wait3A_213 = arith.constant 40 : i32
      %dma_wait3A_214 = arith.constant 0 : i32
      %dma_wait3A_215 = tpu.memref_slice %arg4[%add3A, %dma_wait3A_213, %dma_wait3A_214] : memref<32x80x128xi32, #tpu.memory_space<hbm>> -> memref<1x40x128xi32, #tpu.memory_space<hbm>>
      %dma_wait3A_216 = tpu.memref_squeeze %dma_wait3A_215 : memref<1x40x128xi32, #tpu.memory_space<hbm>> -> memref<40x128xi32, #tpu.memory_space<hbm>>
      tpu.wait_dma2 semaphore(%run_scoped3A : memref<!tpu.dma_semaphore, #tpu.memory_space<semaphore_mem>>) src(%dma_wait3A_216 : memref<40x128xi32, #tpu.memory_space<hbm>>) dst(%arg8 : memref<40x128xi32, #tpu.memory_space<vmem>>)
      tpu.yield
    }) : () -> ()
    %scan3A_185 = arith.constant 0 : i32
    %scan3A_186 = arith.constant 0 : i32
    %scan3A_187 = arith.constant 20 : i32
    %scan3A_188 = arith.addi %scan3A_186, %scan3A_187 : i32
    %scan3A_189 = arith.constant 1 : i32
    scf.for %scan3A_201 = %scan3A_186 to %scan3A_188 step %scan3A_189  : i32 {
      %mul3A_202 = arith.constant 2 : i32
      %mul3A_203 = arith.muli %mul3A_202, %scan3A_201 : i32
      %add3A_204 = arith.constant 40 : i32
      %add3A_205 = arith.addi %add3A_204, %mul3A_203 : i32
      %add3A_206 = arith.constant 0 : i32
      %add3A_207 = arith.addi %add3A_205, %add3A_206 : i32
      %dma_wait3A_208 = arith.constant 0 : i32
      %dma_wait3A_209 = arith.constant 0 : i32
      %dma_wait3A_210 = tpu.memref_slice %arg9[%dma_wait3A_208, %dma_wait3A_209] : memref<128x128xf32, #tpu.memory_space<vmem>> -> memref<64x128xf32, #tpu.memory_space<vmem>>
      %dma_wait3A_211 = arith.constant 0 : i32
      %dma_wait3A_212 = tpu.memref_slice %arg7[%add3A_207, %dma_wait3A_211] : memref<80x128xi32, #tpu.memory_space<vmem>> -> memref<1x64xi32, #tpu.memory_space<vmem>>
      %dma_wait3A_213 = tpu.memref_squeeze %dma_wait3A_212 : memref<1x64xi32, #tpu.memory_space<vmem>> -> memref<64xi32, #tpu.memory_space<vmem>>
      %dma_wait3A_214 = arith.constant 0 : i32
      %dma_wait3A_215 = arith.constant 0 : i32
      %dma_wait3A_216 = tpu.memref_slice %arg2[%dma_wait3A_214, %dma_wait3A_215] : memref<10000x128xf32, #tpu.memory_space<hbm>> -> memref<10000x128xf32, #tpu.memory_space<hbm>>
      tpu.wait_indirect_dma semaphore(%arg11 : memref<!tpu.dma_semaphore, #tpu.memory_space<semaphore_mem>>) src(%dma_wait3A_216 : memref<10000x128xf32, #tpu.memory_space<hbm>>) dst(%dma_wait3A_210 : memref<64x128xf32, #tpu.memory_space<vmem>>)
      %dma_wait3A_217 = arith.constant 64 : i32
      %dma_wait3A_218 = arith.constant 0 : i32
      %dma_wait3A_219 = tpu.memref_slice %arg9[%dma_wait3A_217, %dma_wait3A_218] : memref<128x128xf32, #tpu.memory_space<vmem>> -> memref<64x128xf32, #tpu.memory_space<vmem>>
      %dma_wait3A_220 = arith.constant 64 : i32
      %dma_wait3A_221 = tpu.memref_slice %arg7[%add3A_207, %dma_wait3A_220] : memref<80x128xi32, #tpu.memory_space<vmem>> -> memref<1x64xi32, #tpu.memory_space<vmem>>
      %dma_wait3A_222 = tpu.memref_squeeze %dma_wait3A_221 : memref<1x64xi32, #tpu.memory_space<vmem>> -> memref<64xi32, #tpu.memory_space<vmem>>
      %dma_wait3A_223 = arith.constant 0 : i32
      %dma_wait3A_224 = arith.constant 0 : i32
      %dma_wait3A_225 = tpu.memref_slice %arg2[%dma_wait3A_223, %dma_wait3A_224] : memref<10000x128xf32, #tpu.memory_space<hbm>> -> memref<10000x128xf32, #tpu.memory_space<hbm>>
      tpu.wait_indirect_dma semaphore(%arg11 : memref<!tpu.dma_semaphore, #tpu.memory_space<semaphore_mem>>) src(%dma_wait3A_225 : memref<10000x128xf32, #tpu.memory_space<hbm>>) dst(%dma_wait3A_219 : memref<64x128xf32, #tpu.memory_space<vmem>>)
      %sub3A_226 = arith.constant 40 : i32
      %sub3A_227 = arith.subi %add3A_207, %sub3A_226 : i32
      "tpu.region"() ({
        %run_scoped3A = tpu.sem_alloc : memref<!tpu.dma_semaphore, #tpu.memory_space<semaphore_mem>>
        %dma_start3A_267 = arith.constant 0 : i32
        %dma_start3A_268 = tpu.memref_slice %arg8[%sub3A_227, %dma_start3A_267] : memref<40x128xi32, #tpu.memory_space<vmem>> -> memref<1x128xi32, #tpu.memory_space<vmem>>
        %dma_start3A_269 = tpu.memref_squeeze %dma_start3A_268 : memref<1x128xi32, #tpu.memory_space<vmem>> -> memref<128xi32, #tpu.memory_space<vmem>>
        %dma_start3A_270 = arith.constant 0 : i32
        %dma_start3A_271 = arith.constant 0 : i32
        %dma_start3A_272 = tpu.memref_slice %arg6[%dma_start3A_270, %dma_start3A_271] : memref<10064x128xf32, #tpu.memory_space<vmem_shared>> -> memref<10064x128xf32, #tpu.memory_space<vmem_shared>>
        tpu.enqueue_indirect_dma source(%arg9 : memref<128x128xf32, #tpu.memory_space<vmem>>) target(%dma_start3A_272 : memref<10064x128xf32, #tpu.memory_space<vmem_shared>>) offsets(%dma_start3A_269 : memref<128xi32, #tpu.memory_space<vmem>>) semaphore(%run_scoped3A : memref<!tpu.dma_semaphore, #tpu.memory_space<semaphore_mem>>) {add = true}
        %dma_wait3A_273 = arith.constant 0 : i32
        %dma_wait3A_274 = tpu.memref_slice %arg8[%sub3A_227, %dma_wait3A_273] : memref<40x128xi32, #tpu.memory_space<vmem>> -> memref<1x128xi32, #tpu.memory_space<vmem>>
        %dma_wait3A_275 = tpu.memref_squeeze %dma_wait3A_274 : memref<1x128xi32, #tpu.memory_space<vmem>> -> memref<128xi32, #tpu.memory_space<vmem>>
        %dma_wait3A_276 = arith.constant 0 : i32
        %dma_wait3A_277 = arith.constant 0 : i32
        %dma_wait3A_278 = tpu.memref_slice %arg6[%dma_wait3A_276, %dma_wait3A_277] : memref<10064x128xf32, #tpu.memory_space<vmem_shared>> -> memref<10064x128xf32, #tpu.memory_space<vmem_shared>>
        tpu.wait_indirect_dma semaphore(%run_scoped3A : memref<!tpu.dma_semaphore, #tpu.memory_space<semaphore_mem>>) src(%arg9 : memref<128x128xf32, #tpu.memory_space<vmem>>) dst(%dma_wait3A_278 : memref<10064x128xf32, #tpu.memory_space<vmem_shared>>)
        tpu.yield
      }) : () -> ()
      %add3A_228 = arith.constant 2 : i32
      %add3A_229 = arith.addi %add3A_207, %add3A_228 : i32
      %lt3A = arith.constant 80 : i32
      %lt3A_230 = arith.cmpi slt, %add3A_229, %lt3A : i32
      %convert_element_type3A_231 = arith.extui %lt3A_230 : i1 to i32
      %cond3A_232 = arith.constant 0 : i32
      %cond3A_233 = arith.cmpi ne, %convert_element_type3A_231, %cond3A_232 : i32
      scf.if %cond3A_233 {
        %add3A_267 = arith.constant 2 : i32
        %add3A_268 = arith.addi %add3A_207, %add3A_267 : i32
        %dma_start3A_269 = arith.constant 0 : i32
        %dma_start3A_270 = arith.constant 0 : i32
        %dma_start3A_271 = tpu.memref_slice %arg9[%dma_start3A_269, %dma_start3A_270] : memref<128x128xf32, #tpu.memory_space<vmem>> -> memref<64x128xf32, #tpu.memory_space<vmem>>
        %dma_start3A_272 = arith.constant 0 : i32
        %dma_start3A_273 = tpu.memref_slice %arg7[%add3A_268, %dma_start3A_272] : memref<80x128xi32, #tpu.memory_space<vmem>> -> memref<1x64xi32, #tpu.memory_space<vmem>>
        %dma_start3A_274 = tpu.memref_squeeze %dma_start3A_273 : memref<1x64xi32, #tpu.memory_space<vmem>> -> memref<64xi32, #tpu.memory_space<vmem>>
        %dma_start3A_275 = arith.constant 0 : i32
        %dma_start3A_276 = arith.constant 0 : i32
        %dma_start3A_277 = tpu.memref_slice %arg2[%dma_start3A_275, %dma_start3A_276] : memref<10000x128xf32, #tpu.memory_space<hbm>> -> memref<10000x128xf32, #tpu.memory_space<hbm>>
        tpu.enqueue_indirect_dma source(%dma_start3A_277 : memref<10000x128xf32, #tpu.memory_space<hbm>>) target(%dma_start3A_271 : memref<64x128xf32, #tpu.memory_space<vmem>>) offsets(%dma_start3A_274 : memref<64xi32, #tpu.memory_space<vmem>>) semaphore(%arg11 : memref<!tpu.dma_semaphore, #tpu.memory_space<semaphore_mem>>)
        %dma_start3A_278 = arith.constant 64 : i32
        %dma_start3A_279 = arith.constant 0 : i32
        %dma_start3A_280 = tpu.memref_slice %arg9[%dma_start3A_278, %dma_start3A_279] : memref<128x128xf32, #tpu.memory_space<vmem>> -> memref<64x128xf32, #tpu.memory_space<vmem>>
        %dma_start3A_281 = arith.constant 64 : i32
        %dma_start3A_282 = tpu.memref_slice %arg7[%add3A_268, %dma_start3A_281] : memref<80x128xi32, #tpu.memory_space<vmem>> -> memref<1x64xi32, #tpu.memory_space<vmem>>
        %dma_start3A_283 = tpu.memref_squeeze %dma_start3A_282 : memref<1x64xi32, #tpu.memory_space<vmem>> -> memref<64xi32, #tpu.memory_space<vmem>>
        %dma_start3A_284 = arith.constant 0 : i32
        %dma_start3A_285 = arith.constant 0 : i32
        %dma_start3A_286 = tpu.memref_slice %arg2[%dma_start3A_284, %dma_start3A_285] : memref<10000x128xf32, #tpu.memory_space<hbm>> -> memref<10000x128xf32, #tpu.memory_space<hbm>>
        tpu.enqueue_indirect_dma source(%dma_start3A_286 : memref<10000x128xf32, #tpu.memory_space<hbm>>) target(%dma_start3A_280 : memref<64x128xf32, #tpu.memory_space<vmem>>) offsets(%dma_start3A_283 : memref<64xi32, #tpu.memory_space<vmem>>) semaphore(%arg11 : memref<!tpu.dma_semaphore, #tpu.memory_space<semaphore_mem>>)
      } else {
      }
      %mul3A_234 = arith.constant 2 : i32
      %mul3A_235 = arith.muli %mul3A_234, %scan3A_201 : i32
      %add3A_236 = arith.constant 40 : i32
      %add3A_237 = arith.addi %add3A_236, %mul3A_235 : i32
      %add3A_238 = arith.constant 1 : i32
      %add3A_239 = arith.addi %add3A_237, %add3A_238 : i32
      %dma_wait3A_240 = arith.constant 0 : i32
      %dma_wait3A_241 = arith.constant 0 : i32
      %dma_wait3A_242 = tpu.memref_slice %arg10[%dma_wait3A_240, %dma_wait3A_241] : memref<128x128xf32, #tpu.memory_space<vmem>> -> memref<64x128xf32, #tpu.memory_space<vmem>>
      %dma_wait3A_243 = arith.constant 0 : i32
      %dma_wait3A_244 = tpu.memref_slice %arg7[%add3A_239, %dma_wait3A_243] : memref<80x128xi32, #tpu.memory_space<vmem>> -> memref<1x64xi32, #tpu.memory_space<vmem>>
      %dma_wait3A_245 = tpu.memref_squeeze %dma_wait3A_244 : memref<1x64xi32, #tpu.memory_space<vmem>> -> memref<64xi32, #tpu.memory_space<vmem>>
      %dma_wait3A_246 = arith.constant 0 : i32
      %dma_wait3A_247 = arith.constant 0 : i32
      %dma_wait3A_248 = tpu.memref_slice %arg2[%dma_wait3A_246, %dma_wait3A_247] : memref<10000x128xf32, #tpu.memory_space<hbm>> -> memref<10000x128xf32, #tpu.memory_space<hbm>>
      tpu.wait_indirect_dma semaphore(%arg12 : memref<!tpu.dma_semaphore, #tpu.memory_space<semaphore_mem>>) src(%dma_wait3A_248 : memref<10000x128xf32, #tpu.memory_space<hbm>>) dst(%dma_wait3A_242 : memref<64x128xf32, #tpu.memory_space<vmem>>)
      %dma_wait3A_249 = arith.constant 64 : i32
      %dma_wait3A_250 = arith.constant 0 : i32
      %dma_wait3A_251 = tpu.memref_slice %arg10[%dma_wait3A_249, %dma_wait3A_250] : memref<128x128xf32, #tpu.memory_space<vmem>> -> memref<64x128xf32, #tpu.memory_space<vmem>>
      %dma_wait3A_252 = arith.constant 64 : i32
      %dma_wait3A_253 = tpu.memref_slice %arg7[%add3A_239, %dma_wait3A_252] : memref<80x128xi32, #tpu.memory_space<vmem>> -> memref<1x64xi32, #tpu.memory_space<vmem>>
      %dma_wait3A_254 = tpu.memref_squeeze %dma_wait3A_253 : memref<1x64xi32, #tpu.memory_space<vmem>> -> memref<64xi32, #tpu.memory_space<vmem>>
      %dma_wait3A_255 = arith.constant 0 : i32
      %dma_wait3A_256 = arith.constant 0 : i32
      %dma_wait3A_257 = tpu.memref_slice %arg2[%dma_wait3A_255, %dma_wait3A_256] : memref<10000x128xf32, #tpu.memory_space<hbm>> -> memref<10000x128xf32, #tpu.memory_space<hbm>>
      tpu.wait_indirect_dma semaphore(%arg12 : memref<!tpu.dma_semaphore, #tpu.memory_space<semaphore_mem>>) src(%dma_wait3A_257 : memref<10000x128xf32, #tpu.memory_space<hbm>>) dst(%dma_wait3A_251 : memref<64x128xf32, #tpu.memory_space<vmem>>)
      %sub3A_258 = arith.constant 40 : i32
      %sub3A_259 = arith.subi %add3A_239, %sub3A_258 : i32
      "tpu.region"() ({
        %run_scoped3A = tpu.sem_alloc : memref<!tpu.dma_semaphore, #tpu.memory_space<semaphore_mem>>
        %dma_start3A_267 = arith.constant 0 : i32
        %dma_start3A_268 = tpu.memref_slice %arg8[%sub3A_259, %dma_start3A_267] : memref<40x128xi32, #tpu.memory_space<vmem>> -> memref<1x128xi32, #tpu.memory_space<vmem>>
        %dma_start3A_269 = tpu.memref_squeeze %dma_start3A_268 : memref<1x128xi32, #tpu.memory_space<vmem>> -> memref<128xi32, #tpu.memory_space<vmem>>
        %dma_start3A_270 = arith.constant 0 : i32
        %dma_start3A_271 = arith.constant 0 : i32
        %dma_start3A_272 = tpu.memref_slice %arg6[%dma_start3A_270, %dma_start3A_271] : memref<10064x128xf32, #tpu.memory_space<vmem_shared>> -> memref<10064x128xf32, #tpu.memory_space<vmem_shared>>
        tpu.enqueue_indirect_dma source(%arg10 : memref<128x128xf32, #tpu.memory_space<vmem>>) target(%dma_start3A_272 : memref<10064x128xf32, #tpu.memory_space<vmem_shared>>) offsets(%dma_start3A_269 : memref<128xi32, #tpu.memory_space<vmem>>) semaphore(%run_scoped3A : memref<!tpu.dma_semaphore, #tpu.memory_space<semaphore_mem>>) {add = true}
        %dma_wait3A_273 = arith.constant 0 : i32
        %dma_wait3A_274 = tpu.memref_slice %arg8[%sub3A_259, %dma_wait3A_273] : memref<40x128xi32, #tpu.memory_space<vmem>> -> memref<1x128xi32, #tpu.memory_space<vmem>>
        %dma_wait3A_275 = tpu.memref_squeeze %dma_wait3A_274 : memref<1x128xi32, #tpu.memory_space<vmem>> -> memref<128xi32, #tpu.memory_space<vmem>>
        %dma_wait3A_276 = arith.constant 0 : i32
        %dma_wait3A_277 = arith.constant 0 : i32
        %dma_wait3A_278 = tpu.memref_slice %arg6[%dma_wait3A_276, %dma_wait3A_277] : memref<10064x128xf32, #tpu.memory_space<vmem_shared>> -> memref<10064x128xf32, #tpu.memory_space<vmem_shared>>
        tpu.wait_indirect_dma semaphore(%run_scoped3A : memref<!tpu.dma_semaphore, #tpu.memory_space<semaphore_mem>>) src(%arg10 : memref<128x128xf32, #tpu.memory_space<vmem>>) dst(%dma_wait3A_278 : memref<10064x128xf32, #tpu.memory_space<vmem_shared>>)
        tpu.yield
      }) : () -> ()
      %add3A_260 = arith.constant 2 : i32
      %add3A_261 = arith.addi %add3A_239, %add3A_260 : i32
      %lt3A_262 = arith.constant 80 : i32
      %lt3A_263 = arith.cmpi slt, %add3A_261, %lt3A_262 : i32
      %convert_element_type3A_264 = arith.extui %lt3A_263 : i1 to i32
      %cond3A_265 = arith.constant 0 : i32
      %cond3A_266 = arith.cmpi ne, %convert_element_type3A_264, %cond3A_265 : i32
      scf.if %cond3A_266 {
        %add3A_267 = arith.constant 2 : i32
        %add3A_268 = arith.addi %add3A_239, %add3A_267 : i32
        %dma_start3A_269 = arith.constant 0 : i32
        %dma_start3A_270 = arith.constant 0 : i32
        %dma_start3A_271 = tpu.memref_slice %arg10[%dma_start3A_269, %dma_start3A_270] : memref<128x128xf32, #tpu.memory_space<vmem>> -> memref<64x128xf32, #tpu.memory_space<vmem>>
        %dma_start3A_272 = arith.constant 0 : i32
        %dma_start3A_273 = tpu.memref_slice %arg7[%add3A_268, %dma_start3A_272] : memref<80x128xi32, #tpu.memory_space<vmem>> -> memref<1x64xi32, #tpu.memory_space<vmem>>
        %dma_start3A_274 = tpu.memref_squeeze %dma_start3A_273 : memref<1x64xi32, #tpu.memory_space<vmem>> -> memref<64xi32, #tpu.memory_space<vmem>>
        %dma_start3A_275 = arith.constant 0 : i32
        %dma_start3A_276 = arith.constant 0 : i32
        %dma_start3A_277 = tpu.memref_slice %arg2[%dma_start3A_275, %dma_start3A_276] : memref<10000x128xf32, #tpu.memory_space<hbm>> -> memref<10000x128xf32, #tpu.memory_space<hbm>>
        tpu.enqueue_indirect_dma source(%dma_start3A_277 : memref<10000x128xf32, #tpu.memory_space<hbm>>) target(%dma_start3A_271 : memref<64x128xf32, #tpu.memory_space<vmem>>) offsets(%dma_start3A_274 : memref<64xi32, #tpu.memory_space<vmem>>) semaphore(%arg12 : memref<!tpu.dma_semaphore, #tpu.memory_space<semaphore_mem>>)
        %dma_start3A_278 = arith.constant 64 : i32
        %dma_start3A_279 = arith.constant 0 : i32
        %dma_start3A_280 = tpu.memref_slice %arg10[%dma_start3A_278, %dma_start3A_279] : memref<128x128xf32, #tpu.memory_space<vmem>> -> memref<64x128xf32, #tpu.memory_space<vmem>>
        %dma_start3A_281 = arith.constant 64 : i32
        %dma_start3A_282 = tpu.memref_slice %arg7[%add3A_268, %dma_start3A_281] : memref<80x128xi32, #tpu.memory_space<vmem>> -> memref<1x64xi32, #tpu.memory_space<vmem>>
        %dma_start3A_283 = tpu.memref_squeeze %dma_start3A_282 : memref<1x64xi32, #tpu.memory_space<vmem>> -> memref<64xi32, #tpu.memory_space<vmem>>
        %dma_start3A_284 = arith.constant 0 : i32
        %dma_start3A_285 = arith.constant 0 : i32
        %dma_start3A_286 = tpu.memref_slice %arg2[%dma_start3A_284, %dma_start3A_285] : memref<10000x128xf32, #tpu.memory_space<hbm>> -> memref<10000x128xf32, #tpu.memory_space<hbm>>
        tpu.enqueue_indirect_dma source(%dma_start3A_286 : memref<10000x128xf32, #tpu.memory_space<hbm>>) target(%dma_start3A_280 : memref<64x128xf32, #tpu.memory_space<vmem>>) offsets(%dma_start3A_283 : memref<64xi32, #tpu.memory_space<vmem>>) semaphore(%arg12 : memref<!tpu.dma_semaphore, #tpu.memory_space<semaphore_mem>>)
      } else {
      }
    }
    %scan3A_190 = arith.constant 20 : i32
    %barrier3A_191 = arith.constant 0 : index
    tpu.barrier barrier_id(%barrier3A_191)
    %mul3A_192 = arith.constant 624 : i32
    %mul3A_193 = arith.muli %arg1, %mul3A_192 : i32
    %mul3A_194 = arith.constant 624 : i32
    %mul3A_195 = arith.muli %arg1, %mul3A_194 : i32
    "tpu.region"() ({
      %run_scoped3A = tpu.sem_alloc : memref<!tpu.dma_semaphore, #tpu.memory_space<semaphore_mem>>
      %dma_start3A_201 = arith.constant 0 : i32
      %dma_start3A_202 = tpu.memref_slice %arg5[%arg0, %mul3A_195, %dma_start3A_201] : memref<2x10000x128xf32, #tpu.memory_space<hbm>> -> memref<1x624x128xf32, #tpu.memory_space<hbm>>
      %dma_start3A_203 = tpu.memref_squeeze %dma_start3A_202 : memref<1x624x128xf32, #tpu.memory_space<hbm>> -> memref<624x128xf32, #tpu.memory_space<hbm>>
      %dma_start3A_204 = arith.constant 0 : i32
      %dma_start3A_205 = tpu.memref_slice %arg6[%mul3A_193, %dma_start3A_204] : memref<10064x128xf32, #tpu.memory_space<vmem_shared>> -> memref<624x128xf32, #tpu.memory_space<vmem_shared>>
      tpu.enqueue_dma source(%dma_start3A_205 : memref<624x128xf32, #tpu.memory_space<vmem_shared>>) target(%dma_start3A_203 : memref<624x128xf32, #tpu.memory_space<hbm>>) target_semaphore(%run_scoped3A : memref<!tpu.dma_semaphore, #tpu.memory_space<semaphore_mem>>)
      %dma_wait3A_206 = arith.constant 0 : i32
      %dma_wait3A_207 = tpu.memref_slice %arg5[%arg0, %mul3A_195, %dma_wait3A_206] : memref<2x10000x128xf32, #tpu.memory_space<hbm>> -> memref<1x624x128xf32, #tpu.memory_space<hbm>>
      %dma_wait3A_208 = tpu.memref_squeeze %dma_wait3A_207 : memref<1x624x128xf32, #tpu.memory_space<hbm>> -> memref<624x128xf32, #tpu.memory_space<hbm>>
      %dma_wait3A_209 = arith.constant 0 : i32
      %dma_wait3A_210 = tpu.memref_slice %arg6[%mul3A_193, %dma_wait3A_209] : memref<10064x128xf32, #tpu.memory_space<vmem_shared>> -> memref<624x128xf32, #tpu.memory_space<vmem_shared>>
      tpu.wait_dma2 semaphore(%run_scoped3A : memref<!tpu.dma_semaphore, #tpu.memory_space<semaphore_mem>>) src(%dma_wait3A_210 : memref<624x128xf32, #tpu.memory_space<vmem_shared>>) dst(%dma_wait3A_208 : memref<624x128xf32, #tpu.memory_space<hbm>>)
      tpu.yield
    }) : () -> ()
    %eq3A_196 = arith.constant 0 : i32
    %eq3A_197 = arith.cmpi eq, %arg1, %eq3A_196 : i32
    %convert_element_type3A_198 = arith.extui %eq3A_197 : i1 to i32
    %cond3A_199 = arith.constant 0 : i32
    %cond3A_200 = arith.cmpi ne, %convert_element_type3A_198, %cond3A_199 : i32
    scf.if %cond3A_200 {
      "tpu.region"() ({
        %run_scoped3A = tpu.sem_alloc : memref<!tpu.dma_semaphore, #tpu.memory_space<semaphore_mem>>
        %dma_start3A_201 = arith.constant 9984 : i32
        %dma_start3A_202 = arith.constant 0 : i32
        %dma_start3A_203 = tpu.memref_slice %arg5[%arg0, %dma_start3A_201, %dma_start3A_202] : memref<2x10000x128xf32, #tpu.memory_space<hbm>> -> memref<1x16x128xf32, #tpu.memory_space<hbm>>
        %dma_start3A_204 = tpu.memref_squeeze %dma_start3A_203 : memref<1x16x128xf32, #tpu.memory_space<hbm>> -> memref<16x128xf32, #tpu.memory_space<hbm>>
        %dma_start3A_205 = arith.constant 9984 : i32
        %dma_start3A_206 = arith.constant 0 : i32
        %dma_start3A_207 = tpu.memref_slice %arg6[%dma_start3A_205, %dma_start3A_206] : memref<10064x128xf32, #tpu.memory_space<vmem_shared>> -> memref<16x128xf32, #tpu.memory_space<vmem_shared>>
        tpu.enqueue_dma source(%dma_start3A_207 : memref<16x128xf32, #tpu.memory_space<vmem_shared>>) target(%dma_start3A_204 : memref<16x128xf32, #tpu.memory_space<hbm>>) target_semaphore(%run_scoped3A : memref<!tpu.dma_semaphore, #tpu.memory_space<semaphore_mem>>)
        %dma_wait3A_208 = arith.constant 9984 : i32
        %dma_wait3A_209 = arith.constant 0 : i32
        %dma_wait3A_210 = tpu.memref_slice %arg5[%arg0, %dma_wait3A_208, %dma_wait3A_209] : memref<2x10000x128xf32, #tpu.memory_space<hbm>> -> memref<1x16x128xf32, #tpu.memory_space<hbm>>
        %dma_wait3A_211 = tpu.memref_squeeze %dma_wait3A_210 : memref<1x16x128xf32, #tpu.memory_space<hbm>> -> memref<16x128xf32, #tpu.memory_space<hbm>>
        %dma_wait3A_212 = arith.constant 9984 : i32
        %dma_wait3A_213 = arith.constant 0 : i32
        %dma_wait3A_214 = tpu.memref_slice %arg6[%dma_wait3A_212, %dma_wait3A_213] : memref<10064x128xf32, #tpu.memory_space<vmem_shared>> -> memref<16x128xf32, #tpu.memory_space<vmem_shared>>
        tpu.wait_dma2 semaphore(%run_scoped3A : memref<!tpu.dma_semaphore, #tpu.memory_space<semaphore_mem>>) src(%dma_wait3A_214 : memref<16x128xf32, #tpu.memory_space<vmem_shared>>) dst(%dma_wait3A_211 : memref<16x128xf32, #tpu.memory_space<hbm>>)
        tpu.yield
      }) : () -> ()
    } else {
    }
    return
  }
}

#map = affine_map<(d0, d1) -> (0, 0)>
#map1 = affine_map<(d0, d1) -> (0, 0, 0)>
module attributes {stable_mosaic.version = 14 : i64} {
  func.func @_agg_body(%arg0: i32, %arg1: i32, %arg2: memref<10000x128xf32, #tpu.memory_space<hbm>>, %arg3: memref<32x80x128xi32, #tpu.memory_space<hbm>>, %arg4: memref<32x80x128xi32, #tpu.memory_space<hbm>>, %arg5: memref<2x10000x128xf32, #tpu.memory_space<hbm>>, %arg6: memref<10064x128xf32, #tpu.memory_space<vmem_shared>>, %arg7: memref<80x128xi32, #tpu.memory_space<vmem>>, %arg8: memref<40x128xi32, #tpu.memory_space<vmem>>, %arg9: memref<128x128xf32, #tpu.memory_space<vmem>>, %arg10: memref<128x128xf32, #tpu.memory_space<vmem>>, %arg11: memref<!tpu.dma_semaphore, #tpu.memory_space<semaphore_mem>>, %arg12: memref<!tpu.dma_semaphore, #tpu.memory_space<semaphore_mem>>) attributes {dimension_semantics = [#tpu.dimension_semantics<core_parallel>, #tpu.dimension_semantics<subcore_parallel>], iteration_bounds = array<i64: 2, 16>, scalar_prefetch = 0 : i64, scratch_operands = 7 : i64, tpu.core_type = #tpu.core_type<sc_vector_subcore>, window_params = [{transform_indices = #map}, {transform_indices = #map1}, {transform_indices = #map1}, {transform_indices = #map1}]} {
    %mul3A = arith.constant 16 : i32
    %mul3A_0 = arith.muli %arg0, %mul3A : i32
    %add3A = arith.addi %mul3A_0, %arg1 : i32
    %broadcast_in_dim3A = arith.constant 0.000000e+00 : f32
    %broadcast_in_dim3A_1 = vector.broadcast %broadcast_in_dim3A : f32 to vector<16xf32>
    %scan3A = arith.constant 0 : i32
    %scan3A_2 = arith.constant 0 : i32
    %scan3A_3 = arith.constant 1024 : i32
    %scan3A_4 = arith.addi %scan3A_2, %scan3A_3 : i32
    %scan3A_5 = arith.constant 1 : i32
    scf.for %scan3A_201 = %scan3A_2 to %scan3A_4 step %scan3A_5  : i32 {
      %jit3A = arith.constant 8 : i32
      %div3A = arith.divsi %scan3A_201, %jit3A : i32
      %sign3A = arith.constant 0 : i32
      %sign3A_202 = arith.cmpi sgt, %scan3A_201, %sign3A : i32
      %sign3A_203 = arith.extui %sign3A_202 : i1 to i32
      %sign3A_204 = arith.constant 0 : i32
      %sign3A_205 = arith.cmpi slt, %scan3A_201, %sign3A_204 : i32
      %sign3A_206 = arith.extui %sign3A_205 : i1 to i32
      %sign3A_207 = arith.subi %sign3A_203, %sign3A_206 : i32
      %sign3A_208 = arith.constant 0 : i32
      %sign3A_209 = arith.cmpi sgt, %jit3A, %sign3A_208 : i32
      %sign3A_210 = arith.extui %sign3A_209 : i1 to i32
      %sign3A_211 = arith.constant 0 : i32
      %sign3A_212 = arith.cmpi slt, %jit3A, %sign3A_211 : i32
      %sign3A_213 = arith.extui %sign3A_212 : i1 to i32
      %sign3A_214 = arith.subi %sign3A_210, %sign3A_213 : i32
      %ne3A = arith.cmpi ne, %sign3A_207, %sign3A_214 : i32
      %rem3A = arith.remsi %scan3A_201, %jit3A : i32
      %ne3A_215 = arith.constant 0 : i32
      %ne3A_216 = arith.cmpi ne, %rem3A, %ne3A_215 : i32
      %and3A = arith.andi %ne3A, %ne3A_216 : i1
      %sub3A_217 = arith.constant 1 : i32
      %sub3A_218 = arith.subi %div3A, %sub3A_217 : i32
      %select_n3A = arith.select %and3A, %sub3A_218, %div3A : i32
      %jit3A_219 = arith.constant 8 : i32
      %eq3A_220 = arith.constant 0 : i32
      %eq3A_221 = arith.cmpi eq, %jit3A_219, %eq3A_220 : i32
      %jit3A_222 = arith.constant 1 : i32
      %select_n3A_223 = arith.select %eq3A_221, %jit3A_222, %jit3A_219 : i32
      %rem3A_224 = arith.remsi %scan3A_201, %select_n3A_223 : i32
      %ne3A_225 = arith.constant 0 : i32
      %ne3A_226 = arith.cmpi ne, %rem3A_224, %ne3A_225 : i32
      %lt3A = arith.constant 0 : i32
      %lt3A_227 = arith.cmpi slt, %rem3A_224, %lt3A : i32
      %lt3A_228 = arith.constant 0 : i32
      %lt3A_229 = arith.cmpi slt, %select_n3A_223, %lt3A_228 : i32
      %ne3A_230 = arith.xori %lt3A_227, %lt3A_229 : i1
      %and3A_231 = arith.andi %ne3A_230, %ne3A_226 : i1
      %add3A_232 = arith.addi %rem3A_224, %select_n3A_223 : i32
      %select_n3A_233 = arith.select %and3A_231, %add3A_232, %rem3A_224 : i32
      %mul3A_234 = arith.constant 16 : i32
      %mul3A_235 = arith.muli %select_n3A_233, %mul3A_234 : i32
      %swap3A = arith.index_cast %select_n3A : i32 to index
      %swap3A_236 = arith.index_cast %mul3A_235 : i32 to index
      %swap3A_237 = tpu.vector_load %arg9[%swap3A, %swap3A_236] {strides = array<i32>} : memref<128x128xf32, #tpu.memory_space<vmem>>, vector<1x16xf32>,
      %swap3A_238 = vector.shape_cast %swap3A_237 : vector<1x16xf32> to vector<16xf32>
      %swap3A_239 = vector.shape_cast %broadcast_in_dim3A_1 : vector<16xf32> to vector<1x16xf32>
      tpu.vector_store %arg9[%swap3A, %swap3A_236], %swap3A_239 {strides = array<i32>} : memref<128x128xf32, #tpu.memory_space<vmem>>, vector<1x16xf32>,
    }
    %scan3A_6 = arith.constant 1024 : i32
    %dma_start3A = arith.constant 0 : i32
    %dma_start3A_7 = arith.constant 0 : i32
    %dma_start3A_8 = tpu.memref_slice %arg3[%add3A, %dma_start3A, %dma_start3A_7] : memref<32x80x128xi32, #tpu.memory_space<hbm>> -> memref<1x80x128xi32, #tpu.memory_space<hbm>>
    %dma_start3A_9 = tpu.memref_squeeze %dma_start3A_8 : memref<1x80x128xi32, #tpu.memory_space<hbm>> -> memref<80x128xi32, #tpu.memory_space<hbm>>
    %dma_start3A_10 = arith.constant 0 : i32
    %dma_start3A_11 = arith.constant 0 : i32
    %dma_start3A_12 = tpu.memref_slice %arg3[%add3A, %dma_start3A_10, %dma_start3A_11] : memref<32x80x128xi32, #tpu.memory_space<hbm>> -> memref<1x80x128xi32, #tpu.memory_space<hbm>>
    %dma_start3A_13 = tpu.memref_squeeze %dma_start3A_12 : memref<1x80x128xi32, #tpu.memory_space<hbm>> -> memref<80x128xi32, #tpu.memory_space<hbm>>
    tpu.enqueue_dma source(%dma_start3A_13 : memref<80x128xi32, #tpu.memory_space<hbm>>) target(%arg7 : memref<80x128xi32, #tpu.memory_space<vmem>>) target_semaphore(%arg12 : memref<!tpu.dma_semaphore, #tpu.memory_space<semaphore_mem>>)
    %dma_start3A_14 = arith.constant 0 : i32
    %dma_start3A_15 = arith.constant 0 : i32
    %dma_start3A_16 = tpu.memref_slice %arg4[%add3A, %dma_start3A_14, %dma_start3A_15] : memref<32x80x128xi32, #tpu.memory_space<hbm>> -> memref<1x40x128xi32, #tpu.memory_space<hbm>>
    %dma_start3A_17 = tpu.memref_squeeze %dma_start3A_16 : memref<1x40x128xi32, #tpu.memory_space<hbm>> -> memref<40x128xi32, #tpu.memory_space<hbm>>
    %dma_start3A_18 = arith.constant 0 : i32
    %dma_start3A_19 = arith.constant 0 : i32
    %dma_start3A_20 = tpu.memref_slice %arg4[%add3A, %dma_start3A_18, %dma_start3A_19] : memref<32x80x128xi32, #tpu.memory_space<hbm>> -> memref<1x40x128xi32, #tpu.memory_space<hbm>>
    %dma_start3A_21 = tpu.memref_squeeze %dma_start3A_20 : memref<1x40x128xi32, #tpu.memory_space<hbm>> -> memref<40x128xi32, #tpu.memory_space<hbm>>
    tpu.enqueue_dma source(%dma_start3A_21 : memref<40x128xi32, #tpu.memory_space<hbm>>) target(%arg8 : memref<40x128xi32, #tpu.memory_space<vmem>>) target_semaphore(%arg12 : memref<!tpu.dma_semaphore, #tpu.memory_space<semaphore_mem>>)
    %mul3A_22 = arith.constant 624 : i32
    %mul3A_23 = arith.muli %arg1, %mul3A_22 : i32
    %add3A_24 = arith.constant 0 : i32
    %add3A_25 = arith.addi %mul3A_23, %add3A_24 : i32
    %dma_start3A_26 = arith.constant 0 : i32
    %dma_start3A_27 = tpu.memref_slice %arg6[%add3A_25, %dma_start3A_26] : memref<10064x128xf32, #tpu.memory_space<vmem_shared>> -> memref<128x128xf32, #tpu.memory_space<vmem_shared>>
    %dma_start3A_28 = arith.constant 0 : i32
    %dma_start3A_29 = tpu.memref_slice %arg6[%add3A_25, %dma_start3A_28] : memref<10064x128xf32, #tpu.memory_space<vmem_shared>> -> memref<128x128xf32, #tpu.memory_space<vmem_shared>>
    tpu.enqueue_dma source(%arg9 : memref<128x128xf32, #tpu.memory_space<vmem>>) target(%dma_start3A_29 : memref<128x128xf32, #tpu.memory_space<vmem_shared>>) target_semaphore(%arg11 : memref<!tpu.dma_semaphore, #tpu.memory_space<semaphore_mem>>)
    %mul3A_30 = arith.constant 624 : i32
    %mul3A_31 = arith.muli %arg1, %mul3A_30 : i32
    %add3A_32 = arith.constant 128 : i32
    %add3A_33 = arith.addi %mul3A_31, %add3A_32 : i32
    %dma_start3A_34 = arith.constant 0 : i32
    %dma_start3A_35 = tpu.memref_slice %arg6[%add3A_33, %dma_start3A_34] : memref<10064x128xf32, #tpu.memory_space<vmem_shared>> -> memref<128x128xf32, #tpu.memory_space<vmem_shared>>
    %dma_start3A_36 = arith.constant 0 : i32
    %dma_start3A_37 = tpu.memref_slice %arg6[%add3A_33, %dma_start3A_36] : memref<10064x128xf32, #tpu.memory_space<vmem_shared>> -> memref<128x128xf32, #tpu.memory_space<vmem_shared>>
    tpu.enqueue_dma source(%arg9 : memref<128x128xf32, #tpu.memory_space<vmem>>) target(%dma_start3A_37 : memref<128x128xf32, #tpu.memory_space<vmem_shared>>) target_semaphore(%arg11 : memref<!tpu.dma_semaphore, #tpu.memory_space<semaphore_mem>>)
    %mul3A_38 = arith.constant 624 : i32
    %mul3A_39 = arith.muli %arg1, %mul3A_38 : i32
    %add3A_40 = arith.constant 256 : i32
    %add3A_41 = arith.addi %mul3A_39, %add3A_40 : i32
    %dma_start3A_42 = arith.constant 0 : i32
    %dma_start3A_43 = tpu.memref_slice %arg6[%add3A_41, %dma_start3A_42] : memref<10064x128xf32, #tpu.memory_space<vmem_shared>> -> memref<128x128xf32, #tpu.memory_space<vmem_shared>>
    %dma_start3A_44 = arith.constant 0 : i32
    %dma_start3A_45 = tpu.memref_slice %arg6[%add3A_41, %dma_start3A_44] : memref<10064x128xf32, #tpu.memory_space<vmem_shared>> -> memref<128x128xf32, #tpu.memory_space<vmem_shared>>
    tpu.enqueue_dma source(%arg9 : memref<128x128xf32, #tpu.memory_space<vmem>>) target(%dma_start3A_45 : memref<128x128xf32, #tpu.memory_space<vmem_shared>>) target_semaphore(%arg11 : memref<!tpu.dma_semaphore, #tpu.memory_space<semaphore_mem>>)
    %mul3A_46 = arith.constant 624 : i32
    %mul3A_47 = arith.muli %arg1, %mul3A_46 : i32
    %add3A_48 = arith.constant 384 : i32
    %add3A_49 = arith.addi %mul3A_47, %add3A_48 : i32
    %dma_start3A_50 = arith.constant 0 : i32
    %dma_start3A_51 = tpu.memref_slice %arg6[%add3A_49, %dma_start3A_50] : memref<10064x128xf32, #tpu.memory_space<vmem_shared>> -> memref<128x128xf32, #tpu.memory_space<vmem_shared>>
    %dma_start3A_52 = arith.constant 0 : i32
    %dma_start3A_53 = tpu.memref_slice %arg6[%add3A_49, %dma_start3A_52] : memref<10064x128xf32, #tpu.memory_space<vmem_shared>> -> memref<128x128xf32, #tpu.memory_space<vmem_shared>>
    tpu.enqueue_dma source(%arg9 : memref<128x128xf32, #tpu.memory_space<vmem>>) target(%dma_start3A_53 : memref<128x128xf32, #tpu.memory_space<vmem_shared>>) target_semaphore(%arg11 : memref<!tpu.dma_semaphore, #tpu.memory_space<semaphore_mem>>)
    %mul3A_54 = arith.constant 624 : i32
    %mul3A_55 = arith.muli %arg1, %mul3A_54 : i32
    %add3A_56 = arith.constant 624 : i32
    %add3A_57 = arith.addi %mul3A_55, %add3A_56 : i32
    %sub3A = arith.constant 112 : i32
    %sub3A_58 = arith.subi %add3A_57, %sub3A : i32
    %dma_start3A_59 = arith.constant 0 : i32
    %dma_start3A_60 = arith.constant 0 : i32
    %dma_start3A_61 = tpu.memref_slice %arg9[%dma_start3A_59, %dma_start3A_60] : memref<128x128xf32, #tpu.memory_space<vmem>> -> memref<112x128xf32, #tpu.memory_space<vmem>>
    %dma_start3A_62 = arith.constant 0 : i32
    %dma_start3A_63 = tpu.memref_slice %arg6[%sub3A_58, %dma_start3A_62] : memref<10064x128xf32, #tpu.memory_space<vmem_shared>> -> memref<112x128xf32, #tpu.memory_space<vmem_shared>>
    %dma_start3A_64 = arith.constant 0 : i32
    %dma_start3A_65 = tpu.memref_slice %arg6[%sub3A_58, %dma_start3A_64] : memref<10064x128xf32, #tpu.memory_space<vmem_shared>> -> memref<112x128xf32, #tpu.memory_space<vmem_shared>>
    %dma_start3A_66 = arith.constant 0 : i32
    %dma_start3A_67 = arith.constant 0 : i32
    %dma_start3A_68 = tpu.memref_slice %arg9[%dma_start3A_66, %dma_start3A_67] : memref<128x128xf32, #tpu.memory_space<vmem>> -> memref<112x128xf32, #tpu.memory_space<vmem>>
    tpu.enqueue_dma source(%dma_start3A_68 : memref<112x128xf32, #tpu.memory_space<vmem>>) target(%dma_start3A_65 : memref<112x128xf32, #tpu.memory_space<vmem_shared>>) target_semaphore(%arg11 : memref<!tpu.dma_semaphore, #tpu.memory_space<semaphore_mem>>)
    %eq3A = arith.constant 0 : i32
    %eq3A_69 = arith.cmpi eq, %arg1, %eq3A : i32
    %convert_element_type3A = arith.extui %eq3A_69 : i1 to i32
    %cond3A = arith.constant 0 : i32
    %cond3A_70 = arith.cmpi ne, %convert_element_type3A, %cond3A : i32
    scf.if %cond3A_70 {
      %dma_start3A_201 = arith.constant 0 : i32
      %dma_start3A_202 = arith.constant 0 : i32
      %dma_start3A_203 = tpu.memref_slice %arg9[%dma_start3A_201, %dma_start3A_202] : memref<128x128xf32, #tpu.memory_space<vmem>> -> memref<80x128xf32, #tpu.memory_space<vmem>>
      %dma_start3A_204 = arith.constant 9984 : i32
      %dma_start3A_205 = arith.constant 0 : i32
      %dma_start3A_206 = tpu.memref_slice %arg6[%dma_start3A_204, %dma_start3A_205] : memref<10064x128xf32, #tpu.memory_space<vmem_shared>> -> memref<80x128xf32, #tpu.memory_space<vmem_shared>>
      %dma_start3A_207 = arith.constant 9984 : i32
      %dma_start3A_208 = arith.constant 0 : i32
      %dma_start3A_209 = tpu.memref_slice %arg6[%dma_start3A_207, %dma_start3A_208] : memref<10064x128xf32, #tpu.memory_space<vmem_shared>> -> memref<80x128xf32, #tpu.memory_space<vmem_shared>>
      %dma_start3A_210 = arith.constant 0 : i32
      %dma_start3A_211 = arith.constant 0 : i32
      %dma_start3A_212 = tpu.memref_slice %arg9[%dma_start3A_210, %dma_start3A_211] : memref<128x128xf32, #tpu.memory_space<vmem>> -> memref<80x128xf32, #tpu.memory_space<vmem>>
      tpu.enqueue_dma source(%dma_start3A_212 : memref<80x128xf32, #tpu.memory_space<vmem>>) target(%dma_start3A_209 : memref<80x128xf32, #tpu.memory_space<vmem_shared>>) target_semaphore(%arg11 : memref<!tpu.dma_semaphore, #tpu.memory_space<semaphore_mem>>)
    } else {
    }
    %mul3A_71 = arith.constant 624 : i32
    %mul3A_72 = arith.muli %arg1, %mul3A_71 : i32
    %add3A_73 = arith.constant 0 : i32
    %add3A_74 = arith.addi %mul3A_72, %add3A_73 : i32
    %dma_wait3A = arith.constant 0 : i32
    %dma_wait3A_75 = tpu.memref_slice %arg6[%add3A_74, %dma_wait3A] : memref<10064x128xf32, #tpu.memory_space<vmem_shared>> -> memref<128x128xf32, #tpu.memory_space<vmem_shared>>
    %dma_wait3A_76 = arith.constant 0 : i32
    %dma_wait3A_77 = tpu.memref_slice %arg6[%add3A_74, %dma_wait3A_76] : memref<10064x128xf32, #tpu.memory_space<vmem_shared>> -> memref<128x128xf32, #tpu.memory_space<vmem_shared>>
    tpu.wait_dma2 semaphore(%arg11 : memref<!tpu.dma_semaphore, #tpu.memory_space<semaphore_mem>>) src(%arg9 : memref<128x128xf32, #tpu.memory_space<vmem>>) dst(%dma_wait3A_77 : memref<128x128xf32, #tpu.memory_space<vmem_shared>>)
    %mul3A_78 = arith.constant 624 : i32
    %mul3A_79 = arith.muli %arg1, %mul3A_78 : i32
    %add3A_80 = arith.constant 128 : i32
    %add3A_81 = arith.addi %mul3A_79, %add3A_80 : i32
    %dma_wait3A_82 = arith.constant 0 : i32
    %dma_wait3A_83 = tpu.memref_slice %arg6[%add3A_81, %dma_wait3A_82] : memref<10064x128xf32, #tpu.memory_space<vmem_shared>> -> memref<128x128xf32, #tpu.memory_space<vmem_shared>>
    %dma_wait3A_84 = arith.constant 0 : i32
    %dma_wait3A_85 = tpu.memref_slice %arg6[%add3A_81, %dma_wait3A_84] : memref<10064x128xf32, #tpu.memory_space<vmem_shared>> -> memref<128x128xf32, #tpu.memory_space<vmem_shared>>
    tpu.wait_dma2 semaphore(%arg11 : memref<!tpu.dma_semaphore, #tpu.memory_space<semaphore_mem>>) src(%arg9 : memref<128x128xf32, #tpu.memory_space<vmem>>) dst(%dma_wait3A_85 : memref<128x128xf32, #tpu.memory_space<vmem_shared>>)
    %mul3A_86 = arith.constant 624 : i32
    %mul3A_87 = arith.muli %arg1, %mul3A_86 : i32
    %add3A_88 = arith.constant 256 : i32
    %add3A_89 = arith.addi %mul3A_87, %add3A_88 : i32
    %dma_wait3A_90 = arith.constant 0 : i32
    %dma_wait3A_91 = tpu.memref_slice %arg6[%add3A_89, %dma_wait3A_90] : memref<10064x128xf32, #tpu.memory_space<vmem_shared>> -> memref<128x128xf32, #tpu.memory_space<vmem_shared>>
    %dma_wait3A_92 = arith.constant 0 : i32
    %dma_wait3A_93 = tpu.memref_slice %arg6[%add3A_89, %dma_wait3A_92] : memref<10064x128xf32, #tpu.memory_space<vmem_shared>> -> memref<128x128xf32, #tpu.memory_space<vmem_shared>>
    tpu.wait_dma2 semaphore(%arg11 : memref<!tpu.dma_semaphore, #tpu.memory_space<semaphore_mem>>) src(%arg9 : memref<128x128xf32, #tpu.memory_space<vmem>>) dst(%dma_wait3A_93 : memref<128x128xf32, #tpu.memory_space<vmem_shared>>)
    %mul3A_94 = arith.constant 624 : i32
    %mul3A_95 = arith.muli %arg1, %mul3A_94 : i32
    %add3A_96 = arith.constant 384 : i32
    %add3A_97 = arith.addi %mul3A_95, %add3A_96 : i32
    %dma_wait3A_98 = arith.constant 0 : i32
    %dma_wait3A_99 = tpu.memref_slice %arg6[%add3A_97, %dma_wait3A_98] : memref<10064x128xf32, #tpu.memory_space<vmem_shared>> -> memref<128x128xf32, #tpu.memory_space<vmem_shared>>
    %dma_wait3A_100 = arith.constant 0 : i32
    %dma_wait3A_101 = tpu.memref_slice %arg6[%add3A_97, %dma_wait3A_100] : memref<10064x128xf32, #tpu.memory_space<vmem_shared>> -> memref<128x128xf32, #tpu.memory_space<vmem_shared>>
    tpu.wait_dma2 semaphore(%arg11 : memref<!tpu.dma_semaphore, #tpu.memory_space<semaphore_mem>>) src(%arg9 : memref<128x128xf32, #tpu.memory_space<vmem>>) dst(%dma_wait3A_101 : memref<128x128xf32, #tpu.memory_space<vmem_shared>>)
    %mul3A_102 = arith.constant 624 : i32
    %mul3A_103 = arith.muli %arg1, %mul3A_102 : i32
    %add3A_104 = arith.constant 624 : i32
    %add3A_105 = arith.addi %mul3A_103, %add3A_104 : i32
    %sub3A_106 = arith.constant 112 : i32
    %sub3A_107 = arith.subi %add3A_105, %sub3A_106 : i32
    %dma_wait3A_108 = arith.constant 0 : i32
    %dma_wait3A_109 = arith.constant 0 : i32
    %dma_wait3A_110 = tpu.memref_slice %arg9[%dma_wait3A_108, %dma_wait3A_109] : memref<128x128xf32, #tpu.memory_space<vmem>> -> memref<112x128xf32, #tpu.memory_space<vmem>>
    %dma_wait3A_111 = arith.constant 0 : i32
    %dma_wait3A_112 = tpu.memref_slice %arg6[%sub3A_107, %dma_wait3A_111] : memref<10064x128xf32, #tpu.memory_space<vmem_shared>> -> memref<112x128xf32, #tpu.memory_space<vmem_shared>>
    %dma_wait3A_113 = arith.constant 0 : i32
    %dma_wait3A_114 = tpu.memref_slice %arg6[%sub3A_107, %dma_wait3A_113] : memref<10064x128xf32, #tpu.memory_space<vmem_shared>> -> memref<112x128xf32, #tpu.memory_space<vmem_shared>>
    %dma_wait3A_115 = arith.constant 0 : i32
    %dma_wait3A_116 = arith.constant 0 : i32
    %dma_wait3A_117 = tpu.memref_slice %arg9[%dma_wait3A_115, %dma_wait3A_116] : memref<128x128xf32, #tpu.memory_space<vmem>> -> memref<112x128xf32, #tpu.memory_space<vmem>>
    tpu.wait_dma2 semaphore(%arg11 : memref<!tpu.dma_semaphore, #tpu.memory_space<semaphore_mem>>) src(%dma_wait3A_117 : memref<112x128xf32, #tpu.memory_space<vmem>>) dst(%dma_wait3A_114 : memref<112x128xf32, #tpu.memory_space<vmem_shared>>)
    %eq3A_118 = arith.constant 0 : i32
    %eq3A_119 = arith.cmpi eq, %arg1, %eq3A_118 : i32
    %convert_element_type3A_120 = arith.extui %eq3A_119 : i1 to i32
    %cond3A_121 = arith.constant 0 : i32
    %cond3A_122 = arith.cmpi ne, %convert_element_type3A_120, %cond3A_121 : i32
    scf.if %cond3A_122 {
      %dma_wait3A_201 = arith.constant 0 : i32
      %dma_wait3A_202 = arith.constant 0 : i32
      %dma_wait3A_203 = tpu.memref_slice %arg9[%dma_wait3A_201, %dma_wait3A_202] : memref<128x128xf32, #tpu.memory_space<vmem>> -> memref<80x128xf32, #tpu.memory_space<vmem>>
      %dma_wait3A_204 = arith.constant 9984 : i32
      %dma_wait3A_205 = arith.constant 0 : i32
      %dma_wait3A_206 = tpu.memref_slice %arg6[%dma_wait3A_204, %dma_wait3A_205] : memref<10064x128xf32, #tpu.memory_space<vmem_shared>> -> memref<80x128xf32, #tpu.memory_space<vmem_shared>>
      %dma_wait3A_207 = arith.constant 9984 : i32
      %dma_wait3A_208 = arith.constant 0 : i32
      %dma_wait3A_209 = tpu.memref_slice %arg6[%dma_wait3A_207, %dma_wait3A_208] : memref<10064x128xf32, #tpu.memory_space<vmem_shared>> -> memref<80x128xf32, #tpu.memory_space<vmem_shared>>
      %dma_wait3A_210 = arith.constant 0 : i32
      %dma_wait3A_211 = arith.constant 0 : i32
      %dma_wait3A_212 = tpu.memref_slice %arg9[%dma_wait3A_210, %dma_wait3A_211] : memref<128x128xf32, #tpu.memory_space<vmem>> -> memref<80x128xf32, #tpu.memory_space<vmem>>
      tpu.wait_dma2 semaphore(%arg11 : memref<!tpu.dma_semaphore, #tpu.memory_space<semaphore_mem>>) src(%dma_wait3A_212 : memref<80x128xf32, #tpu.memory_space<vmem>>) dst(%dma_wait3A_209 : memref<80x128xf32, #tpu.memory_space<vmem_shared>>)
    } else {
    }
    %dma_wait3A_123 = arith.constant 0 : i32
    %dma_wait3A_124 = arith.constant 0 : i32
    %dma_wait3A_125 = tpu.memref_slice %arg3[%add3A, %dma_wait3A_123, %dma_wait3A_124] : memref<32x80x128xi32, #tpu.memory_space<hbm>> -> memref<1x80x128xi32, #tpu.memory_space<hbm>>
    %dma_wait3A_126 = tpu.memref_squeeze %dma_wait3A_125 : memref<1x80x128xi32, #tpu.memory_space<hbm>> -> memref<80x128xi32, #tpu.memory_space<hbm>>
    %dma_wait3A_127 = arith.constant 0 : i32
    %dma_wait3A_128 = arith.constant 0 : i32
    %dma_wait3A_129 = tpu.memref_slice %arg3[%add3A, %dma_wait3A_127, %dma_wait3A_128] : memref<32x80x128xi32, #tpu.memory_space<hbm>> -> memref<1x80x128xi32, #tpu.memory_space<hbm>>
    %dma_wait3A_130 = tpu.memref_squeeze %dma_wait3A_129 : memref<1x80x128xi32, #tpu.memory_space<hbm>> -> memref<80x128xi32, #tpu.memory_space<hbm>>
    tpu.wait_dma2 semaphore(%arg12 : memref<!tpu.dma_semaphore, #tpu.memory_space<semaphore_mem>>) src(%dma_wait3A_130 : memref<80x128xi32, #tpu.memory_space<hbm>>) dst(%arg7 : memref<80x128xi32, #tpu.memory_space<vmem>>)
    %dma_wait3A_131 = arith.constant 0 : i32
    %dma_wait3A_132 = arith.constant 0 : i32
    %dma_wait3A_133 = tpu.memref_slice %arg4[%add3A, %dma_wait3A_131, %dma_wait3A_132] : memref<32x80x128xi32, #tpu.memory_space<hbm>> -> memref<1x40x128xi32, #tpu.memory_space<hbm>>
    %dma_wait3A_134 = tpu.memref_squeeze %dma_wait3A_133 : memref<1x40x128xi32, #tpu.memory_space<hbm>> -> memref<40x128xi32, #tpu.memory_space<hbm>>
    %dma_wait3A_135 = arith.constant 0 : i32
    %dma_wait3A_136 = arith.constant 0 : i32
    %dma_wait3A_137 = tpu.memref_slice %arg4[%add3A, %dma_wait3A_135, %dma_wait3A_136] : memref<32x80x128xi32, #tpu.memory_space<hbm>> -> memref<1x40x128xi32, #tpu.memory_space<hbm>>
    %dma_wait3A_138 = tpu.memref_squeeze %dma_wait3A_137 : memref<1x40x128xi32, #tpu.memory_space<hbm>> -> memref<40x128xi32, #tpu.memory_space<hbm>>
    tpu.wait_dma2 semaphore(%arg12 : memref<!tpu.dma_semaphore, #tpu.memory_space<semaphore_mem>>) src(%dma_wait3A_138 : memref<40x128xi32, #tpu.memory_space<hbm>>) dst(%arg8 : memref<40x128xi32, #tpu.memory_space<vmem>>)
    %barrier3A = arith.constant 0 : index
    tpu.barrier barrier_id(%barrier3A)
    %dma_start3A_139 = arith.constant 0 : i32
    %dma_start3A_140 = arith.constant 0 : i32
    %dma_start3A_141 = arith.constant 0 : i32
    %dma_start3A_142 = tpu.memref_slice %arg9[%dma_start3A_140, %dma_start3A_141] : memref<128x128xf32, #tpu.memory_space<vmem>> -> memref<64x128xf32, #tpu.memory_space<vmem>>
    %dma_start3A_143 = arith.constant 0 : i32
    %dma_start3A_144 = tpu.memref_slice %arg7[%dma_start3A_139, %dma_start3A_143] : memref<80x128xi32, #tpu.memory_space<vmem>> -> memref<1x64xi32, #tpu.memory_space<vmem>>
    %dma_start3A_145 = tpu.memref_squeeze %dma_start3A_144 : memref<1x64xi32, #tpu.memory_space<vmem>> -> memref<64xi32, #tpu.memory_space<vmem>>
    %dma_start3A_146 = arith.constant 0 : i32
    %dma_start3A_147 = arith.constant 0 : i32
    %dma_start3A_148 = tpu.memref_slice %arg2[%dma_start3A_146, %dma_start3A_147] : memref<10000x128xf32, #tpu.memory_space<hbm>> -> memref<10000x128xf32, #tpu.memory_space<hbm>>
    tpu.enqueue_indirect_dma source(%dma_start3A_148 : memref<10000x128xf32, #tpu.memory_space<hbm>>) target(%dma_start3A_142 : memref<64x128xf32, #tpu.memory_space<vmem>>) offsets(%dma_start3A_145 : memref<64xi32, #tpu.memory_space<vmem>>) semaphore(%arg11 : memref<!tpu.dma_semaphore, #tpu.memory_space<semaphore_mem>>)
    %dma_start3A_149 = arith.constant 0 : i32
    %dma_start3A_150 = arith.constant 64 : i32
    %dma_start3A_151 = arith.constant 0 : i32
    %dma_start3A_152 = tpu.memref_slice %arg9[%dma_start3A_150, %dma_start3A_151] : memref<128x128xf32, #tpu.memory_space<vmem>> -> memref<64x128xf32, #tpu.memory_space<vmem>>
    %dma_start3A_153 = arith.constant 64 : i32
    %dma_start3A_154 = tpu.memref_slice %arg7[%dma_start3A_149, %dma_start3A_153] : memref<80x128xi32, #tpu.memory_space<vmem>> -> memref<1x64xi32, #tpu.memory_space<vmem>>
    %dma_start3A_155 = tpu.memref_squeeze %dma_start3A_154 : memref<1x64xi32, #tpu.memory_space<vmem>> -> memref<64xi32, #tpu.memory_space<vmem>>
    %dma_start3A_156 = arith.constant 0 : i32
    %dma_start3A_157 = arith.constant 0 : i32
    %dma_start3A_158 = tpu.memref_slice %arg2[%dma_start3A_156, %dma_start3A_157] : memref<10000x128xf32, #tpu.memory_space<hbm>> -> memref<10000x128xf32, #tpu.memory_space<hbm>>
    tpu.enqueue_indirect_dma source(%dma_start3A_158 : memref<10000x128xf32, #tpu.memory_space<hbm>>) target(%dma_start3A_152 : memref<64x128xf32, #tpu.memory_space<vmem>>) offsets(%dma_start3A_155 : memref<64xi32, #tpu.memory_space<vmem>>) semaphore(%arg11 : memref<!tpu.dma_semaphore, #tpu.memory_space<semaphore_mem>>)
    %dma_start3A_159 = arith.constant 1 : i32
    %dma_start3A_160 = arith.constant 0 : i32
    %dma_start3A_161 = arith.constant 0 : i32
    %dma_start3A_162 = tpu.memref_slice %arg10[%dma_start3A_160, %dma_start3A_161] : memref<128x128xf32, #tpu.memory_space<vmem>> -> memref<64x128xf32, #tpu.memory_space<vmem>>
    %dma_start3A_163 = arith.constant 0 : i32
    %dma_start3A_164 = tpu.memref_slice %arg7[%dma_start3A_159, %dma_start3A_163] : memref<80x128xi32, #tpu.memory_space<vmem>> -> memref<1x64xi32, #tpu.memory_space<vmem>>
    %dma_start3A_165 = tpu.memref_squeeze %dma_start3A_164 : memref<1x64xi32, #tpu.memory_space<vmem>> -> memref<64xi32, #tpu.memory_space<vmem>>
    %dma_start3A_166 = arith.constant 0 : i32
    %dma_start3A_167 = arith.constant 0 : i32
    %dma_start3A_168 = tpu.memref_slice %arg2[%dma_start3A_166, %dma_start3A_167] : memref<10000x128xf32, #tpu.memory_space<hbm>> -> memref<10000x128xf32, #tpu.memory_space<hbm>>
    tpu.enqueue_indirect_dma source(%dma_start3A_168 : memref<10000x128xf32, #tpu.memory_space<hbm>>) target(%dma_start3A_162 : memref<64x128xf32, #tpu.memory_space<vmem>>) offsets(%dma_start3A_165 : memref<64xi32, #tpu.memory_space<vmem>>) semaphore(%arg12 : memref<!tpu.dma_semaphore, #tpu.memory_space<semaphore_mem>>)
    %dma_start3A_169 = arith.constant 1 : i32
    %dma_start3A_170 = arith.constant 64 : i32
    %dma_start3A_171 = arith.constant 0 : i32
    %dma_start3A_172 = tpu.memref_slice %arg10[%dma_start3A_170, %dma_start3A_171] : memref<128x128xf32, #tpu.memory_space<vmem>> -> memref<64x128xf32, #tpu.memory_space<vmem>>
    %dma_start3A_173 = arith.constant 64 : i32
    %dma_start3A_174 = tpu.memref_slice %arg7[%dma_start3A_169, %dma_start3A_173] : memref<80x128xi32, #tpu.memory_space<vmem>> -> memref<1x64xi32, #tpu.memory_space<vmem>>
    %dma_start3A_175 = tpu.memref_squeeze %dma_start3A_174 : memref<1x64xi32, #tpu.memory_space<vmem>> -> memref<64xi32, #tpu.memory_space<vmem>>
    %dma_start3A_176 = arith.constant 0 : i32
    %dma_start3A_177 = arith.constant 0 : i32
    %dma_start3A_178 = tpu.memref_slice %arg2[%dma_start3A_176, %dma_start3A_177] : memref<10000x128xf32, #tpu.memory_space<hbm>> -> memref<10000x128xf32, #tpu.memory_space<hbm>>
    tpu.enqueue_indirect_dma source(%dma_start3A_178 : memref<10000x128xf32, #tpu.memory_space<hbm>>) target(%dma_start3A_172 : memref<64x128xf32, #tpu.memory_space<vmem>>) offsets(%dma_start3A_175 : memref<64xi32, #tpu.memory_space<vmem>>) semaphore(%arg12 : memref<!tpu.dma_semaphore, #tpu.memory_space<semaphore_mem>>)
    %scan3A_179 = arith.constant 0 : i32
    %scan3A_180 = arith.constant 0 : i32
    %scan3A_181 = arith.constant 20 : i32
    %scan3A_182 = arith.addi %scan3A_180, %scan3A_181 : i32
    %scan3A_183 = arith.constant 1 : i32
    scf.for %scan3A_201 = %scan3A_180 to %scan3A_182 step %scan3A_183  : i32 {
      %mul3A_202 = arith.constant 2 : i32
      %mul3A_203 = arith.muli %mul3A_202, %scan3A_201 : i32
      %add3A_204 = arith.constant 0 : i32
      %add3A_205 = arith.addi %add3A_204, %mul3A_203 : i32
      %add3A_206 = arith.constant 0 : i32
      %add3A_207 = arith.addi %add3A_205, %add3A_206 : i32
      %dma_wait3A_208 = arith.constant 0 : i32
      %dma_wait3A_209 = arith.constant 0 : i32
      %dma_wait3A_210 = tpu.memref_slice %arg9[%dma_wait3A_208, %dma_wait3A_209] : memref<128x128xf32, #tpu.memory_space<vmem>> -> memref<64x128xf32, #tpu.memory_space<vmem>>
      %dma_wait3A_211 = arith.constant 0 : i32
      %dma_wait3A_212 = tpu.memref_slice %arg7[%add3A_207, %dma_wait3A_211] : memref<80x128xi32, #tpu.memory_space<vmem>> -> memref<1x64xi32, #tpu.memory_space<vmem>>
      %dma_wait3A_213 = tpu.memref_squeeze %dma_wait3A_212 : memref<1x64xi32, #tpu.memory_space<vmem>> -> memref<64xi32, #tpu.memory_space<vmem>>
      %dma_wait3A_214 = arith.constant 0 : i32
      %dma_wait3A_215 = arith.constant 0 : i32
      %dma_wait3A_216 = tpu.memref_slice %arg2[%dma_wait3A_214, %dma_wait3A_215] : memref<10000x128xf32, #tpu.memory_space<hbm>> -> memref<10000x128xf32, #tpu.memory_space<hbm>>
      tpu.wait_indirect_dma semaphore(%arg11 : memref<!tpu.dma_semaphore, #tpu.memory_space<semaphore_mem>>) src(%dma_wait3A_216 : memref<10000x128xf32, #tpu.memory_space<hbm>>) dst(%dma_wait3A_210 : memref<64x128xf32, #tpu.memory_space<vmem>>)
      %dma_wait3A_217 = arith.constant 64 : i32
      %dma_wait3A_218 = arith.constant 0 : i32
      %dma_wait3A_219 = tpu.memref_slice %arg9[%dma_wait3A_217, %dma_wait3A_218] : memref<128x128xf32, #tpu.memory_space<vmem>> -> memref<64x128xf32, #tpu.memory_space<vmem>>
      %dma_wait3A_220 = arith.constant 64 : i32
      %dma_wait3A_221 = tpu.memref_slice %arg7[%add3A_207, %dma_wait3A_220] : memref<80x128xi32, #tpu.memory_space<vmem>> -> memref<1x64xi32, #tpu.memory_space<vmem>>
      %dma_wait3A_222 = tpu.memref_squeeze %dma_wait3A_221 : memref<1x64xi32, #tpu.memory_space<vmem>> -> memref<64xi32, #tpu.memory_space<vmem>>
      %dma_wait3A_223 = arith.constant 0 : i32
      %dma_wait3A_224 = arith.constant 0 : i32
      %dma_wait3A_225 = tpu.memref_slice %arg2[%dma_wait3A_223, %dma_wait3A_224] : memref<10000x128xf32, #tpu.memory_space<hbm>> -> memref<10000x128xf32, #tpu.memory_space<hbm>>
      tpu.wait_indirect_dma semaphore(%arg11 : memref<!tpu.dma_semaphore, #tpu.memory_space<semaphore_mem>>) src(%dma_wait3A_225 : memref<10000x128xf32, #tpu.memory_space<hbm>>) dst(%dma_wait3A_219 : memref<64x128xf32, #tpu.memory_space<vmem>>)
      %sub3A_226 = arith.constant 0 : i32
      %sub3A_227 = arith.subi %add3A_207, %sub3A_226 : i32
      "tpu.region"() ({
        %run_scoped3A = tpu.sem_alloc : memref<!tpu.dma_semaphore, #tpu.memory_space<semaphore_mem>>
        %dma_start3A_267 = arith.constant 0 : i32
        %dma_start3A_268 = tpu.memref_slice %arg8[%sub3A_227, %dma_start3A_267] : memref<40x128xi32, #tpu.memory_space<vmem>> -> memref<1x128xi32, #tpu.memory_space<vmem>>
        %dma_start3A_269 = tpu.memref_squeeze %dma_start3A_268 : memref<1x128xi32, #tpu.memory_space<vmem>> -> memref<128xi32, #tpu.memory_space<vmem>>
        %dma_start3A_270 = arith.constant 0 : i32
        %dma_start3A_271 = arith.constant 0 : i32
        %dma_start3A_272 = tpu.memref_slice %arg6[%dma_start3A_270, %dma_start3A_271] : memref<10064x128xf32, #tpu.memory_space<vmem_shared>> -> memref<10064x128xf32, #tpu.memory_space<vmem_shared>>
        tpu.enqueue_indirect_dma source(%arg9 : memref<128x128xf32, #tpu.memory_space<vmem>>) target(%dma_start3A_272 : memref<10064x128xf32, #tpu.memory_space<vmem_shared>>) offsets(%dma_start3A_269 : memref<128xi32, #tpu.memory_space<vmem>>) semaphore(%run_scoped3A : memref<!tpu.dma_semaphore, #tpu.memory_space<semaphore_mem>>) {add = true}
        %dma_wait3A_273 = arith.constant 0 : i32
        %dma_wait3A_274 = tpu.memref_slice %arg8[%sub3A_227, %dma_wait3A_273] : memref<40x128xi32, #tpu.memory_space<vmem>> -> memref<1x128xi32, #tpu.memory_space<vmem>>
        %dma_wait3A_275 = tpu.memref_squeeze %dma_wait3A_274 : memref<1x128xi32, #tpu.memory_space<vmem>> -> memref<128xi32, #tpu.memory_space<vmem>>
        %dma_wait3A_276 = arith.constant 0 : i32
        %dma_wait3A_277 = arith.constant 0 : i32
        %dma_wait3A_278 = tpu.memref_slice %arg6[%dma_wait3A_276, %dma_wait3A_277] : memref<10064x128xf32, #tpu.memory_space<vmem_shared>> -> memref<10064x128xf32, #tpu.memory_space<vmem_shared>>
        tpu.wait_indirect_dma semaphore(%run_scoped3A : memref<!tpu.dma_semaphore, #tpu.memory_space<semaphore_mem>>) src(%arg9 : memref<128x128xf32, #tpu.memory_space<vmem>>) dst(%dma_wait3A_278 : memref<10064x128xf32, #tpu.memory_space<vmem_shared>>)
        tpu.yield
      }) : () -> ()
      %add3A_228 = arith.constant 2 : i32
      %add3A_229 = arith.addi %add3A_207, %add3A_228 : i32
      %lt3A = arith.constant 80 : i32
      %lt3A_230 = arith.cmpi slt, %add3A_229, %lt3A : i32
      %convert_element_type3A_231 = arith.extui %lt3A_230 : i1 to i32
      %cond3A_232 = arith.constant 0 : i32
      %cond3A_233 = arith.cmpi ne, %convert_element_type3A_231, %cond3A_232 : i32
      scf.if %cond3A_233 {
        %add3A_267 = arith.constant 2 : i32
        %add3A_268 = arith.addi %add3A_207, %add3A_267 : i32
        %dma_start3A_269 = arith.constant 0 : i32
        %dma_start3A_270 = arith.constant 0 : i32
        %dma_start3A_271 = tpu.memref_slice %arg9[%dma_start3A_269, %dma_start3A_270] : memref<128x128xf32, #tpu.memory_space<vmem>> -> memref<64x128xf32, #tpu.memory_space<vmem>>
        %dma_start3A_272 = arith.constant 0 : i32
        %dma_start3A_273 = tpu.memref_slice %arg7[%add3A_268, %dma_start3A_272] : memref<80x128xi32, #tpu.memory_space<vmem>> -> memref<1x64xi32, #tpu.memory_space<vmem>>
        %dma_start3A_274 = tpu.memref_squeeze %dma_start3A_273 : memref<1x64xi32, #tpu.memory_space<vmem>> -> memref<64xi32, #tpu.memory_space<vmem>>
        %dma_start3A_275 = arith.constant 0 : i32
        %dma_start3A_276 = arith.constant 0 : i32
        %dma_start3A_277 = tpu.memref_slice %arg2[%dma_start3A_275, %dma_start3A_276] : memref<10000x128xf32, #tpu.memory_space<hbm>> -> memref<10000x128xf32, #tpu.memory_space<hbm>>
        tpu.enqueue_indirect_dma source(%dma_start3A_277 : memref<10000x128xf32, #tpu.memory_space<hbm>>) target(%dma_start3A_271 : memref<64x128xf32, #tpu.memory_space<vmem>>) offsets(%dma_start3A_274 : memref<64xi32, #tpu.memory_space<vmem>>) semaphore(%arg11 : memref<!tpu.dma_semaphore, #tpu.memory_space<semaphore_mem>>)
        %dma_start3A_278 = arith.constant 64 : i32
        %dma_start3A_279 = arith.constant 0 : i32
        %dma_start3A_280 = tpu.memref_slice %arg9[%dma_start3A_278, %dma_start3A_279] : memref<128x128xf32, #tpu.memory_space<vmem>> -> memref<64x128xf32, #tpu.memory_space<vmem>>
        %dma_start3A_281 = arith.constant 64 : i32
        %dma_start3A_282 = tpu.memref_slice %arg7[%add3A_268, %dma_start3A_281] : memref<80x128xi32, #tpu.memory_space<vmem>> -> memref<1x64xi32, #tpu.memory_space<vmem>>
        %dma_start3A_283 = tpu.memref_squeeze %dma_start3A_282 : memref<1x64xi32, #tpu.memory_space<vmem>> -> memref<64xi32, #tpu.memory_space<vmem>>
        %dma_start3A_284 = arith.constant 0 : i32
        %dma_start3A_285 = arith.constant 0 : i32
        %dma_start3A_286 = tpu.memref_slice %arg2[%dma_start3A_284, %dma_start3A_285] : memref<10000x128xf32, #tpu.memory_space<hbm>> -> memref<10000x128xf32, #tpu.memory_space<hbm>>
        tpu.enqueue_indirect_dma source(%dma_start3A_286 : memref<10000x128xf32, #tpu.memory_space<hbm>>) target(%dma_start3A_280 : memref<64x128xf32, #tpu.memory_space<vmem>>) offsets(%dma_start3A_283 : memref<64xi32, #tpu.memory_space<vmem>>) semaphore(%arg11 : memref<!tpu.dma_semaphore, #tpu.memory_space<semaphore_mem>>)
      } else {
      }
      %mul3A_234 = arith.constant 2 : i32
      %mul3A_235 = arith.muli %mul3A_234, %scan3A_201 : i32
      %add3A_236 = arith.constant 0 : i32
      %add3A_237 = arith.addi %add3A_236, %mul3A_235 : i32
      %add3A_238 = arith.constant 1 : i32
      %add3A_239 = arith.addi %add3A_237, %add3A_238 : i32
      %dma_wait3A_240 = arith.constant 0 : i32
      %dma_wait3A_241 = arith.constant 0 : i32
      %dma_wait3A_242 = tpu.memref_slice %arg10[%dma_wait3A_240, %dma_wait3A_241] : memref<128x128xf32, #tpu.memory_space<vmem>> -> memref<64x128xf32, #tpu.memory_space<vmem>>
      %dma_wait3A_243 = arith.constant 0 : i32
      %dma_wait3A_244 = tpu.memref_slice %arg7[%add3A_239, %dma_wait3A_243] : memref<80x128xi32, #tpu.memory_space<vmem>> -> memref<1x64xi32, #tpu.memory_space<vmem>>
      %dma_wait3A_245 = tpu.memref_squeeze %dma_wait3A_244 : memref<1x64xi32, #tpu.memory_space<vmem>> -> memref<64xi32, #tpu.memory_space<vmem>>
      %dma_wait3A_246 = arith.constant 0 : i32
      %dma_wait3A_247 = arith.constant 0 : i32
      %dma_wait3A_248 = tpu.memref_slice %arg2[%dma_wait3A_246, %dma_wait3A_247] : memref<10000x128xf32, #tpu.memory_space<hbm>> -> memref<10000x128xf32, #tpu.memory_space<hbm>>
      tpu.wait_indirect_dma semaphore(%arg12 : memref<!tpu.dma_semaphore, #tpu.memory_space<semaphore_mem>>) src(%dma_wait3A_248 : memref<10000x128xf32, #tpu.memory_space<hbm>>) dst(%dma_wait3A_242 : memref<64x128xf32, #tpu.memory_space<vmem>>)
      %dma_wait3A_249 = arith.constant 64 : i32
      %dma_wait3A_250 = arith.constant 0 : i32
      %dma_wait3A_251 = tpu.memref_slice %arg10[%dma_wait3A_249, %dma_wait3A_250] : memref<128x128xf32, #tpu.memory_space<vmem>> -> memref<64x128xf32, #tpu.memory_space<vmem>>
      %dma_wait3A_252 = arith.constant 64 : i32
      %dma_wait3A_253 = tpu.memref_slice %arg7[%add3A_239, %dma_wait3A_252] : memref<80x128xi32, #tpu.memory_space<vmem>> -> memref<1x64xi32, #tpu.memory_space<vmem>>
      %dma_wait3A_254 = tpu.memref_squeeze %dma_wait3A_253 : memref<1x64xi32, #tpu.memory_space<vmem>> -> memref<64xi32, #tpu.memory_space<vmem>>
      %dma_wait3A_255 = arith.constant 0 : i32
      %dma_wait3A_256 = arith.constant 0 : i32
      %dma_wait3A_257 = tpu.memref_slice %arg2[%dma_wait3A_255, %dma_wait3A_256] : memref<10000x128xf32, #tpu.memory_space<hbm>> -> memref<10000x128xf32, #tpu.memory_space<hbm>>
      tpu.wait_indirect_dma semaphore(%arg12 : memref<!tpu.dma_semaphore, #tpu.memory_space<semaphore_mem>>) src(%dma_wait3A_257 : memref<10000x128xf32, #tpu.memory_space<hbm>>) dst(%dma_wait3A_251 : memref<64x128xf32, #tpu.memory_space<vmem>>)
      %sub3A_258 = arith.constant 0 : i32
      %sub3A_259 = arith.subi %add3A_239, %sub3A_258 : i32
      "tpu.region"() ({
        %run_scoped3A = tpu.sem_alloc : memref<!tpu.dma_semaphore, #tpu.memory_space<semaphore_mem>>
        %dma_start3A_267 = arith.constant 0 : i32
        %dma_start3A_268 = tpu.memref_slice %arg8[%sub3A_259, %dma_start3A_267] : memref<40x128xi32, #tpu.memory_space<vmem>> -> memref<1x128xi32, #tpu.memory_space<vmem>>
        %dma_start3A_269 = tpu.memref_squeeze %dma_start3A_268 : memref<1x128xi32, #tpu.memory_space<vmem>> -> memref<128xi32, #tpu.memory_space<vmem>>
        %dma_start3A_270 = arith.constant 0 : i32
        %dma_start3A_271 = arith.constant 0 : i32
        %dma_start3A_272 = tpu.memref_slice %arg6[%dma_start3A_270, %dma_start3A_271] : memref<10064x128xf32, #tpu.memory_space<vmem_shared>> -> memref<10064x128xf32, #tpu.memory_space<vmem_shared>>
        tpu.enqueue_indirect_dma source(%arg10 : memref<128x128xf32, #tpu.memory_space<vmem>>) target(%dma_start3A_272 : memref<10064x128xf32, #tpu.memory_space<vmem_shared>>) offsets(%dma_start3A_269 : memref<128xi32, #tpu.memory_space<vmem>>) semaphore(%run_scoped3A : memref<!tpu.dma_semaphore, #tpu.memory_space<semaphore_mem>>) {add = true}
        %dma_wait3A_273 = arith.constant 0 : i32
        %dma_wait3A_274 = tpu.memref_slice %arg8[%sub3A_259, %dma_wait3A_273] : memref<40x128xi32, #tpu.memory_space<vmem>> -> memref<1x128xi32, #tpu.memory_space<vmem>>
        %dma_wait3A_275 = tpu.memref_squeeze %dma_wait3A_274 : memref<1x128xi32, #tpu.memory_space<vmem>> -> memref<128xi32, #tpu.memory_space<vmem>>
        %dma_wait3A_276 = arith.constant 0 : i32
        %dma_wait3A_277 = arith.constant 0 : i32
        %dma_wait3A_278 = tpu.memref_slice %arg6[%dma_wait3A_276, %dma_wait3A_277] : memref<10064x128xf32, #tpu.memory_space<vmem_shared>> -> memref<10064x128xf32, #tpu.memory_space<vmem_shared>>
        tpu.wait_indirect_dma semaphore(%run_scoped3A : memref<!tpu.dma_semaphore, #tpu.memory_space<semaphore_mem>>) src(%arg10 : memref<128x128xf32, #tpu.memory_space<vmem>>) dst(%dma_wait3A_278 : memref<10064x128xf32, #tpu.memory_space<vmem_shared>>)
        tpu.yield
      }) : () -> ()
      %add3A_260 = arith.constant 2 : i32
      %add3A_261 = arith.addi %add3A_239, %add3A_260 : i32
      %lt3A_262 = arith.constant 80 : i32
      %lt3A_263 = arith.cmpi slt, %add3A_261, %lt3A_262 : i32
      %convert_element_type3A_264 = arith.extui %lt3A_263 : i1 to i32
      %cond3A_265 = arith.constant 0 : i32
      %cond3A_266 = arith.cmpi ne, %convert_element_type3A_264, %cond3A_265 : i32
      scf.if %cond3A_266 {
        %add3A_267 = arith.constant 2 : i32
        %add3A_268 = arith.addi %add3A_239, %add3A_267 : i32
        %dma_start3A_269 = arith.constant 0 : i32
        %dma_start3A_270 = arith.constant 0 : i32
        %dma_start3A_271 = tpu.memref_slice %arg10[%dma_start3A_269, %dma_start3A_270] : memref<128x128xf32, #tpu.memory_space<vmem>> -> memref<64x128xf32, #tpu.memory_space<vmem>>
        %dma_start3A_272 = arith.constant 0 : i32
        %dma_start3A_273 = tpu.memref_slice %arg7[%add3A_268, %dma_start3A_272] : memref<80x128xi32, #tpu.memory_space<vmem>> -> memref<1x64xi32, #tpu.memory_space<vmem>>
        %dma_start3A_274 = tpu.memref_squeeze %dma_start3A_273 : memref<1x64xi32, #tpu.memory_space<vmem>> -> memref<64xi32, #tpu.memory_space<vmem>>
        %dma_start3A_275 = arith.constant 0 : i32
        %dma_start3A_276 = arith.constant 0 : i32
        %dma_start3A_277 = tpu.memref_slice %arg2[%dma_start3A_275, %dma_start3A_276] : memref<10000x128xf32, #tpu.memory_space<hbm>> -> memref<10000x128xf32, #tpu.memory_space<hbm>>
        tpu.enqueue_indirect_dma source(%dma_start3A_277 : memref<10000x128xf32, #tpu.memory_space<hbm>>) target(%dma_start3A_271 : memref<64x128xf32, #tpu.memory_space<vmem>>) offsets(%dma_start3A_274 : memref<64xi32, #tpu.memory_space<vmem>>) semaphore(%arg12 : memref<!tpu.dma_semaphore, #tpu.memory_space<semaphore_mem>>)
        %dma_start3A_278 = arith.constant 64 : i32
        %dma_start3A_279 = arith.constant 0 : i32
        %dma_start3A_280 = tpu.memref_slice %arg10[%dma_start3A_278, %dma_start3A_279] : memref<128x128xf32, #tpu.memory_space<vmem>> -> memref<64x128xf32, #tpu.memory_space<vmem>>
        %dma_start3A_281 = arith.constant 64 : i32
        %dma_start3A_282 = tpu.memref_slice %arg7[%add3A_268, %dma_start3A_281] : memref<80x128xi32, #tpu.memory_space<vmem>> -> memref<1x64xi32, #tpu.memory_space<vmem>>
        %dma_start3A_283 = tpu.memref_squeeze %dma_start3A_282 : memref<1x64xi32, #tpu.memory_space<vmem>> -> memref<64xi32, #tpu.memory_space<vmem>>
        %dma_start3A_284 = arith.constant 0 : i32
        %dma_start3A_285 = arith.constant 0 : i32
        %dma_start3A_286 = tpu.memref_slice %arg2[%dma_start3A_284, %dma_start3A_285] : memref<10000x128xf32, #tpu.memory_space<hbm>> -> memref<10000x128xf32, #tpu.memory_space<hbm>>
        tpu.enqueue_indirect_dma source(%dma_start3A_286 : memref<10000x128xf32, #tpu.memory_space<hbm>>) target(%dma_start3A_280 : memref<64x128xf32, #tpu.memory_space<vmem>>) offsets(%dma_start3A_283 : memref<64xi32, #tpu.memory_space<vmem>>) semaphore(%arg12 : memref<!tpu.dma_semaphore, #tpu.memory_space<semaphore_mem>>)
      } else {
      }
    }
    %scan3A_184 = arith.constant 20 : i32
    "tpu.region"() ({
      %run_scoped3A = tpu.sem_alloc : memref<!tpu.dma_semaphore, #tpu.memory_space<semaphore_mem>>
      %dma_start3A_201 = arith.constant 40 : i32
      %dma_start3A_202 = arith.constant 0 : i32
      %dma_start3A_203 = tpu.memref_slice %arg4[%add3A, %dma_start3A_201, %dma_start3A_202] : memref<32x80x128xi32, #tpu.memory_space<hbm>> -> memref<1x40x128xi32, #tpu.memory_space<hbm>>
      %dma_start3A_204 = tpu.memref_squeeze %dma_start3A_203 : memref<1x40x128xi32, #tpu.memory_space<hbm>> -> memref<40x128xi32, #tpu.memory_space<hbm>>
      %dma_start3A_205 = arith.constant 40 : i32
      %dma_start3A_206 = arith.constant 0 : i32
      %dma_start3A_207 = tpu.memref_slice %arg4[%add3A, %dma_start3A_205, %dma_start3A_206] : memref<32x80x128xi32, #tpu.memory_space<hbm>> -> memref<1x40x128xi32, #tpu.memory_space<hbm>>
      %dma_start3A_208 = tpu.memref_squeeze %dma_start3A_207 : memref<1x40x128xi32, #tpu.memory_space<hbm>> -> memref<40x128xi32, #tpu.memory_space<hbm>>
      tpu.enqueue_dma source(%dma_start3A_208 : memref<40x128xi32, #tpu.memory_space<hbm>>) target(%arg8 : memref<40x128xi32, #tpu.memory_space<vmem>>) target_semaphore(%run_scoped3A : memref<!tpu.dma_semaphore, #tpu.memory_space<semaphore_mem>>)
      %dma_wait3A_209 = arith.constant 40 : i32
      %dma_wait3A_210 = arith.constant 0 : i32
      %dma_wait3A_211 = tpu.memref_slice %arg4[%add3A, %dma_wait3A_209, %dma_wait3A_210] : memref<32x80x128xi32, #tpu.memory_space<hbm>> -> memref<1x40x128xi32, #tpu.memory_space<hbm>>
      %dma_wait3A_212 = tpu.memref_squeeze %dma_wait3A_211 : memref<1x40x128xi32, #tpu.memory_space<hbm>> -> memref<40x128xi32, #tpu.memory_space<hbm>>
      %dma_wait3A_213 = arith.constant 40 : i32
      %dma_wait3A_214 = arith.constant 0 : i32
      %dma_wait3A_215 = tpu.memref_slice %arg4[%add3A, %dma_wait3A_213, %dma_wait3A_214] : memref<32x80x128xi32, #tpu.memory_space<hbm>> -> memref<1x40x128xi32, #tpu.memory_space<hbm>>
      %dma_wait3A_216 = tpu.memref_squeeze %dma_wait3A_215 : memref<1x40x128xi32, #tpu.memory_space<hbm>> -> memref<40x128xi32, #tpu.memory_space<hbm>>
      tpu.wait_dma2 semaphore(%run_scoped3A : memref<!tpu.dma_semaphore, #tpu.memory_space<semaphore_mem>>) src(%dma_wait3A_216 : memref<40x128xi32, #tpu.memory_space<hbm>>) dst(%arg8 : memref<40x128xi32, #tpu.memory_space<vmem>>)
      tpu.yield
    }) : () -> ()
    %scan3A_185 = arith.constant 0 : i32
    %scan3A_186 = arith.constant 0 : i32
    %scan3A_187 = arith.constant 20 : i32
    %scan3A_188 = arith.addi %scan3A_186, %scan3A_187 : i32
    %scan3A_189 = arith.constant 1 : i32
    scf.for %scan3A_201 = %scan3A_186 to %scan3A_188 step %scan3A_189  : i32 {
      %mul3A_202 = arith.constant 2 : i32
      %mul3A_203 = arith.muli %mul3A_202, %scan3A_201 : i32
      %add3A_204 = arith.constant 40 : i32
      %add3A_205 = arith.addi %add3A_204, %mul3A_203 : i32
      %add3A_206 = arith.constant 0 : i32
      %add3A_207 = arith.addi %add3A_205, %add3A_206 : i32
      %dma_wait3A_208 = arith.constant 0 : i32
      %dma_wait3A_209 = arith.constant 0 : i32
      %dma_wait3A_210 = tpu.memref_slice %arg9[%dma_wait3A_208, %dma_wait3A_209] : memref<128x128xf32, #tpu.memory_space<vmem>> -> memref<64x128xf32, #tpu.memory_space<vmem>>
      %dma_wait3A_211 = arith.constant 0 : i32
      %dma_wait3A_212 = tpu.memref_slice %arg7[%add3A_207, %dma_wait3A_211] : memref<80x128xi32, #tpu.memory_space<vmem>> -> memref<1x64xi32, #tpu.memory_space<vmem>>
      %dma_wait3A_213 = tpu.memref_squeeze %dma_wait3A_212 : memref<1x64xi32, #tpu.memory_space<vmem>> -> memref<64xi32, #tpu.memory_space<vmem>>
      %dma_wait3A_214 = arith.constant 0 : i32
      %dma_wait3A_215 = arith.constant 0 : i32
      %dma_wait3A_216 = tpu.memref_slice %arg2[%dma_wait3A_214, %dma_wait3A_215] : memref<10000x128xf32, #tpu.memory_space<hbm>> -> memref<10000x128xf32, #tpu.memory_space<hbm>>
      tpu.wait_indirect_dma semaphore(%arg11 : memref<!tpu.dma_semaphore, #tpu.memory_space<semaphore_mem>>) src(%dma_wait3A_216 : memref<10000x128xf32, #tpu.memory_space<hbm>>) dst(%dma_wait3A_210 : memref<64x128xf32, #tpu.memory_space<vmem>>)
      %dma_wait3A_217 = arith.constant 64 : i32
      %dma_wait3A_218 = arith.constant 0 : i32
      %dma_wait3A_219 = tpu.memref_slice %arg9[%dma_wait3A_217, %dma_wait3A_218] : memref<128x128xf32, #tpu.memory_space<vmem>> -> memref<64x128xf32, #tpu.memory_space<vmem>>
      %dma_wait3A_220 = arith.constant 64 : i32
      %dma_wait3A_221 = tpu.memref_slice %arg7[%add3A_207, %dma_wait3A_220] : memref<80x128xi32, #tpu.memory_space<vmem>> -> memref<1x64xi32, #tpu.memory_space<vmem>>
      %dma_wait3A_222 = tpu.memref_squeeze %dma_wait3A_221 : memref<1x64xi32, #tpu.memory_space<vmem>> -> memref<64xi32, #tpu.memory_space<vmem>>
      %dma_wait3A_223 = arith.constant 0 : i32
      %dma_wait3A_224 = arith.constant 0 : i32
      %dma_wait3A_225 = tpu.memref_slice %arg2[%dma_wait3A_223, %dma_wait3A_224] : memref<10000x128xf32, #tpu.memory_space<hbm>> -> memref<10000x128xf32, #tpu.memory_space<hbm>>
      tpu.wait_indirect_dma semaphore(%arg11 : memref<!tpu.dma_semaphore, #tpu.memory_space<semaphore_mem>>) src(%dma_wait3A_225 : memref<10000x128xf32, #tpu.memory_space<hbm>>) dst(%dma_wait3A_219 : memref<64x128xf32, #tpu.memory_space<vmem>>)
      %sub3A_226 = arith.constant 40 : i32
      %sub3A_227 = arith.subi %add3A_207, %sub3A_226 : i32
      "tpu.region"() ({
        %run_scoped3A = tpu.sem_alloc : memref<!tpu.dma_semaphore, #tpu.memory_space<semaphore_mem>>
        %dma_start3A_267 = arith.constant 0 : i32
        %dma_start3A_268 = tpu.memref_slice %arg8[%sub3A_227, %dma_start3A_267] : memref<40x128xi32, #tpu.memory_space<vmem>> -> memref<1x128xi32, #tpu.memory_space<vmem>>
        %dma_start3A_269 = tpu.memref_squeeze %dma_start3A_268 : memref<1x128xi32, #tpu.memory_space<vmem>> -> memref<128xi32, #tpu.memory_space<vmem>>
        %dma_start3A_270 = arith.constant 0 : i32
        %dma_start3A_271 = arith.constant 0 : i32
        %dma_start3A_272 = tpu.memref_slice %arg6[%dma_start3A_270, %dma_start3A_271] : memref<10064x128xf32, #tpu.memory_space<vmem_shared>> -> memref<10064x128xf32, #tpu.memory_space<vmem_shared>>
        tpu.enqueue_indirect_dma source(%arg9 : memref<128x128xf32, #tpu.memory_space<vmem>>) target(%dma_start3A_272 : memref<10064x128xf32, #tpu.memory_space<vmem_shared>>) offsets(%dma_start3A_269 : memref<128xi32, #tpu.memory_space<vmem>>) semaphore(%run_scoped3A : memref<!tpu.dma_semaphore, #tpu.memory_space<semaphore_mem>>) {add = true}
        %dma_wait3A_273 = arith.constant 0 : i32
        %dma_wait3A_274 = tpu.memref_slice %arg8[%sub3A_227, %dma_wait3A_273] : memref<40x128xi32, #tpu.memory_space<vmem>> -> memref<1x128xi32, #tpu.memory_space<vmem>>
        %dma_wait3A_275 = tpu.memref_squeeze %dma_wait3A_274 : memref<1x128xi32, #tpu.memory_space<vmem>> -> memref<128xi32, #tpu.memory_space<vmem>>
        %dma_wait3A_276 = arith.constant 0 : i32
        %dma_wait3A_277 = arith.constant 0 : i32
        %dma_wait3A_278 = tpu.memref_slice %arg6[%dma_wait3A_276, %dma_wait3A_277] : memref<10064x128xf32, #tpu.memory_space<vmem_shared>> -> memref<10064x128xf32, #tpu.memory_space<vmem_shared>>
        tpu.wait_indirect_dma semaphore(%run_scoped3A : memref<!tpu.dma_semaphore, #tpu.memory_space<semaphore_mem>>) src(%arg9 : memref<128x128xf32, #tpu.memory_space<vmem>>) dst(%dma_wait3A_278 : memref<10064x128xf32, #tpu.memory_space<vmem_shared>>)
        tpu.yield
      }) : () -> ()
      %add3A_228 = arith.constant 2 : i32
      %add3A_229 = arith.addi %add3A_207, %add3A_228 : i32
      %lt3A = arith.constant 80 : i32
      %lt3A_230 = arith.cmpi slt, %add3A_229, %lt3A : i32
      %convert_element_type3A_231 = arith.extui %lt3A_230 : i1 to i32
      %cond3A_232 = arith.constant 0 : i32
      %cond3A_233 = arith.cmpi ne, %convert_element_type3A_231, %cond3A_232 : i32
      scf.if %cond3A_233 {
        %add3A_267 = arith.constant 2 : i32
        %add3A_268 = arith.addi %add3A_207, %add3A_267 : i32
        %dma_start3A_269 = arith.constant 0 : i32
        %dma_start3A_270 = arith.constant 0 : i32
        %dma_start3A_271 = tpu.memref_slice %arg9[%dma_start3A_269, %dma_start3A_270] : memref<128x128xf32, #tpu.memory_space<vmem>> -> memref<64x128xf32, #tpu.memory_space<vmem>>
        %dma_start3A_272 = arith.constant 0 : i32
        %dma_start3A_273 = tpu.memref_slice %arg7[%add3A_268, %dma_start3A_272] : memref<80x128xi32, #tpu.memory_space<vmem>> -> memref<1x64xi32, #tpu.memory_space<vmem>>
        %dma_start3A_274 = tpu.memref_squeeze %dma_start3A_273 : memref<1x64xi32, #tpu.memory_space<vmem>> -> memref<64xi32, #tpu.memory_space<vmem>>
        %dma_start3A_275 = arith.constant 0 : i32
        %dma_start3A_276 = arith.constant 0 : i32
        %dma_start3A_277 = tpu.memref_slice %arg2[%dma_start3A_275, %dma_start3A_276] : memref<10000x128xf32, #tpu.memory_space<hbm>> -> memref<10000x128xf32, #tpu.memory_space<hbm>>
        tpu.enqueue_indirect_dma source(%dma_start3A_277 : memref<10000x128xf32, #tpu.memory_space<hbm>>) target(%dma_start3A_271 : memref<64x128xf32, #tpu.memory_space<vmem>>) offsets(%dma_start3A_274 : memref<64xi32, #tpu.memory_space<vmem>>) semaphore(%arg11 : memref<!tpu.dma_semaphore, #tpu.memory_space<semaphore_mem>>)
        %dma_start3A_278 = arith.constant 64 : i32
        %dma_start3A_279 = arith.constant 0 : i32
        %dma_start3A_280 = tpu.memref_slice %arg9[%dma_start3A_278, %dma_start3A_279] : memref<128x128xf32, #tpu.memory_space<vmem>> -> memref<64x128xf32, #tpu.memory_space<vmem>>
        %dma_start3A_281 = arith.constant 64 : i32
        %dma_start3A_282 = tpu.memref_slice %arg7[%add3A_268, %dma_start3A_281] : memref<80x128xi32, #tpu.memory_space<vmem>> -> memref<1x64xi32, #tpu.memory_space<vmem>>
        %dma_start3A_283 = tpu.memref_squeeze %dma_start3A_282 : memref<1x64xi32, #tpu.memory_space<vmem>> -> memref<64xi32, #tpu.memory_space<vmem>>
        %dma_start3A_284 = arith.constant 0 : i32
        %dma_start3A_285 = arith.constant 0 : i32
        %dma_start3A_286 = tpu.memref_slice %arg2[%dma_start3A_284, %dma_start3A_285] : memref<10000x128xf32, #tpu.memory_space<hbm>> -> memref<10000x128xf32, #tpu.memory_space<hbm>>
        tpu.enqueue_indirect_dma source(%dma_start3A_286 : memref<10000x128xf32, #tpu.memory_space<hbm>>) target(%dma_start3A_280 : memref<64x128xf32, #tpu.memory_space<vmem>>) offsets(%dma_start3A_283 : memref<64xi32, #tpu.memory_space<vmem>>) semaphore(%arg11 : memref<!tpu.dma_semaphore, #tpu.memory_space<semaphore_mem>>)
      } else {
      }
      %mul3A_234 = arith.constant 2 : i32
      %mul3A_235 = arith.muli %mul3A_234, %scan3A_201 : i32
      %add3A_236 = arith.constant 40 : i32
      %add3A_237 = arith.addi %add3A_236, %mul3A_235 : i32
      %add3A_238 = arith.constant 1 : i32
      %add3A_239 = arith.addi %add3A_237, %add3A_238 : i32
      %dma_wait3A_240 = arith.constant 0 : i32
      %dma_wait3A_241 = arith.constant 0 : i32
      %dma_wait3A_242 = tpu.memref_slice %arg10[%dma_wait3A_240, %dma_wait3A_241] : memref<128x128xf32, #tpu.memory_space<vmem>> -> memref<64x128xf32, #tpu.memory_space<vmem>>
      %dma_wait3A_243 = arith.constant 0 : i32
      %dma_wait3A_244 = tpu.memref_slice %arg7[%add3A_239, %dma_wait3A_243] : memref<80x128xi32, #tpu.memory_space<vmem>> -> memref<1x64xi32, #tpu.memory_space<vmem>>
      %dma_wait3A_245 = tpu.memref_squeeze %dma_wait3A_244 : memref<1x64xi32, #tpu.memory_space<vmem>> -> memref<64xi32, #tpu.memory_space<vmem>>
      %dma_wait3A_246 = arith.constant 0 : i32
      %dma_wait3A_247 = arith.constant 0 : i32
      %dma_wait3A_248 = tpu.memref_slice %arg2[%dma_wait3A_246, %dma_wait3A_247] : memref<10000x128xf32, #tpu.memory_space<hbm>> -> memref<10000x128xf32, #tpu.memory_space<hbm>>
      tpu.wait_indirect_dma semaphore(%arg12 : memref<!tpu.dma_semaphore, #tpu.memory_space<semaphore_mem>>) src(%dma_wait3A_248 : memref<10000x128xf32, #tpu.memory_space<hbm>>) dst(%dma_wait3A_242 : memref<64x128xf32, #tpu.memory_space<vmem>>)
      %dma_wait3A_249 = arith.constant 64 : i32
      %dma_wait3A_250 = arith.constant 0 : i32
      %dma_wait3A_251 = tpu.memref_slice %arg10[%dma_wait3A_249, %dma_wait3A_250] : memref<128x128xf32, #tpu.memory_space<vmem>> -> memref<64x128xf32, #tpu.memory_space<vmem>>
      %dma_wait3A_252 = arith.constant 64 : i32
      %dma_wait3A_253 = tpu.memref_slice %arg7[%add3A_239, %dma_wait3A_252] : memref<80x128xi32, #tpu.memory_space<vmem>> -> memref<1x64xi32, #tpu.memory_space<vmem>>
      %dma_wait3A_254 = tpu.memref_squeeze %dma_wait3A_253 : memref<1x64xi32, #tpu.memory_space<vmem>> -> memref<64xi32, #tpu.memory_space<vmem>>
      %dma_wait3A_255 = arith.constant 0 : i32
      %dma_wait3A_256 = arith.constant 0 : i32
      %dma_wait3A_257 = tpu.memref_slice %arg2[%dma_wait3A_255, %dma_wait3A_256] : memref<10000x128xf32, #tpu.memory_space<hbm>> -> memref<10000x128xf32, #tpu.memory_space<hbm>>
      tpu.wait_indirect_dma semaphore(%arg12 : memref<!tpu.dma_semaphore, #tpu.memory_space<semaphore_mem>>) src(%dma_wait3A_257 : memref<10000x128xf32, #tpu.memory_space<hbm>>) dst(%dma_wait3A_251 : memref<64x128xf32, #tpu.memory_space<vmem>>)
      %sub3A_258 = arith.constant 40 : i32
      %sub3A_259 = arith.subi %add3A_239, %sub3A_258 : i32
      "tpu.region"() ({
        %run_scoped3A = tpu.sem_alloc : memref<!tpu.dma_semaphore, #tpu.memory_space<semaphore_mem>>
        %dma_start3A_267 = arith.constant 0 : i32
        %dma_start3A_268 = tpu.memref_slice %arg8[%sub3A_259, %dma_start3A_267] : memref<40x128xi32, #tpu.memory_space<vmem>> -> memref<1x128xi32, #tpu.memory_space<vmem>>
        %dma_start3A_269 = tpu.memref_squeeze %dma_start3A_268 : memref<1x128xi32, #tpu.memory_space<vmem>> -> memref<128xi32, #tpu.memory_space<vmem>>
        %dma_start3A_270 = arith.constant 0 : i32
        %dma_start3A_271 = arith.constant 0 : i32
        %dma_start3A_272 = tpu.memref_slice %arg6[%dma_start3A_270, %dma_start3A_271] : memref<10064x128xf32, #tpu.memory_space<vmem_shared>> -> memref<10064x128xf32, #tpu.memory_space<vmem_shared>>
        tpu.enqueue_indirect_dma source(%arg10 : memref<128x128xf32, #tpu.memory_space<vmem>>) target(%dma_start3A_272 : memref<10064x128xf32, #tpu.memory_space<vmem_shared>>) offsets(%dma_start3A_269 : memref<128xi32, #tpu.memory_space<vmem>>) semaphore(%run_scoped3A : memref<!tpu.dma_semaphore, #tpu.memory_space<semaphore_mem>>) {add = true}
        %dma_wait3A_273 = arith.constant 0 : i32
        %dma_wait3A_274 = tpu.memref_slice %arg8[%sub3A_259, %dma_wait3A_273] : memref<40x128xi32, #tpu.memory_space<vmem>> -> memref<1x128xi32, #tpu.memory_space<vmem>>
        %dma_wait3A_275 = tpu.memref_squeeze %dma_wait3A_274 : memref<1x128xi32, #tpu.memory_space<vmem>> -> memref<128xi32, #tpu.memory_space<vmem>>
        %dma_wait3A_276 = arith.constant 0 : i32
        %dma_wait3A_277 = arith.constant 0 : i32
        %dma_wait3A_278 = tpu.memref_slice %arg6[%dma_wait3A_276, %dma_wait3A_277] : memref<10064x128xf32, #tpu.memory_space<vmem_shared>> -> memref<10064x128xf32, #tpu.memory_space<vmem_shared>>
        tpu.wait_indirect_dma semaphore(%run_scoped3A : memref<!tpu.dma_semaphore, #tpu.memory_space<semaphore_mem>>) src(%arg10 : memref<128x128xf32, #tpu.memory_space<vmem>>) dst(%dma_wait3A_278 : memref<10064x128xf32, #tpu.memory_space<vmem_shared>>)
        tpu.yield
      }) : () -> ()
      %add3A_260 = arith.constant 2 : i32
      %add3A_261 = arith.addi %add3A_239, %add3A_260 : i32
      %lt3A_262 = arith.constant 80 : i32
      %lt3A_263 = arith.cmpi slt, %add3A_261, %lt3A_262 : i32
      %convert_element_type3A_264 = arith.extui %lt3A_263 : i1 to i32
      %cond3A_265 = arith.constant 0 : i32
      %cond3A_266 = arith.cmpi ne, %convert_element_type3A_264, %cond3A_265 : i32
      scf.if %cond3A_266 {
        %add3A_267 = arith.constant 2 : i32
        %add3A_268 = arith.addi %add3A_239, %add3A_267 : i32
        %dma_start3A_269 = arith.constant 0 : i32
        %dma_start3A_270 = arith.constant 0 : i32
        %dma_start3A_271 = tpu.memref_slice %arg10[%dma_start3A_269, %dma_start3A_270] : memref<128x128xf32, #tpu.memory_space<vmem>> -> memref<64x128xf32, #tpu.memory_space<vmem>>
        %dma_start3A_272 = arith.constant 0 : i32
        %dma_start3A_273 = tpu.memref_slice %arg7[%add3A_268, %dma_start3A_272] : memref<80x128xi32, #tpu.memory_space<vmem>> -> memref<1x64xi32, #tpu.memory_space<vmem>>
        %dma_start3A_274 = tpu.memref_squeeze %dma_start3A_273 : memref<1x64xi32, #tpu.memory_space<vmem>> -> memref<64xi32, #tpu.memory_space<vmem>>
        %dma_start3A_275 = arith.constant 0 : i32
        %dma_start3A_276 = arith.constant 0 : i32
        %dma_start3A_277 = tpu.memref_slice %arg2[%dma_start3A_275, %dma_start3A_276] : memref<10000x128xf32, #tpu.memory_space<hbm>> -> memref<10000x128xf32, #tpu.memory_space<hbm>>
        tpu.enqueue_indirect_dma source(%dma_start3A_277 : memref<10000x128xf32, #tpu.memory_space<hbm>>) target(%dma_start3A_271 : memref<64x128xf32, #tpu.memory_space<vmem>>) offsets(%dma_start3A_274 : memref<64xi32, #tpu.memory_space<vmem>>) semaphore(%arg12 : memref<!tpu.dma_semaphore, #tpu.memory_space<semaphore_mem>>)
        %dma_start3A_278 = arith.constant 64 : i32
        %dma_start3A_279 = arith.constant 0 : i32
        %dma_start3A_280 = tpu.memref_slice %arg10[%dma_start3A_278, %dma_start3A_279] : memref<128x128xf32, #tpu.memory_space<vmem>> -> memref<64x128xf32, #tpu.memory_space<vmem>>
        %dma_start3A_281 = arith.constant 64 : i32
        %dma_start3A_282 = tpu.memref_slice %arg7[%add3A_268, %dma_start3A_281] : memref<80x128xi32, #tpu.memory_space<vmem>> -> memref<1x64xi32, #tpu.memory_space<vmem>>
        %dma_start3A_283 = tpu.memref_squeeze %dma_start3A_282 : memref<1x64xi32, #tpu.memory_space<vmem>> -> memref<64xi32, #tpu.memory_space<vmem>>
        %dma_start3A_284 = arith.constant 0 : i32
        %dma_start3A_285 = arith.constant 0 : i32
        %dma_start3A_286 = tpu.memref_slice %arg2[%dma_start3A_284, %dma_start3A_285] : memref<10000x128xf32, #tpu.memory_space<hbm>> -> memref<10000x128xf32, #tpu.memory_space<hbm>>
        tpu.enqueue_indirect_dma source(%dma_start3A_286 : memref<10000x128xf32, #tpu.memory_space<hbm>>) target(%dma_start3A_280 : memref<64x128xf32, #tpu.memory_space<vmem>>) offsets(%dma_start3A_283 : memref<64xi32, #tpu.memory_space<vmem>>) semaphore(%arg12 : memref<!tpu.dma_semaphore, #tpu.memory_space<semaphore_mem>>)
      } else {
      }
    }
    %scan3A_190 = arith.constant 20 : i32
    %barrier3A_191 = arith.constant 0 : index
    tpu.barrier barrier_id(%barrier3A_191)
    %mul3A_192 = arith.constant 624 : i32
    %mul3A_193 = arith.muli %arg1, %mul3A_192 : i32
    %mul3A_194 = arith.constant 624 : i32
    %mul3A_195 = arith.muli %arg1, %mul3A_194 : i32
    "tpu.region"() ({
      %run_scoped3A = tpu.sem_alloc : memref<!tpu.dma_semaphore, #tpu.memory_space<semaphore_mem>>
      %dma_start3A_201 = arith.constant 0 : i32
      %dma_start3A_202 = tpu.memref_slice %arg5[%arg0, %mul3A_195, %dma_start3A_201] : memref<2x10000x128xf32, #tpu.memory_space<hbm>> -> memref<1x624x128xf32, #tpu.memory_space<hbm>>
      %dma_start3A_203 = tpu.memref_squeeze %dma_start3A_202 : memref<1x624x128xf32, #tpu.memory_space<hbm>> -> memref<624x128xf32, #tpu.memory_space<hbm>>
      %dma_start3A_204 = arith.constant 0 : i32
      %dma_start3A_205 = tpu.memref_slice %arg6[%mul3A_193, %dma_start3A_204] : memref<10064x128xf32, #tpu.memory_space<vmem_shared>> -> memref<624x128xf32, #tpu.memory_space<vmem_shared>>
      tpu.enqueue_dma source(%dma_start3A_205 : memref<624x128xf32, #tpu.memory_space<vmem_shared>>) target(%dma_start3A_203 : memref<624x128xf32, #tpu.memory_space<hbm>>) target_semaphore(%run_scoped3A : memref<!tpu.dma_semaphore, #tpu.memory_space<semaphore_mem>>)
      %dma_wait3A_206 = arith.constant 0 : i32
      %dma_wait3A_207 = tpu.memref_slice %arg5[%arg0, %mul3A_195, %dma_wait3A_206] : memref<2x10000x128xf32, #tpu.memory_space<hbm>> -> memref<1x624x128xf32, #tpu.memory_space<hbm>>
      %dma_wait3A_208 = tpu.memref_squeeze %dma_wait3A_207 : memref<1x624x128xf32, #tpu.memory_space<hbm>> -> memref<624x128xf32, #tpu.memory_space<hbm>>
      %dma_wait3A_209 = arith.constant 0 : i32
      %dma_wait3A_210 = tpu.memref_slice %arg6[%mul3A_193, %dma_wait3A_209] : memref<10064x128xf32, #tpu.memory_space<vmem_shared>> -> memref<624x128xf32, #tpu.memory_space<vmem_shared>>
      tpu.wait_dma2 semaphore(%run_scoped3A : memref<!tpu.dma_semaphore, #tpu.memory_space<semaphore_mem>>) src(%dma_wait3A_210 : memref<624x128xf32, #tpu.memory_space<vmem_shared>>) dst(%dma_wait3A_208 : memref<624x128xf32, #tpu.memory_space<hbm>>)
      tpu.yield
    }) : () -> ()
    %eq3A_196 = arith.constant 0 : i32
    %eq3A_197 = arith.cmpi eq, %arg1, %eq3A_196 : i32
    %convert_element_type3A_198 = arith.extui %eq3A_197 : i1 to i32
    %cond3A_199 = arith.constant 0 : i32
    %cond3A_200 = arith.cmpi ne, %convert_element_type3A_198, %cond3A_199 : i32
    scf.if %cond3A_200 {
      "tpu.region"() ({
        %run_scoped3A = tpu.sem_alloc : memref<!tpu.dma_semaphore, #tpu.memory_space<semaphore_mem>>
        %dma_start3A_201 = arith.constant 9984 : i32
        %dma_start3A_202 = arith.constant 0 : i32
        %dma_start3A_203 = tpu.memref_slice %arg5[%arg0, %dma_start3A_201, %dma_start3A_202] : memref<2x10000x128xf32, #tpu.memory_space<hbm>> -> memref<1x16x128xf32, #tpu.memory_space<hbm>>
        %dma_start3A_204 = tpu.memref_squeeze %dma_start3A_203 : memref<1x16x128xf32, #tpu.memory_space<hbm>> -> memref<16x128xf32, #tpu.memory_space<hbm>>
        %dma_start3A_205 = arith.constant 9984 : i32
        %dma_start3A_206 = arith.constant 0 : i32
        %dma_start3A_207 = tpu.memref_slice %arg6[%dma_start3A_205, %dma_start3A_206] : memref<10064x128xf32, #tpu.memory_space<vmem_shared>> -> memref<16x128xf32, #tpu.memory_space<vmem_shared>>
        tpu.enqueue_dma source(%dma_start3A_207 : memref<16x128xf32, #tpu.memory_space<vmem_shared>>) target(%dma_start3A_204 : memref<16x128xf32, #tpu.memory_space<hbm>>) target_semaphore(%run_scoped3A : memref<!tpu.dma_semaphore, #tpu.memory_space<semaphore_mem>>)
        %dma_wait3A_208 = arith.constant 9984 : i32
        %dma_wait3A_209 = arith.constant 0 : i32
        %dma_wait3A_210 = tpu.memref_slice %arg5[%arg0, %dma_wait3A_208, %dma_wait3A_209] : memref<2x10000x128xf32, #tpu.memory_space<hbm>> -> memref<1x16x128xf32, #tpu.memory_space<hbm>>
        %dma_wait3A_211 = tpu.memref_squeeze %dma_wait3A_210 : memref<1x16x128xf32, #tpu.memory_space<hbm>> -> memref<16x128xf32, #tpu.memory_space<hbm>>
        %dma_wait3A_212 = arith.constant 9984 : i32
        %dma_wait3A_213 = arith.constant 0 : i32
        %dma_wait3A_214 = tpu.memref_slice %arg6[%dma_wait3A_212, %dma_wait3A_213] : memref<10064x128xf32, #tpu.memory_space<vmem_shared>> -> memref<16x128xf32, #tpu.memory_space<vmem_shared>>
        tpu.wait_dma2 semaphore(%run_scoped3A : memref<!tpu.dma_semaphore, #tpu.memory_space<semaphore_mem>>) src(%dma_wait3A_214 : memref<16x128xf32, #tpu.memory_space<vmem_shared>>) dst(%dma_wait3A_211 : memref<16x128xf32, #tpu.memory_space<hbm>>)
        tpu.yield
      }) : () -> ()
    } else {
    }
    return
  }
}

module attributes {stable_mosaic.version = 14 : i64} {
  func.func @_tcscale_body(%arg0: memref<10000x128xf32, #tpu.memory_space<vmem>>, %arg1: memref<128x128xf32, #tpu.memory_space<vmem>>, %arg2: memref<10240x1xf32, #tpu.memory_space<vmem>>, %arg3: memref<10240x1xf32, #tpu.memory_space<vmem>>, %arg4: memref<10000x128xf32, #tpu.memory_space<vmem>>) attributes {dimension_semantics = [], scalar_prefetch = 0 : i64, scratch_operands = 0 : i64, tpu.core_type = #tpu.core_type<tc>} {
    %get3A = arith.constant 0 : index
    %get3A_0 = arith.constant 0 : index
    %get3A_1 = vector.load %arg2[%get3A, %get3A_0] : memref<10240x1xf32, #tpu.memory_space<vmem>>, vector<10240x1xf32>
    %get3A_2 = arith.constant 0 : index
    %get3A_3 = arith.constant 0 : index
    %get3A_4 = vector.load %arg3[%get3A_2, %get3A_3] : memref<10240x1xf32, #tpu.memory_space<vmem>>, vector<10240x1xf32>
    %add3A = arith.addf %get3A_1, %get3A_4 : vector<10240x1xf32>
    %gt3A = arith.constant 0.000000e+00 : f32
    %gt3A_5 = vector.broadcast %gt3A : f32 to vector<10240x1xf32>
    %gt3A_6 = arith.cmpf ogt, %add3A, %gt3A_5 : vector<10240x1xf32>
    %max3A = arith.constant 9.99999996E-13 : f32
    %max3A_7 = vector.broadcast %max3A : f32 to vector<10240x1xf32>
    %max3A_8 = arith.maximumf %add3A, %max3A_7 : vector<10240x1xf32>
    %rsqrt3A = math.rsqrt %max3A_8 : vector<10240x1xf32>
    %jit3A = arith.constant 0.000000e+00 : f32
    %broadcast_in_dim3A = vector.broadcast %jit3A : f32 to vector<10240x1xf32>
    %select_n3A = arith.select %gt3A_6, %rsqrt3A, %broadcast_in_dim3A : vector<10240x1xi1>, vector<10240x1xf32>
    %slice3A = vector.extract_strided_slice %select_n3A {offsets = [0, 0], sizes = [10000, 1], strides = [1, 1]} : vector<10240x1xf32> to vector<10000x1xf32>
    %get3A_9 = arith.constant 0 : index
    %get3A_10 = arith.constant 0 : index
    %get3A_11 = vector.load %arg0[%get3A_9, %get3A_10] : memref<10000x128xf32, #tpu.memory_space<vmem>>, vector<10000x128xf32>
    %get3A_12 = arith.constant 0 : index
    %get3A_13 = arith.constant 0 : index
    %get3A_14 = vector.load %arg1[%get3A_12, %get3A_13] : memref<128x128xf32, #tpu.memory_space<vmem>>, vector<128x128xf32>
    %dot_general3A = arith.constant dense<0.000000e+00> : vector<10000x128xf32>
    %dot_general3A_15 = tpu.matmul %get3A_11, %get3A_14, %dot_general3A {dimension_numbers = #tpu.dot_dimension_numbers<[1], [0], [0], [1], [0, 0, 1, 1], [], []>, transpose_lhs_hint = false} : vector<10000x128xf32>, vector<128x128xf32>, vector<10000x128xf32> -> vector<10000x128xf32>
    %mul3A = vector.broadcast %slice3A : vector<10000x1xf32> to vector<10000x128xf32>
    %mul3A_16 = arith.mulf %dot_general3A_15, %mul3A : vector<10000x128xf32>
    %swap3A = arith.constant 0 : index
    %swap3A_17 = arith.constant 0 : index
    %swap3A_18 = vector.load %arg4[%swap3A, %swap3A_17] : memref<10000x128xf32, #tpu.memory_space<vmem>>, vector<10000x128xf32>
    tpu.vector_store %arg4[%swap3A, %swap3A_17], %mul3A_16 {strides = array<i32>} : memref<10000x128xf32, #tpu.memory_space<vmem>>, vector<10000x128xf32>,
    return
  }
}

module attributes {stable_mosaic.version = 14 : i64} {
  func.func @_tc2_body(%arg0: memref<2x10000x128xf32, #tpu.memory_space<vmem>>, %arg1: memref<1x128xf32, #tpu.memory_space<vmem>>, %arg2: memref<128x128xf32, #tpu.memory_space<vmem>>, %arg3: memref<10240x1xf32, #tpu.memory_space<vmem>>, %arg4: memref<10240x1xf32, #tpu.memory_space<vmem>>, %arg5: memref<10240x1xf32, #tpu.memory_space<vmem>>, %arg6: memref<10240x1xf32, #tpu.memory_space<vmem>>, %arg7: memref<10000x128xf32, #tpu.memory_space<vmem>>) attributes {dimension_semantics = [], scalar_prefetch = 0 : i64, scratch_operands = 0 : i64, tpu.core_type = #tpu.core_type<tc>} {
    %get3A = arith.constant 0 : index
    %get3A_0 = arith.constant 0 : index
    %get3A_1 = vector.load %arg3[%get3A, %get3A_0] : memref<10240x1xf32, #tpu.memory_space<vmem>>, vector<10240x1xf32>
    %get3A_2 = arith.constant 0 : index
    %get3A_3 = arith.constant 0 : index
    %get3A_4 = vector.load %arg4[%get3A_2, %get3A_3] : memref<10240x1xf32, #tpu.memory_space<vmem>>, vector<10240x1xf32>
    %add3A = arith.addf %get3A_1, %get3A_4 : vector<10240x1xf32>
    %gt3A = arith.constant 0.000000e+00 : f32
    %gt3A_5 = vector.broadcast %gt3A : f32 to vector<10240x1xf32>
    %gt3A_6 = arith.cmpf ogt, %add3A, %gt3A_5 : vector<10240x1xf32>
    %max3A = arith.constant 9.99999996E-13 : f32
    %max3A_7 = vector.broadcast %max3A : f32 to vector<10240x1xf32>
    %max3A_8 = arith.maximumf %add3A, %max3A_7 : vector<10240x1xf32>
    %rsqrt3A = math.rsqrt %max3A_8 : vector<10240x1xf32>
    %jit3A = arith.constant 0.000000e+00 : f32
    %broadcast_in_dim3A = vector.broadcast %jit3A : f32 to vector<10240x1xf32>
    %select_n3A = arith.select %gt3A_6, %rsqrt3A, %broadcast_in_dim3A : vector<10240x1xi1>, vector<10240x1xf32>
    %slice3A = vector.extract_strided_slice %select_n3A {offsets = [0, 0], sizes = [10000, 1], strides = [1, 1]} : vector<10240x1xf32> to vector<10000x1xf32>
    %get3A_9 = arith.constant 0 : index
    %get3A_10 = arith.constant 0 : index
    %get3A_11 = vector.load %arg5[%get3A_9, %get3A_10] : memref<10240x1xf32, #tpu.memory_space<vmem>>, vector<10240x1xf32>
    %get3A_12 = arith.constant 0 : index
    %get3A_13 = arith.constant 0 : index
    %get3A_14 = vector.load %arg6[%get3A_12, %get3A_13] : memref<10240x1xf32, #tpu.memory_space<vmem>>, vector<10240x1xf32>
    %add3A_15 = arith.addf %get3A_11, %get3A_14 : vector<10240x1xf32>
    %gt3A_16 = arith.constant 0.000000e+00 : f32
    %gt3A_17 = vector.broadcast %gt3A_16 : f32 to vector<10240x1xf32>
    %gt3A_18 = arith.cmpf ogt, %add3A_15, %gt3A_17 : vector<10240x1xf32>
    %max3A_19 = arith.constant 9.99999996E-13 : f32
    %max3A_20 = vector.broadcast %max3A_19 : f32 to vector<10240x1xf32>
    %max3A_21 = arith.maximumf %add3A_15, %max3A_20 : vector<10240x1xf32>
    %rsqrt3A_22 = math.rsqrt %max3A_21 : vector<10240x1xf32>
    %jit3A_23 = arith.constant 0.000000e+00 : f32
    %broadcast_in_dim3A_24 = vector.broadcast %jit3A_23 : f32 to vector<10240x1xf32>
    %select_n3A_25 = arith.select %gt3A_18, %rsqrt3A_22, %broadcast_in_dim3A_24 : vector<10240x1xi1>, vector<10240x1xf32>
    %slice3A_26 = vector.extract_strided_slice %select_n3A_25 {offsets = [0, 0], sizes = [10000, 1], strides = [1, 1]} : vector<10240x1xf32> to vector<10000x1xf32>
    %get3A_27 = arith.constant 0 : index
    %get3A_28 = arith.constant 0 : index
    %get3A_29 = arith.constant 0 : index
    %get3A_30 = vector.load %arg0[%get3A_27, %get3A_28, %get3A_29] : memref<2x10000x128xf32, #tpu.memory_space<vmem>>, vector<1x10000x128xf32>
    %get3A_31 = vector.shape_cast %get3A_30 : vector<1x10000x128xf32> to vector<10000x128xf32>
    %get3A_32 = arith.constant 1 : index
    %get3A_33 = arith.constant 0 : index
    %get3A_34 = arith.constant 0 : index
    %get3A_35 = vector.load %arg0[%get3A_32, %get3A_33, %get3A_34] : memref<2x10000x128xf32, #tpu.memory_space<vmem>>, vector<1x10000x128xf32>
    %get3A_36 = vector.shape_cast %get3A_35 : vector<1x10000x128xf32> to vector<10000x128xf32>
    %add3A_37 = arith.addf %get3A_31, %get3A_36 : vector<10000x128xf32>
    %mul3A = vector.broadcast %slice3A : vector<10000x1xf32> to vector<10000x128xf32>
    %mul3A_38 = arith.mulf %add3A_37, %mul3A : vector<10000x128xf32>
    %get3A_39 = arith.constant 0 : index
    %get3A_40 = arith.constant 0 : index
    %get3A_41 = vector.load %arg1[%get3A_39, %get3A_40] : memref<1x128xf32, #tpu.memory_space<vmem>>, vector<1x128xf32>
    %add3A_42 = vector.broadcast %get3A_41 : vector<1x128xf32> to vector<10000x128xf32>
    %add3A_43 = arith.addf %mul3A_38, %add3A_42 : vector<10000x128xf32>
    %max3A_44 = arith.constant 0.000000e+00 : f32
    %max3A_45 = vector.broadcast %max3A_44 : f32 to vector<10000x128xf32>
    %max3A_46 = arith.maximumf %add3A_43, %max3A_45 : vector<10000x128xf32>
    %get3A_47 = arith.constant 0 : index
    %get3A_48 = arith.constant 0 : index
    %get3A_49 = vector.load %arg2[%get3A_47, %get3A_48] : memref<128x128xf32, #tpu.memory_space<vmem>>, vector<128x128xf32>
    %dot_general3A = arith.constant dense<0.000000e+00> : vector<10000x128xf32>
    %dot_general3A_50 = tpu.matmul %max3A_46, %get3A_49, %dot_general3A {dimension_numbers = #tpu.dot_dimension_numbers<[1], [0], [0], [1], [0, 0, 1, 1], [], []>, transpose_lhs_hint = false} : vector<10000x128xf32>, vector<128x128xf32>, vector<10000x128xf32> -> vector<10000x128xf32>
    %mul3A_51 = vector.broadcast %slice3A_26 : vector<10000x1xf32> to vector<10000x128xf32>
    %mul3A_52 = arith.mulf %dot_general3A_50, %mul3A_51 : vector<10000x128xf32>
    %swap3A = arith.constant 0 : index
    %swap3A_53 = arith.constant 0 : index
    %swap3A_54 = vector.load %arg7[%swap3A, %swap3A_53] : memref<10000x128xf32, #tpu.memory_space<vmem>>, vector<10000x128xf32>
    tpu.vector_store %arg7[%swap3A, %swap3A_53], %mul3A_52 {strides = array<i32>} : memref<10000x128xf32, #tpu.memory_space<vmem>>, vector<10000x128xf32>,
    return
  }
}

module attributes {stable_mosaic.version = 14 : i64} {
  func.func @_tc3_body(%arg0: memref<2x10000x128xf32, #tpu.memory_space<vmem>>, %arg1: memref<1x128xf32, #tpu.memory_space<vmem>>, %arg2: memref<10240x1xf32, #tpu.memory_space<vmem>>, %arg3: memref<10240x1xf32, #tpu.memory_space<vmem>>, %arg4: memref<10000x128xf32, #tpu.memory_space<vmem>>) attributes {dimension_semantics = [], scalar_prefetch = 0 : i64, scratch_operands = 0 : i64, tpu.core_type = #tpu.core_type<tc>} {
    %get3A = arith.constant 0 : index
    %get3A_0 = arith.constant 0 : index
    %get3A_1 = vector.load %arg2[%get3A, %get3A_0] : memref<10240x1xf32, #tpu.memory_space<vmem>>, vector<10240x1xf32>
    %get3A_2 = arith.constant 0 : index
    %get3A_3 = arith.constant 0 : index
    %get3A_4 = vector.load %arg3[%get3A_2, %get3A_3] : memref<10240x1xf32, #tpu.memory_space<vmem>>, vector<10240x1xf32>
    %add3A = arith.addf %get3A_1, %get3A_4 : vector<10240x1xf32>
    %gt3A = arith.constant 0.000000e+00 : f32
    %gt3A_5 = vector.broadcast %gt3A : f32 to vector<10240x1xf32>
    %gt3A_6 = arith.cmpf ogt, %add3A, %gt3A_5 : vector<10240x1xf32>
    %max3A = arith.constant 9.99999996E-13 : f32
    %max3A_7 = vector.broadcast %max3A : f32 to vector<10240x1xf32>
    %max3A_8 = arith.maximumf %add3A, %max3A_7 : vector<10240x1xf32>
    %rsqrt3A = math.rsqrt %max3A_8 : vector<10240x1xf32>
    %jit3A = arith.constant 0.000000e+00 : f32
    %broadcast_in_dim3A = vector.broadcast %jit3A : f32 to vector<10240x1xf32>
    %select_n3A = arith.select %gt3A_6, %rsqrt3A, %broadcast_in_dim3A : vector<10240x1xi1>, vector<10240x1xf32>
    %slice3A = vector.extract_strided_slice %select_n3A {offsets = [0, 0], sizes = [10000, 1], strides = [1, 1]} : vector<10240x1xf32> to vector<10000x1xf32>
    %get3A_9 = arith.constant 0 : index
    %get3A_10 = arith.constant 0 : index
    %get3A_11 = arith.constant 0 : index
    %get3A_12 = vector.load %arg0[%get3A_9, %get3A_10, %get3A_11] : memref<2x10000x128xf32, #tpu.memory_space<vmem>>, vector<1x10000x128xf32>
    %get3A_13 = vector.shape_cast %get3A_12 : vector<1x10000x128xf32> to vector<10000x128xf32>
    %get3A_14 = arith.constant 1 : index
    %get3A_15 = arith.constant 0 : index
    %get3A_16 = arith.constant 0 : index
    %get3A_17 = vector.load %arg0[%get3A_14, %get3A_15, %get3A_16] : memref<2x10000x128xf32, #tpu.memory_space<vmem>>, vector<1x10000x128xf32>
    %get3A_18 = vector.shape_cast %get3A_17 : vector<1x10000x128xf32> to vector<10000x128xf32>
    %add3A_19 = arith.addf %get3A_13, %get3A_18 : vector<10000x128xf32>
    %mul3A = vector.broadcast %slice3A : vector<10000x1xf32> to vector<10000x128xf32>
    %mul3A_20 = arith.mulf %add3A_19, %mul3A : vector<10000x128xf32>
    %get3A_21 = arith.constant 0 : index
    %get3A_22 = arith.constant 0 : index
    %get3A_23 = vector.load %arg1[%get3A_21, %get3A_22] : memref<1x128xf32, #tpu.memory_space<vmem>>, vector<1x128xf32>
    %add3A_24 = vector.broadcast %get3A_23 : vector<1x128xf32> to vector<10000x128xf32>
    %add3A_25 = arith.addf %mul3A_20, %add3A_24 : vector<10000x128xf32>
    %swap3A = arith.constant 0 : index
    %swap3A_26 = arith.constant 0 : index
    %swap3A_27 = vector.load %arg4[%swap3A, %swap3A_26] : memref<10000x128xf32, #tpu.memory_space<vmem>>, vector<10000x128xf32>
    tpu.vector_store %arg4[%swap3A, %swap3A_26], %add3A_25 {strides = array<i32>} : memref<10000x128xf32, #tpu.memory_space<vmem>>, vector<10000x128xf32>,
    return
  }
}

</mosaic_0001>

<sc_bundles>
// kernel: kernel.11.cloned.1.call-start
scs
__scs_entry_jumppad:
0x0: {  	(pc) =	sbr.rel $0x88, $3  }
0x1: {  	(tag) =	ssettag $0x0;
	lr =	simm.s32 $0x1  }
0x2: {  	[smem:$0x3F9B] =	sst lr;
	_ =	strace $0xD0000000  }
0x3: {  	_ = 	snop  }
0x4: {  	_ = 	snop  }
0x5: {  	_ = 	snop  }
0x6: {  	_ = 	snop  }
0x7: {  	_ = 	snop  }
__scs_overlays_trampoline_lowered:
0x8: {  	[smem:$0x3FAA] =	sst s0  }
0x9: {  	[smem:$0x3FAB] =	sst s1  }
0xa: {  	[smem:$0x3FAC] =	sst s2  }
0xb: {  	[smem:$0x3FAD] =	sst s3  }
0xc: {  	[smem:$0x3FAE] =	sst s4  }
0xd: {  	[smem:$0x3FAF] =	sst s5  }
0xe: {  	[smem:$0x3FB0] =	sst s6  }
0xf: {  	[smem:$0x3FB1] =	sst s7  }
0x10: {  	[smem:$0x3FB2] =	sst s8  }
0x11: {  	[smem:$0x3FB3] =	sst s9;
	s0 =	simm.s32 @!p0 $0x0  }
0x12: {  	s1 =	sld [smem:$0x3F99];
	s0 =	simm.s32 @p0 $0x1  }
0x13: {  	[smem:$0x3FB4] =	sst s0;
	s0 =	simm.s32 @!p1 $0x0  }
0x14: {  	s2 =	sld [smem:$0x3F98];
	s0 =	simm.s32 @p1 $0x1  }
0x15: {  	[smem:$0x3FB5] =	sst s0;
	s0 =	simm.s32 @!p2 $0x0  }
0x16: {  	s3 =	sld [smem:$0x3FDB];
	s0 =	simm.s32 @p2 $0x1  }
0x17: {  	s4 =	simm.s32 $0x1BF5;
	[smem:$0x3FB7] =	sst s0  }
0x18: {  	s0 =	sld [smem:$0x3F9A];
	_ =	swait.ge [sflag:s4], $0x0  }
0x19: {  	s7 =	sld [smem:$0x3F9B]  }
0x1a: {  	s8 =	sadd.s32 $0xFFFFE003, lr  }
0x1b: {  	s9 =	sadd.s32 $0xFFFFFEF7, lr;
	s5 =	simm.s32 $0xFFFFFFFF;
	p2 =	slt.u32 s8, $0xFFFFF086  }
0x1c: {  	p1 =	slt.u32 s9, $0xF7A;
	s5 =	simm.s32 @!p2 $0x0  }
0x1d: {  	s5 =	simm.s32 @p1 $0x1;
	p0 =	seq.s32 s7, s2  }
0x1e: {  	s7 =	smul.u32 @!p0 $0xF7A, s2;
	p2 =	seq.s32 @!p0 s5, $0x0  }
0x1f: {  	s9 =	smul.u32 $0xF7A, s1;
	s8 =	simm.s32 @!p0 $0x1BF5;
	p2 =	por !p2, p0  }
0x20: {  	[sflag:s8] =	ssyncset.s32 @!p0 $0xFFFFF086;
	s6 =	sadd.s32 @!p0 s3, s7;
	s7 =	simm.s32 @!p0 $0x108  }
0x21: {  	s3 =	sadd.s32 s3, s9;
	s6 =	sadd.s32 @!p0 $0x88, s6;
	s7 =	simm.s32 @p2 $0x1082  }
0x22: {  	[simem:s7], [sflag:s8] =	dma.local @!p0 [hbm:s6], $0xF7A  }
0x23: {  	s9 =	sor.u32 $0xD0000000, s2;
	s6 =	simm.s32 $0x108;
	_ =	swait.ge @!p0 [sflag:s8], $0x0  }
0x24: {  	s3 =	sadd.s32 $0x88, s3;
	s6 =	simm.s32 @!p1 $0x1082;
	[sflag:s4] =	ssyncset.s32 $0xFFFFF086  }
0x25: {  	[simem:s6], [sflag:s4] =	dma.local [hbm:s3], $0xF7A  }
0x26: {  	[smem:$0x3F9B] =	sst s1;
	(tag) =	ssettag s2;
	_ =	strace s9  }
0x27: {  	s1 =	sld [smem:$0x3FAB]  }
0x28: {  	s2 =	sld [smem:$0x3FAC]  }
0x29: {  	s4 =	sld [smem:$0x3FAE]  }
0x2a: {  	p0 =	seq.s32 s5, $0x0;
	s5 =	sld [smem:$0x3FAF]  }
0x2b: {  	s6 =	sld [smem:$0x3FB0]  }
0x2c: {  	s7 =	sld [smem:$0x3FB1]  }
0x2d: {  	s3 =	simm.s32 $0x108;
	s8 =	sld [smem:$0x3FB2]  }
0x2e: {  	s3 =	simm.s32 @!p0 $0x1082;
	s9 =	sld [smem:$0x3FB3]  }
0x2f: {  	lr =	sadd.s32 s0, s3;
	s0 =	sld [smem:$0x3FAA]  }
0x30: {  	s3 =	sld [smem:$0x3FAD]  }
0x31: {  	[smem:$0x3FB6] =	sst s10  }
0x32: {  	s10 =	sld [smem:$0x3FB4];
	_ =	sdelay $0x3  }
0x33: {  	p0 =	seq.s32 s10, $0x1;
	s10 =	sld [smem:$0x3FB6];
	_ =	sdelay $0x3  }
0x34: {  	[smem:$0x3FB6] =	sst s10  }
0x35: {  	s10 =	sld [smem:$0x3FB5];
	_ =	sdelay $0x3  }
0x36: {  	p1 =	seq.s32 s10, $0x1;
	s10 =	sld [smem:$0x3FB6];
	_ =	sdelay $0x3  }
0x37: {  	[smem:$0x3FB6] =	sst s10  }
0x38: {  	s10 =	sld [smem:$0x3FB7]  }
0x39: {  	_ = 	snop;
	(pc) =	sbr.ind lr, $3  }
0x3a: {  	_ = 	snop  }
0x3b: {  	_ = 	snop  }
0x3c: {  	p2 =	seq.s32 s10, $0x1;
	s10 =	sld [smem:$0x3FB6]  }
0x3d: {  	_ =	shalt  }
0x3e: {  	_ =	shalt  }
0x3f: {  	_ =	shalt  }
0x40: {  	_ =	shalt  }
0x41: {  	_ =	shalt  }
0x42: {  	_ =	shalt  }
0x43: {  	_ =	shalt  }
0x44: {  	_ =	shalt  }
0x45: {  	_ =	shalt  }
0x46: {  	_ =	shalt  }
0x47: {  	_ =	shalt  }
0x48: {  	_ =	shalt  }
0x49: {  	_ =	shalt  }
0x4a: {  	_ =	shalt  }
0x4b: {  	_ =	shalt  }
0x4c: {  	_ =	shalt  }
0x4d: {  	_ =	shalt  }
0x4e: {  	_ =	shalt  }
0x4f: {  	_ =	shalt  }
0x50: {  	_ =	shalt  }
0x51: {  	_ =	shalt  }
0x52: {  	_ =	shalt  }
0x53: {  	_ =	shalt  }
0x54: {  	_ =	shalt  }
0x55: {  	_ =	shalt  }
0x56: {  	_ =	shalt  }
0x57: {  	_ =	shalt  }
0x58: {  	_ =	shalt  }
0x59: {  	_ =	shalt  }
0x5a: {  	_ =	shalt  }
0x5b: {  	_ =	shalt  }
0x5c: {  	_ =	shalt  }
0x5d: {  	_ =	shalt  }
0x5e: {  	_ =	shalt  }
0x5f: {  	_ =	shalt  }
0x60: {  	_ =	shalt  }
0x61: {  	_ =	shalt  }
0x62: {  	_ =	shalt  }
0x63: {  	_ =	shalt  }
0x64: {  	_ =	shalt  }
0x65: {  	_ =	shalt  }
0x66: {  	_ =	shalt  }
0x67: {  	_ =	shalt  }
0x68: {  	_ =	shalt  }
0x69: {  	_ =	shalt  }
0x6a: {  	_ =	shalt  }
0x6b: {  	_ =	shalt  }
0x6c: {  	_ =	shalt  }
0x6d: {  	_ =	shalt  }
0x6e: {  	_ =	shalt  }
0x6f: {  	_ =	shalt  }
0x70: {  	_ =	shalt  }
0x71: {  	_ =	shalt  }
0x72: {  	_ =	shalt  }
0x73: {  	_ =	shalt  }
0x74: {  	_ =	shalt  }
0x75: {  	_ =	shalt  }
0x76: {  	_ =	shalt  }
0x77: {  	_ =	shalt  }
0x78: {  	_ =	shalt  }
0x79: {  	_ =	shalt  }
0x7a: {  	_ =	shalt  }
0x7b: {  	_ =	shalt  }
0x7c: {  	_ =	shalt  }
0x7d: {  	_ =	shalt  }
0x7e: {  	_ =	shalt  }
0x7f: {  	_ =	shalt  }
0x80: {  	_ =	shalt  }
0x81: {  	_ =	shalt  }
0x82: {  	_ =	shalt  }
0x83: {  	_ =	shalt  }
0x84: {  	_ =	shalt  }
0x85: {  	_ =	shalt  }
0x86: {  	_ =	shalt  }
0x87: {  	_ =	shalt  }
.Lfunc_end0:
.L_simem_size_0:
called_computation.1_lowered:
.L_overlay_start_0:
0x88: {  	s2 =	sld [smem:$0x3FD9]  }
0x89: {  	s3 =	sld [smem:$0x3FFE];
	_ =	sdelay $0x1  }
0x8a: {  	s1 =	srdreg.scid  }
0x8b: {  	s0 =	sand.u32 $0x1, s1  }
0x8c: {  	s17 =	sshll.u32 s0, $0xA;
	s2 =	sadd.s32 s3, s2  }
0x8d: {  	s2 =	sadd.s32 s2, s17  }
0x8e: {  	[smem:$0x3FC2] =	sst s2  }
0x8f: {  	_ = 	snop  }
0x90: {  	s2 =	sld [smem:$0x3FD0];
	(tm) =	ssettm $0x1  }
0x91: {  	s18 =	sld [smem:$0x3FFB];
	_ =	sdelay $0x3  }
0x92: {  	_ =	strace s18  }
0x93: {  	s3 =	sld [smem:$0x3FFC];
	_ =	sdelay $0x3  }
0x94: {  	_ =	strace s3  }
0x95: {  	s3 =	sld [smem:$0x3FFD];
	_ =	sdelay $0x3  }
0x96: {  	_ =	strace s3  }
0x97: {  	_ =	strace $0x8FFFFFFF  }
0x98: {  	s19 =	sld [smem:$0x3FDB];
	_ =	sdelay $0x1  }
0x99: {  	s4 =	simm.s32 $_scs_section_size  }
0x9a: {  	s5 =	simm.s32 $_size__tile_overlayer_lowered;
	s6 =	simm.s32 $_tile_overlayer_lowered  }
0x9b: {  	s22 =	simm.s32 $0x1BFF;
	s21 =	sshll.u32 s6, $0x1;
	s3 =	sadd.s32 s4, s19  }
0x9c: {  	s7 =	simm.s32 $0x0;
	s20 =	sshll.u32 s5, $0x1;
	s5 =	sadd.s32 s21, s3  }
0x9d: {  	[timem:s7], [sflag:s22] =	dma.local [hbm:s5], s20  }
0x9e: {  	_ =	swait.ge [sflag:s22], s20  }
0x9f: {  	s4 =	ssub.s32 $0x0, s20;
	[sflag:s22] =	ssyncset.done $0x0  }
0xa0: {  	[sflag:s22] =	ssyncadd.s32 s4;
	_ =	sdelay $0x1  }
0xa1: {  	s23 =	simm.s32 $0x1B8B  }
0xa2: {  	_ =	swait.ge [sflag:s23], $0x1  }
0xa3: {  	[sflag:s23] =	ssyncset.done $0x0  }
0xa4: {  	s25 =	simm.s32 $0x1B8E;
	s24 =	sld [smem:$0x3FFE];
	[sflag:s23] =	ssyncadd.s32 $0xFFFFFFFF  }
0xa5: {  	s26 =	simm.s32 $execute0_lowered;
	[smem:$0x3FD2] =	sst s25  }
0xa6: {  	s5 =	sshll.u32 s26, $0x1;
	_ =	strace $0x80000049;
	[dreg:$0x1] =	wrdreg $0xFFFFFFFF  }
0xa7: {  	s28 =	simm.s32 $_size_execute0_lowered;
	s3 =	sadd.s32 s3, s5;
	[dreg:$0x0] =	wrdreg $0x0  }
0xa8: {  	s5 =	sshll.u32 s28, $0x1;
	[dreg:$0x2] =	wrdreg s3  }
0xa9: {  	[dreg:$0x3] =	wrdreg s5  }
0xaa: {  	[dreg:$0x4] =	wrdreg $0xC0  }
0xab: {  	_ =	task [dreg:s7], $0x5FFFF  }
0xac: {  	[dreg:$0x1] =	wrdreg $0xFFFFFFFF  }
0xad: {  	[dreg:$0x0] =	wrdreg $0x60  }
0xae: {  	[dreg:$0x2] =	wrdreg s2  }
0xaf: {  	[dreg:$0x3] =	wrdreg s24  }
0xb0: {  	[dreg:$0x4] =	wrdreg $0x0  }
0xb1: {  	[dreg:$0x5] =	wrdreg $0x9  }
0xb2: {  	_ =	task.clear_ibuf [dreg:s7], $0x6FFFF;
	_ =	strace $0x90000049  }
0xb3: {  	s29 =	simm.s32 $0x9;
	_ =	strace $0x8000004B  }
0xb4: {  	_ =	swait.ge [sflag:s29], $0x1  }
0xb5: {  	[sflag:s29] =	ssyncadd.s32 $0xFFFFFFFF  }
0xb6: {  	_ =	strace $0x9000004B  }
0xb7: {  	_ =	sfence  }
0xb8: {  	s30 =	sld [smem:$0x0];
	_ =	sdelay $0x2  }
0xb9: {  	s31 =	sshll.u32 s1, $0xD;
	s1 =	sshrl.u32 s1, $0x2  }
0xba: {  	s3 =	sand.u32 $0x4000, s31;
	s1 =	sadd.s32 s1, s30  }
0xbb: {  	s0 =	sor.u32 s3, s0;
	s1 =	sshll.u32 s1, $0x11  }
0xbc: {  	s0 =	sor.u32 s1, s0  }
0xbd: {  	s0 =	sadd.s32 $0x8F2B, s0  }
0xbe: {  	[sflag:s0] =	ssyncadd.remote.s32 $0x1  }
0xbf: {  	_ =	sfence.sel $0xFFFF  }
0xc0: {  	[dreg:$0x0] =	wrdreg $0xFFFFFFFF;
	(pc) =	sbr.abs _section_cstart, $3  }
0xc1: {  	[dreg:$0x1] =	wrdreg $0xFFFFFFFF  }
0xc2: {  	_ =	task.clear_ibuf [dreg:s7], $0x2FFFF;
	_ =	strace $0x9FFFFFFF  }
0xc3: {  	(tm) =	ssettm $0x7FFFFFFF  }
tec
execute0_lowered:
.L_overlay_start_1:
0x0: {  	(tag) =	ssettag $0x1  }
0x1: {  	s0 =	rddreg [dreg:$0x0]  }
0x2: {  	s1 =	srdreg.scid;
	s2 =	rddreg [dreg:$0x1]  }
0x3: {  	s17 =	stileid.u32;
	s3 =	rddreg [dreg:$0x2];
	s18 =	simm.s32 $0x16280  }
0x4: {  	s19 =	simm.s32 $0x17680;
	s20 =	simm.s32 $0x1;
	s21 =	simm.s32 $0x2  }
0x5: {  	s22 =	simm.s32 $0x40;
	s24 =	simm.s32 $0x19680;
	s29 =	simm.s32 $0x1D680  }
0x6: {  	s30 =	simm.s32 $0x80;
	s31 =	simm.s32 $0x3;
	s7 =	smul.u32 $0x4E000, s17  }
0x7: {  	s23 =	simm.s32 $0x0;
	s1 =	sand.u32 $0x1, s1;
	s14 =	smul.u32 $0x13800, s17  }
0x8: {  	s12 =	sadd.s32 $0x138000, s3;
	p0 =	sne.s32 s17, $0x0;
	s4 =	sshll.u32 s1, $0x4  }
0x9: {  	s6 =	ssub.s32 $0x2, s1;
	s1 =	smul.u32 $0x138800, s1;
	s5 =	sor.u32 s17, s4  }
0xa: {  	s4 =	simm.s32 $0x0;
	s26 =	sshrl.u32 s6, $0x1;
	s28 =	sshrl.u32 s7, $0x2  }
0xb: {  	s17 =	simm.s32 $0x13A80;
	s5 =	smul.u32 $0x2800, s5;
	[smem:$0x7FF] =	sst s4  }
0xc: {  	s16 =	ssub.s32 s6, s26;
	s6 =	sadd.s32 s28, s3;
	s14 =	sadd.s32 s14, s1  }
0xd: {  	s1 =	sshrl.u32 s1, $0x3;
	s26 =	simm.s32 $0x1B680;
	_ =	strace $0x8000004A  }
0xe: {  	s8 =	sadd.s32 $0x4000, s6;
	s9 =	sadd.s32 $0x8000, s6;
	s10 =	sadd.s32 $0xC000, s6  }
0xf: {  	s11 =	sadd.s32 $0x10000, s6;
	s14 =	sshrl.u32 s14, $0x3;
	s5 =	sshrl.u32 s5, $0x3  }
0x10: {  	s16 =	smax.u32 s16, $0x1;
	s13 =	sadd.s32 s5, s2;
	s2 =	sadd.s32 $0x66400, s2  }
0x11: {  	s5 =	sadd.s32 $0x2400, s13;
	s7 =	sadd.s32 $0xC400, s13;
	s1 =	sadd.s32 s2, s1  }
0x12: {  	v0 =	vimm.f32 $0.0e+00;
	s13 =	sadd.s32 $0xC680, s13;
	s14 =	sadd.s32 s2, s14;
	s15 =	sadd.s32 $0x27000, s1  }
.LBB2_1:
0x13: {  	s1 =	sand.u32 $0xFE00, s4  }
0x14: {  	s28 =	sand.u32 $0x70, s4;
	s1 =	sshrl.u32 s1, $0x2  }
0x15: {  	s25 =	simm.s32 $0x40;
	s1 =	sor.u32 s28, s1;
	s28 =	simm.s32 $0x0  }
.LBB2_2:
0x16: {  	p1 =	sne.s32 s25, $0xFFC0  }
0x17: {  	[tilespmem:s1+$0x17680] =	vst v0;
	s28 =	sadd.s32 $0x10, s28;
	s1 =	smov.u32 s25;
	s25 =	sadd.s32 $0x40, s25  }
.Ltmp0:
0x18: {  	(pc) =	sbr.rel @p1 .LBB2_2-.Ltmp0, $4  }
0x19: {  	_ = 	snop  }
0x1a: {  	s1 =	sand.u32 $0xFE00, s1  }
0x1b: {  	s2 =	sand.u32 $0x70, s28;
	s1 =	sshrl.u32 s1, $0x2  }
0x1c: {  	s1 =	sor.u32 s2, s1  }
0x1d: {  	[tilespmem:s1+$0x17680] =	vst v0  }
0x1e: {  	[tilespmem:s17], [sflag:$0x2] =	stream.linear.gather [hbm4b:s5+s4], $0x2800, $0x38;
	[tilespmem:$0x1F680] =	vst v63  }
0x1f: {  	_ = 	snop  }
0x20: {  	[tilespmem:s18], [sflag:$0x2] =	stream.linear.gather [hbm4b:s7+s4], $0x1400, $0x38;
	[tilespmem:$0x1F680] =	vst v63  }
0x21: {  	_ = 	snop  }
0x22: {  	[spmem:s6] =	stream.linear.scatter [tilespmem:s19], [sflag:$0x1], $0x4000, $0x38;
	[tilespmem:$0x1F680] =	vst v63  }
0x23: {  	_ = 	snop  }
0x24: {  	[spmem:s8] =	stream.linear.scatter [tilespmem:s19], [sflag:$0x1], $0x4000, $0x38;
	[tilespmem:$0x1F680] =	vst v63  }
0x25: {  	_ = 	snop  }
0x26: {  	[spmem:s9] =	stream.linear.scatter [tilespmem:s19], [sflag:$0x1], $0x4000, $0x38;
	[tilespmem:$0x1F680] =	vst v63  }
0x27: {  	_ = 	snop  }
0x28: {  	[spmem:s10] =	stream.linear.scatter [tilespmem:s19], [sflag:$0x1], $0x4000, $0x38;
	[tilespmem:$0x1F680] =	vst v63  }
0x29: {  	_ = 	snop  }
0x2a: {  	[spmem:s11] =	stream.linear.scatter [tilespmem:s19], [sflag:$0x1], $0x3800, $0x38;
	[tilespmem:$0x1F680] =	vst v63  }
0x2b: {  	s1 =	simm.s32 @!p0 $0x17680  }
0x2c: {  	[spmem:s12] =	stream.linear.scatter @!p0 [tilespmem:s1], [sflag:$0x1], $0x2800, $0x38;
	[tilespmem:$0x1F680] =	vst v63  }
0x2d: {  	_ =	swait.ge [sflag:s20], $0x4000  }
0x2e: {  	[sflag:s20] =	ssyncset.done $0x0  }
0x2f: {  	[sflag:s20] =	ssyncadd.s32 $0xFFFFC000  }
0x30: {  	_ =	swait.ge [sflag:s20], $0x4000  }
0x31: {  	[sflag:s20] =	ssyncset.done $0x0  }
0x32: {  	[sflag:s20] =	ssyncadd.s32 $0xFFFFC000  }
0x33: {  	_ =	swait.ge [sflag:s20], $0x4000  }
0x34: {  	[sflag:s20] =	ssyncset.done $0x0  }
0x35: {  	[sflag:s20] =	ssyncadd.s32 $0xFFFFC000  }
0x36: {  	_ =	swait.ge [sflag:s20], $0x4000  }
0x37: {  	[sflag:s20] =	ssyncset.done $0x0  }
0x38: {  	[sflag:s20] =	ssyncadd.s32 $0xFFFFC000  }
0x39: {  	_ =	swait.ge [sflag:s20], $0x3800  }
0x3a: {  	[sflag:s20] =	ssyncset.done $0x0  }
0x3b: {  	s1 =	simm.s32 @!p0 $0x1;
	[sflag:s20] =	ssyncadd.s32 $0xFFFFC800  }
0x3c: {  	_ =	swait.ge @!p0 [sflag:s1], $0x2800  }
0x3d: {  	[sflag:s1] =	ssyncset.done @!p0 $0x0  }
0x3e: {  	[sflag:s1] =	ssyncadd.s32 @!p0 $0xFFFFD800  }
0x3f: {  	_ =	swait.ge [sflag:s21], $0x2800  }
0x40: {  	[sflag:s21] =	ssyncset.done $0x0  }
0x41: {  	[sflag:s21] =	ssyncadd.s32 $0xFFFFD800  }
0x42: {  	_ =	swait.ge [sflag:s21], $0x1400  }
0x43: {  	[sflag:s21] =	ssyncset.done $0x0  }
0x44: {  	[sflag:s21] =	ssyncadd.s32 $0xFFFFEC00  }
0x45: {  	[bflag:$0x0] =	sbarrier.arrive $0xFFFF  }
0x46: {  	[tilespmem:s19], [sflag:$0x1] =	stream.indirect.gather [hbm4b:s0+s22], $0x80, s17, s22, $0xb8;
	[tilespmem:$0x1F680] =	vst v63  }
0x47: {  	s25 =	simm.s32 $0x13AC0  }
0x48: {  	[tilespmem:s24], [sflag:$0x1] =	stream.indirect.gather [hbm4b:s0+s22], $0x80, s25, s22, $0xb8;
	[tilespmem:$0x1F680] =	vst v63  }
0x49: {  	s28 =	simm.s32 $0x13B00  }
0x4a: {  	[tilespmem:s26], [sflag:$0x2] =	stream.indirect.gather [hbm4b:s0+s22], $0x80, s28, s22, $0xb8;
	[tilespmem:$0x1F680] =	vst v63  }
0x4b: {  	s2 =	simm.s32 $0x13B40  }
0x4c: {  	[tilespmem:s29], [sflag:$0x2] =	stream.indirect.gather [hbm4b:s0+s22], $0x80, s2, s22, $0xb8;
	[tilespmem:$0x1F680] =	vst v63  }
0x4d: {  	_ =	swait.ge [sflag:s20], $0x2000  }
0x4e: {  	[sflag:s20] =	ssyncset.done $0x0  }
0x4f: {  	[sflag:s20] =	ssyncadd.s32 $0xFFFFE000  }
0x50: {  	_ =	swait.ge [sflag:s20], $0x2000  }
0x51: {  	[sflag:s20] =	ssyncset.done $0x0  }
0x52: {  	s25 =	simm.s32 $0x16280;
	[sflag:s20] =	ssyncadd.s32 $0xFFFFE000  }
0x53: {  	[spmem:s3] =	stream.indirect.scatter.add.f32 [tilespmem:s19], [sflag:$0x3], $0x80, s25, s30, $0xb8;
	[tilespmem:$0x1F680] =	vst v63  }
0x54: {  	_ =	swait.ge [sflag:s31], $0x4000  }
0x55: {  	[sflag:s31] =	ssyncset.done $0x0  }
0x56: {  	s28 =	simm.s32 $0x13B80;
	[sflag:s31] =	ssyncadd.s32 $0xFFFFC000  }
0x57: {  	[tilespmem:s19], [sflag:$0x1] =	stream.indirect.gather [hbm4b:s0+s22], $0x80, s28, s22, $0xb8;
	[tilespmem:$0x1F680] =	vst v63  }
0x58: {  	s2 =	simm.s32 $0x13BC0  }
0x59: {  	[tilespmem:s24], [sflag:$0x1] =	stream.indirect.gather [hbm4b:s0+s22], $0x80, s2, s22, $0xb8;
	[tilespmem:$0x1F680] =	vst v63  }
0x5a: {  	_ =	swait.ge [sflag:s21], $0x2000  }
0x5b: {  	[sflag:s21] =	ssyncset.done $0x0  }
0x5c: {  	[sflag:s21] =	ssyncadd.s32 $0xFFFFE000  }
0x5d: {  	_ =	swait.ge [sflag:s21], $0x2000  }
0x5e: {  	[sflag:s21] =	ssyncset.done $0x0  }
0x5f: {  	s25 =	simm.s32 $0x16300;
	[sflag:s21] =	ssyncadd.s32 $0xFFFFE000  }
0x60: {  	[spmem:s3] =	stream.indirect.scatter.add.f32 [tilespmem:s26], [sflag:$0x3], $0x80, s25, s30, $0xb8;
	[tilespmem:$0x1F680] =	vst v63  }
0x61: {  	_ =	swait.ge [sflag:s31], $0x4000  }
0x62: {  	s1 =	simm.s32 $0x13C40;
	[sflag:s31] =	ssyncset.done $0x0  }
0x63: {  	s28 =	simm.s32 $0x13C00;
	s25 =	simm.s32 $0x400;
	[sflag:s31] =	ssyncadd.s32 $0xFFFFC000  }
0x64: {  	[tilespmem:s26], [sflag:$0x2] =	stream.indirect.gather [hbm4b:s0+s22], $0x80, s28, s22, $0xb8;
	[tilespmem:$0x1F680] =	vst v63  }
.LBB2_4:
0x65: {  	[tilespmem:s29], [sflag:$0x2] =	stream.indirect.gather [hbm4b:s0+s22], $0x80, s1, s22, $0xb8;
	[tilespmem:$0x1F680] =	vst v63  }
0x66: {  	s1 =	smov.u32 s25  }
0x67: {  	p1 =	sne.s32 s25, $0x4C00;
	s25 =	sadd.s32 $0x400, s25;
	_ =	swait.ge [sflag:s20], $0x2000  }
0x68: {  	[sflag:s20] =	ssyncset.done $0x0  }
0x69: {  	[sflag:s20] =	ssyncadd.s32 $0xFFFFE000  }
0x6a: {  	_ =	swait.ge [sflag:s20], $0x2000  }
0x6b: {  	s1 =	sshra.s32 s1, $0x2;
	[sflag:s20] =	ssyncset.done $0x0  }
0x6c: {  	s2 =	sadd.s32 $0x16280, s1;
	[sflag:s20] =	ssyncadd.s32 $0xFFFFE000  }
0x6d: {  	[spmem:s3] =	stream.indirect.scatter.add.f32 [tilespmem:s19], [sflag:$0x3], $0x80, s2, s30, $0xb8;
	[tilespmem:$0x1F680] =	vst v63  }
0x6e: {  	_ =	swait.ge [sflag:s31], $0x4000  }
0x6f: {  	[sflag:s31] =	ssyncset.done $0x0  }
0x70: {  	s2 =	sadd.s32 $0x13B80, s1;
	[sflag:s31] =	ssyncadd.s32 $0xFFFFC000  }
0x71: {  	[tilespmem:s19], [sflag:$0x1] =	stream.indirect.gather [hbm4b:s0+s22], $0x80, s2, s22, $0xb8;
	[tilespmem:$0x1F680] =	vst v63  }
0x72: {  	s2 =	sadd.s32 $0x13BC0, s1  }
0x73: {  	[tilespmem:s24], [sflag:$0x1] =	stream.indirect.gather [hbm4b:s0+s22], $0x80, s2, s22, $0xb8;
	[tilespmem:$0x1F680] =	vst v63  }
0x74: {  	_ =	swait.ge [sflag:s21], $0x2000  }
0x75: {  	[sflag:s21] =	ssyncset.done $0x0  }
0x76: {  	[sflag:s21] =	ssyncadd.s32 $0xFFFFE000  }
0x77: {  	_ =	swait.ge [sflag:s21], $0x2000  }
0x78: {  	[sflag:s21] =	ssyncset.done $0x0  }
0x79: {  	s2 =	sadd.s32 $0x16300, s1;
	[sflag:s21] =	ssyncadd.s32 $0xFFFFE000  }
0x7a: {  	[spmem:s3] =	stream.indirect.scatter.add.f32 [tilespmem:s26], [sflag:$0x3], $0x80, s2, s30, $0xb8;
	[tilespmem:$0x1F680] =	vst v63  }
.Ltmp1:
0x7b: {  	_ =	swait.ge [sflag:s31], $0x4000;
	(pc) =	sbr.rel @p1 .LBB2_4-.Ltmp1, $4  }
0x7c: {  	[sflag:s31] =	ssyncset.done $0x0  }
0x7d: {  	s2 =	sadd.s32 $0x13C00, s1;
	[sflag:s31] =	ssyncadd.s32 $0xFFFFC000  }
0x7e: {  	[tilespmem:s26], [sflag:$0x2] =	stream.indirect.gather [hbm4b:s0+s22], $0x80, s2, s22, $0xb8;
	[tilespmem:$0x1F680] =	vst v63  }
0x7f: {  	s1 =	sadd.s32 $0x13C40, s1  }
0x80: {  	[tilespmem:s29], [sflag:$0x2] =	stream.indirect.gather [hbm4b:s0+s22], $0x80, s1, s22, $0xb8;
	[tilespmem:$0x1F680] =	vst v63  }
0x81: {  	s2 =	simm.s32 $0x0  }
0x82: {  	[tilespmem:s18], [sflag:$0x3] =	stream.linear.gather [hbm4b:s13+s2], $0x1400, $0x38;
	[tilespmem:$0x1F680] =	vst v63  }
0x83: {  	_ =	swait.ge [sflag:s31], $0x1400  }
0x84: {  	[sflag:s31] =	ssyncset.done $0x0  }
0x85: {  	[sflag:s31] =	ssyncadd.s32 $0xFFFFEC00  }
0x86: {  	_ =	swait.ge [sflag:s20], $0x2000  }
0x87: {  	[sflag:s20] =	ssyncset.done $0x0  }
0x88: {  	[sflag:s20] =	ssyncadd.s32 $0xFFFFE000  }
0x89: {  	_ =	swait.ge [sflag:s20], $0x2000  }
0x8a: {  	[sflag:s20] =	ssyncset.done $0x0  }
0x8b: {  	s25 =	simm.s32 $0x16280;
	[sflag:s20] =	ssyncadd.s32 $0xFFFFE000  }
0x8c: {  	[spmem:s3] =	stream.indirect.scatter.add.f32 [tilespmem:s19], [sflag:$0x3], $0x80, s25, s30, $0xb8;
	[tilespmem:$0x1F680] =	vst v63  }
0x8d: {  	_ =	swait.ge [sflag:s31], $0x4000  }
0x8e: {  	[sflag:s31] =	ssyncset.done $0x0  }
0x8f: {  	s28 =	simm.s32 $0x14F80;
	[sflag:s31] =	ssyncadd.s32 $0xFFFFC000  }
0x90: {  	[tilespmem:s19], [sflag:$0x1] =	stream.indirect.gather [hbm4b:s0+s22], $0x80, s28, s22, $0xb8;
	[tilespmem:$0x1F680] =	vst v63  }
0x91: {  	s2 =	simm.s32 $0x14FC0  }
0x92: {  	[tilespmem:s24], [sflag:$0x1] =	stream.indirect.gather [hbm4b:s0+s22], $0x80, s2, s22, $0xb8;
	[tilespmem:$0x1F680] =	vst v63  }
0x93: {  	_ =	swait.ge [sflag:s21], $0x2000  }
0x94: {  	[sflag:s21] =	ssyncset.done $0x0  }
0x95: {  	[sflag:s21] =	ssyncadd.s32 $0xFFFFE000  }
0x96: {  	_ =	swait.ge [sflag:s21], $0x2000  }
0x97: {  	[sflag:s21] =	ssyncset.done $0x0  }
0x98: {  	s25 =	simm.s32 $0x16300;
	[sflag:s21] =	ssyncadd.s32 $0xFFFFE000  }
0x99: {  	[spmem:s3] =	stream.indirect.scatter.add.f32 [tilespmem:s26], [sflag:$0x3], $0x80, s25, s30, $0xb8;
	[tilespmem:$0x1F680] =	vst v63  }
0x9a: {  	_ =	swait.ge [sflag:s31], $0x4000  }
0x9b: {  	s1 =	simm.s32 $0x15040;
	[sflag:s31] =	ssyncset.done $0x0  }
0x9c: {  	s28 =	simm.s32 $0x15000;
	s25 =	simm.s32 $0x400;
	[sflag:s31] =	ssyncadd.s32 $0xFFFFC000  }
0x9d: {  	[tilespmem:s26], [sflag:$0x2] =	stream.indirect.gather [hbm4b:s0+s22], $0x80, s28, s22, $0xb8;
	[tilespmem:$0x1F680] =	vst v63  }
.LBB2_6:
0x9e: {  	[tilespmem:s29], [sflag:$0x2] =	stream.indirect.gather [hbm4b:s0+s22], $0x80, s1, s22, $0xb8;
	[tilespmem:$0x1F680] =	vst v63  }
0x9f: {  	s1 =	smov.u32 s25  }
0xa0: {  	p1 =	sne.s32 s25, $0x4800;
	s25 =	sadd.s32 $0x400, s25;
	_ =	swait.ge [sflag:s20], $0x2000  }
0xa1: {  	[sflag:s20] =	ssyncset.done $0x0  }
0xa2: {  	[sflag:s20] =	ssyncadd.s32 $0xFFFFE000  }
0xa3: {  	_ =	swait.ge [sflag:s20], $0x2000  }
0xa4: {  	s1 =	sshra.s32 s1, $0x2;
	[sflag:s20] =	ssyncset.done $0x0  }
0xa5: {  	s2 =	sadd.s32 $0x16280, s1;
	[sflag:s20] =	ssyncadd.s32 $0xFFFFE000  }
0xa6: {  	[spmem:s3] =	stream.indirect.scatter.add.f32 [tilespmem:s19], [sflag:$0x3], $0x80, s2, s30, $0xb8;
	[tilespmem:$0x1F680] =	vst v63  }
0xa7: {  	_ =	swait.ge [sflag:s31], $0x4000  }
0xa8: {  	[sflag:s31] =	ssyncset.done $0x0  }
0xa9: {  	s2 =	sadd.s32 $0x14F80, s1;
	[sflag:s31] =	ssyncadd.s32 $0xFFFFC000  }
0xaa: {  	[tilespmem:s19], [sflag:$0x1] =	stream.indirect.gather [hbm4b:s0+s22], $0x80, s2, s22, $0xb8;
	[tilespmem:$0x1F680] =	vst v63  }
0xab: {  	s2 =	sadd.s32 $0x14FC0, s1  }
0xac: {  	[tilespmem:s24], [sflag:$0x1] =	stream.indirect.gather [hbm4b:s0+s22], $0x80, s2, s22, $0xb8;
	[tilespmem:$0x1F680] =	vst v63  }
0xad: {  	_ =	swait.ge [sflag:s21], $0x2000  }
0xae: {  	[sflag:s21] =	ssyncset.done $0x0  }
0xaf: {  	[sflag:s21] =	ssyncadd.s32 $0xFFFFE000  }
0xb0: {  	_ =	swait.ge [sflag:s21], $0x2000  }
0xb1: {  	[sflag:s21] =	ssyncset.done $0x0  }
0xb2: {  	s2 =	sadd.s32 $0x16300, s1;
	[sflag:s21] =	ssyncadd.s32 $0xFFFFE000  }
0xb3: {  	[spmem:s3] =	stream.indirect.scatter.add.f32 [tilespmem:s26], [sflag:$0x3], $0x80, s2, s30, $0xb8;
	[tilespmem:$0x1F680] =	vst v63  }
.Ltmp2:
0xb4: {  	_ =	swait.ge [sflag:s31], $0x4000;
	(pc) =	sbr.rel @p1 .LBB2_6-.Ltmp2, $4  }
0xb5: {  	[sflag:s31] =	ssyncset.done $0x0  }
0xb6: {  	s2 =	sadd.s32 $0x15000, s1;
	[sflag:s31] =	ssyncadd.s32 $0xFFFFC000  }
0xb7: {  	[tilespmem:s26], [sflag:$0x2] =	stream.indirect.gather [hbm4b:s0+s22], $0x80, s2, s22, $0xb8;
	[tilespmem:$0x1F680] =	vst v63  }
0xb8: {  	s1 =	sadd.s32 $0x15040, s1  }
0xb9: {  	[tilespmem:s29], [sflag:$0x2] =	stream.indirect.gather [hbm4b:s0+s22], $0x80, s1, s22, $0xb8;
	[tilespmem:$0x1F680] =	vst v63  }
0xba: {  	_ =	swait.ge [sflag:s20], $0x2000  }
0xbb: {  	[sflag:s20] =	ssyncset.done $0x0  }
0xbc: {  	[sflag:s20] =	ssyncadd.s32 $0xFFFFE000  }
0xbd: {  	_ =	swait.ge [sflag:s20], $0x2000  }
0xbe: {  	[sflag:s20] =	ssyncset.done $0x0  }
0xbf: {  	s2 =	simm.s32 $0x17580;
	[sflag:s20] =	ssyncadd.s32 $0xFFFFE000  }
0xc0: {  	[spmem:s3] =	stream.indirect.scatter.add.f32 [tilespmem:s19], [sflag:$0x3], $0x80, s2, s30, $0xb8;
	[tilespmem:$0x1F680] =	vst v63  }
0xc1: {  	_ =	swait.ge [sflag:s31], $0x4000  }
0xc2: {  	[sflag:s31] =	ssyncset.done $0x0  }
0xc3: {  	[sflag:s31] =	ssyncadd.s32 $0xFFFFC000  }
0xc4: {  	_ =	swait.ge [sflag:s21], $0x2000  }
0xc5: {  	[sflag:s21] =	ssyncset.done $0x0  }
0xc6: {  	[sflag:s21] =	ssyncadd.s32 $0xFFFFE000  }
0xc7: {  	_ =	swait.ge [sflag:s21], $0x2000  }
0xc8: {  	[sflag:s21] =	ssyncset.done $0x0  }
0xc9: {  	s25 =	simm.s32 $0x17600;
	[sflag:s21] =	ssyncadd.s32 $0xFFFFE000  }
0xca: {  	[spmem:s3] =	stream.indirect.scatter.add.f32 [tilespmem:s26], [sflag:$0x3], $0x80, s25, s30, $0xb8;
	[tilespmem:$0x1F680] =	vst v63  }
0xcb: {  	_ =	swait.ge [sflag:s31], $0x4000  }
0xcc: {  	s28 =	stileid.u32;
	[sflag:s31] =	ssyncset.done $0x0  }
0xcd: {  	s1 =	sshll.u32 s28, $0x6;
	[sflag:s31] =	ssyncadd.s32 $0xFFFFC000  }
0xce: {  	s1 =	sor.u32 $0x1C03, s1;
	s2 =	sshrl.u32 s6, $0x3;
	[bflag:$0x0] =	sbarrier.arrive $0xFFFF  }
0xcf: {  	[hbm:s14], [sflag:s1] =	dma.local [spmem:s2], $0x2700  }
0xd0: {  	_ =	swait.ge [sflag:s31], $0x2700  }
0xd1: {  	s23 =	sadd.s32 $0x1, s23;
	[sflag:s31] =	ssyncset.done $0x0  }
0xd2: {  	p1 =	sne.s32 s23, s16;
	s2 =	sshrl.u32 @!p0 s12, $0x3;
	[sflag:s31] =	ssyncadd.s32 $0xFFFFD900  }
0xd3: {  	[hbm:s15], [sflag:s1] =	dma.local @!p0 [spmem:s2], $0x100  }
.Ltmp3:
0xd4: {  	_ = 	snop;
	(pc) =	sbr.rel @p1 .LBB2_1-.Ltmp3, $4  }
0xd5: {  	s1 =	simm.s32 @!p0 $0x3  }
0xd6: {  	_ =	swait.ge @!p0 [sflag:s1], $0x100  }
0xd7: {  	[sflag:s1] =	ssyncset.done @!p0 $0x0  }
0xd8: {  	[sflag:s1] =	ssyncadd.s32 @!p0 $0xFFFFFF00  }
0xd9: {  	_ =	sfence.sel $0x180000  }
0xda: {  	[bflag:$0x0] =	sbarrier.arrive $0xFFFF  }
0xdb: {  	_ =	strace $0x9000004A  }
0xdc: {  	[bflag:$0x2] =	sbarrier.arrive $0xFFFF  }
0xdd: {  	s0 =	rddreg [dreg:$0x3]  }
0xde: {  	s0 =	sadd.s32 @!p0 $0x100000, s0  }
0xdf: {  	[sflag:s0] =	ssyncadd.tile.s32 @!p0 $0x1;
	_ =	shalt  }
.Lfunc_end2:
_tile_overlayer_lowered:
.L_overlay_start_2:
0xe0: {  	(tag) =	ssettag $0x2  }
0xe1: {  	s0 =	rddreg [dreg:$0x0];
	s2 =	stileid.u32  }
0xe2: {  	s1 =	rddreg [dreg:$0x1];
	p0 =	sne.s32 s2, $0x0  }
0xe3: {  	s3 =	rddreg [dreg:$0x2];
	[bflag:$0x3] =	sbarrier.arrive $0xFFFF;
	s2 =	simm.s32 @!p0 $0x1C03  }
0xe4: {  	[timem:s3], [sflag:s2] =	dma.local @!p0 [hbm:s0], s1  }
0xe5: {  	s0 =	simm.s32 @!p0 $0x3  }
0xe6: {  	_ =	swait.ge @!p0 [sflag:s0], s1  }
0xe7: {  	s1 =	ssub.s32 @!p0 $0x0, s1;
	[sflag:s0] =	ssyncset.done @!p0 $0x0  }
0xe8: {  	[sflag:s0] =	ssyncadd.s32 @!p0 s1  }
0xe9: {  	[bflag:$0x3] =	sbarrier.arrive $0xFFFF  }
0xea: {  	_ =	shalt  }

// kernel: kernel.14.cloned.1.call-start
scs
__scs_entry_jumppad:
0x0: {  	(pc) =	sbr.rel $0x88, $3  }
0x1: {  	(tag) =	ssettag $0x0;
	lr =	simm.s32 $0x1  }
0x2: {  	[smem:$0x3F9B] =	sst lr;
	_ =	strace $0xD0000000  }
0x3: {  	_ = 	snop  }
0x4: {  	_ = 	snop  }
0x5: {  	_ = 	snop  }
0x6: {  	_ = 	snop  }
0x7: {  	_ = 	snop  }
__scs_overlays_trampoline_lowered:
0x8: {  	[smem:$0x3FAA] =	sst s0  }
0x9: {  	[smem:$0x3FAB] =	sst s1  }
0xa: {  	[smem:$0x3FAC] =	sst s2  }
0xb: {  	[smem:$0x3FAD] =	sst s3  }
0xc: {  	[smem:$0x3FAE] =	sst s4  }
0xd: {  	[smem:$0x3FAF] =	sst s5  }
0xe: {  	[smem:$0x3FB0] =	sst s6  }
0xf: {  	[smem:$0x3FB1] =	sst s7  }
0x10: {  	[smem:$0x3FB2] =	sst s8  }
0x11: {  	[smem:$0x3FB3] =	sst s9;
	s0 =	simm.s32 @!p0 $0x0  }
0x12: {  	s1 =	sld [smem:$0x3F99];
	s0 =	simm.s32 @p0 $0x1  }
0x13: {  	[smem:$0x3FB4] =	sst s0;
	s0 =	simm.s32 @!p1 $0x0  }
0x14: {  	s2 =	sld [smem:$0x3F98];
	s0 =	simm.s32 @p1 $0x1  }
0x15: {  	[smem:$0x3FB5] =	sst s0;
	s0 =	simm.s32 @!p2 $0x0  }
0x16: {  	s3 =	sld [smem:$0x3FDB];
	s0 =	simm.s32 @p2 $0x1  }
0x17: {  	s4 =	simm.s32 $0x1BF5;
	[smem:$0x3FB7] =	sst s0  }
0x18: {  	s0 =	sld [smem:$0x3F9A];
	_ =	swait.ge [sflag:s4], $0x0  }
0x19: {  	s7 =	sld [smem:$0x3F9B]  }
0x1a: {  	s8 =	sadd.s32 $0xFFFFE003, lr  }
0x1b: {  	s9 =	sadd.s32 $0xFFFFFEF7, lr;
	s5 =	simm.s32 $0xFFFFFFFF;
	p2 =	slt.u32 s8, $0xFFFFF086  }
0x1c: {  	p1 =	slt.u32 s9, $0xF7A;
	s5 =	simm.s32 @!p2 $0x0  }
0x1d: {  	s5 =	simm.s32 @p1 $0x1;
	p0 =	seq.s32 s7, s2  }
0x1e: {  	s7 =	smul.u32 @!p0 $0xF7A, s2;
	p2 =	seq.s32 @!p0 s5, $0x0  }
0x1f: {  	s9 =	smul.u32 $0xF7A, s1;
	s8 =	simm.s32 @!p0 $0x1BF5;
	p2 =	por !p2, p0  }
0x20: {  	[sflag:s8] =	ssyncset.s32 @!p0 $0xFFFFF086;
	s6 =	sadd.s32 @!p0 s3, s7;
	s7 =	simm.s32 @!p0 $0x108  }
0x21: {  	s3 =	sadd.s32 s3, s9;
	s6 =	sadd.s32 @!p0 $0x88, s6;
	s7 =	simm.s32 @p2 $0x1082  }
0x22: {  	[simem:s7], [sflag:s8] =	dma.local @!p0 [hbm:s6], $0xF7A  }
0x23: {  	s9 =	sor.u32 $0xD0000000, s2;
	s6 =	simm.s32 $0x108;
	_ =	swait.ge @!p0 [sflag:s8], $0x0  }
0x24: {  	s3 =	sadd.s32 $0x88, s3;
	s6 =	simm.s32 @!p1 $0x1082;
	[sflag:s4] =	ssyncset.s32 $0xFFFFF086  }
0x25: {  	[simem:s6], [sflag:s4] =	dma.local [hbm:s3], $0xF7A  }
0x26: {  	[smem:$0x3F9B] =	sst s1;
	(tag) =	ssettag s2;
	_ =	strace s9  }
0x27: {  	s1 =	sld [smem:$0x3FAB]  }
0x28: {  	s2 =	sld [smem:$0x3FAC]  }
0x29: {  	s4 =	sld [smem:$0x3FAE]  }
0x2a: {  	p0 =	seq.s32 s5, $0x0;
	s5 =	sld [smem:$0x3FAF]  }
0x2b: {  	s6 =	sld [smem:$0x3FB0]  }
0x2c: {  	s7 =	sld [smem:$0x3FB1]  }
0x2d: {  	s3 =	simm.s32 $0x108;
	s8 =	sld [smem:$0x3FB2]  }
0x2e: {  	s3 =	simm.s32 @!p0 $0x1082;
	s9 =	sld [smem:$0x3FB3]  }
0x2f: {  	lr =	sadd.s32 s0, s3;
	s0 =	sld [smem:$0x3FAA]  }
0x30: {  	s3 =	sld [smem:$0x3FAD]  }
0x31: {  	[smem:$0x3FB6] =	sst s10  }
0x32: {  	s10 =	sld [smem:$0x3FB4];
	_ =	sdelay $0x3  }
0x33: {  	p0 =	seq.s32 s10, $0x1;
	s10 =	sld [smem:$0x3FB6];
	_ =	sdelay $0x3  }
0x34: {  	[smem:$0x3FB6] =	sst s10  }
0x35: {  	s10 =	sld [smem:$0x3FB5];
	_ =	sdelay $0x3  }
0x36: {  	p1 =	seq.s32 s10, $0x1;
	s10 =	sld [smem:$0x3FB6];
	_ =	sdelay $0x3  }
0x37: {  	[smem:$0x3FB6] =	sst s10  }
0x38: {  	s10 =	sld [smem:$0x3FB7]  }
0x39: {  	_ = 	snop;
	(pc) =	sbr.ind lr, $3  }
0x3a: {  	_ = 	snop  }
0x3b: {  	_ = 	snop  }
0x3c: {  	p2 =	seq.s32 s10, $0x1;
	s10 =	sld [smem:$0x3FB6]  }
0x3d: {  	_ =	shalt  }
0x3e: {  	_ =	shalt  }
0x3f: {  	_ =	shalt  }
0x40: {  	_ =	shalt  }
0x41: {  	_ =	shalt  }
0x42: {  	_ =	shalt  }
0x43: {  	_ =	shalt  }
0x44: {  	_ =	shalt  }
0x45: {  	_ =	shalt  }
0x46: {  	_ =	shalt  }
0x47: {  	_ =	shalt  }
0x48: {  	_ =	shalt  }
0x49: {  	_ =	shalt  }
0x4a: {  	_ =	shalt  }
0x4b: {  	_ =	shalt  }
0x4c: {  	_ =	shalt  }
0x4d: {  	_ =	shalt  }
0x4e: {  	_ =	shalt  }
0x4f: {  	_ =	shalt  }
0x50: {  	_ =	shalt  }
0x51: {  	_ =	shalt  }
0x52: {  	_ =	shalt  }
0x53: {  	_ =	shalt  }
0x54: {  	_ =	shalt  }
0x55: {  	_ =	shalt  }
0x56: {  	_ =	shalt  }
0x57: {  	_ =	shalt  }
0x58: {  	_ =	shalt  }
0x59: {  	_ =	shalt  }
0x5a: {  	_ =	shalt  }
0x5b: {  	_ =	shalt  }
0x5c: {  	_ =	shalt  }
0x5d: {  	_ =	shalt  }
0x5e: {  	_ =	shalt  }
0x5f: {  	_ =	shalt  }
0x60: {  	_ =	shalt  }
0x61: {  	_ =	shalt  }
0x62: {  	_ =	shalt  }
0x63: {  	_ =	shalt  }
0x64: {  	_ =	shalt  }
0x65: {  	_ =	shalt  }
0x66: {  	_ =	shalt  }
0x67: {  	_ =	shalt  }
0x68: {  	_ =	shalt  }
0x69: {  	_ =	shalt  }
0x6a: {  	_ =	shalt  }
0x6b: {  	_ =	shalt  }
0x6c: {  	_ =	shalt  }
0x6d: {  	_ =	shalt  }
0x6e: {  	_ =	shalt  }
0x6f: {  	_ =	shalt  }
0x70: {  	_ =	shalt  }
0x71: {  	_ =	shalt  }
0x72: {  	_ =	shalt  }
0x73: {  	_ =	shalt  }
0x74: {  	_ =	shalt  }
0x75: {  	_ =	shalt  }
0x76: {  	_ =	shalt  }
0x77: {  	_ =	shalt  }
0x78: {  	_ =	shalt  }
0x79: {  	_ =	shalt  }
0x7a: {  	_ =	shalt  }
0x7b: {  	_ =	shalt  }
0x7c: {  	_ =	shalt  }
0x7d: {  	_ =	shalt  }
0x7e: {  	_ =	shalt  }
0x7f: {  	_ =	shalt  }
0x80: {  	_ =	shalt  }
0x81: {  	_ =	shalt  }
0x82: {  	_ =	shalt  }
0x83: {  	_ =	shalt  }
0x84: {  	_ =	shalt  }
0x85: {  	_ =	shalt  }
0x86: {  	_ =	shalt  }
0x87: {  	_ =	shalt  }
.Lfunc_end0:
.L_simem_size_0:
called_computation.2_lowered:
.L_overlay_start_0:
0x88: {  	s2 =	sld [smem:$0x3FD9]  }
0x89: {  	s3 =	sld [smem:$0x3FFE];
	_ =	sdelay $0x1  }
0x8a: {  	s1 =	srdreg.scid  }
0x8b: {  	s0 =	sand.u32 $0x1, s1  }
0x8c: {  	s17 =	sshll.u32 s0, $0xA;
	s2 =	sadd.s32 s3, s2  }
0x8d: {  	s2 =	sadd.s32 s2, s17  }
0x8e: {  	[smem:$0x3FC2] =	sst s2  }
0x8f: {  	_ = 	snop  }
0x90: {  	s2 =	sld [smem:$0x3FD0];
	(tm) =	ssettm $0x1  }
0x91: {  	s18 =	sld [smem:$0x3FFB];
	_ =	sdelay $0x3  }
0x92: {  	_ =	strace s18  }
0x93: {  	s3 =	sld [smem:$0x3FFC];
	_ =	sdelay $0x3  }
0x94: {  	_ =	strace s3  }
0x95: {  	s3 =	sld [smem:$0x3FFD];
	_ =	sdelay $0x3  }
0x96: {  	_ =	strace s3  }
0x97: {  	_ =	strace $0x8FFFFFFF  }
0x98: {  	s19 =	sld [smem:$0x3FDB];
	_ =	sdelay $0x1  }
0x99: {  	s4 =	simm.s32 $_scs_section_size  }
0x9a: {  	s5 =	simm.s32 $_size__tile_overlayer_lowered;
	s6 =	simm.s32 $_tile_overlayer_lowered  }
0x9b: {  	s22 =	simm.s32 $0x1BFF;
	s21 =	sshll.u32 s6, $0x1;
	s3 =	sadd.s32 s4, s19  }
0x9c: {  	s7 =	simm.s32 $0x0;
	s20 =	sshll.u32 s5, $0x1;
	s5 =	sadd.s32 s21, s3  }
0x9d: {  	[timem:s7], [sflag:s22] =	dma.local [hbm:s5], s20  }
0x9e: {  	_ =	swait.ge [sflag:s22], s20  }
0x9f: {  	s4 =	ssub.s32 $0x0, s20;
	[sflag:s22] =	ssyncset.done $0x0  }
0xa0: {  	[sflag:s22] =	ssyncadd.s32 s4;
	_ =	sdelay $0x1  }
0xa1: {  	s23 =	simm.s32 $0x1B8B  }
0xa2: {  	_ =	swait.ge [sflag:s23], $0x1  }
0xa3: {  	[sflag:s23] =	ssyncset.done $0x0  }
0xa4: {  	s25 =	simm.s32 $0x1B8E;
	s24 =	sld [smem:$0x3FFE];
	[sflag:s23] =	ssyncadd.s32 $0xFFFFFFFF  }
0xa5: {  	s26 =	simm.s32 $execute0_lowered;
	[smem:$0x3FD2] =	sst s25  }
0xa6: {  	s5 =	sshll.u32 s26, $0x1;
	_ =	strace $0x8000004C;
	[dreg:$0x1] =	wrdreg $0xFFFFFFFF  }
0xa7: {  	s28 =	simm.s32 $_size_execute0_lowered;
	s3 =	sadd.s32 s3, s5;
	[dreg:$0x0] =	wrdreg $0x0  }
0xa8: {  	s5 =	sshll.u32 s28, $0x1;
	[dreg:$0x2] =	wrdreg s3  }
0xa9: {  	[dreg:$0x3] =	wrdreg s5  }
0xaa: {  	[dreg:$0x4] =	wrdreg $0xC0  }
0xab: {  	_ =	task [dreg:s7], $0x5FFFF  }
0xac: {  	[dreg:$0x1] =	wrdreg $0xFFFFFFFF  }
0xad: {  	[dreg:$0x0] =	wrdreg $0x60  }
0xae: {  	[dreg:$0x2] =	wrdreg s2  }
0xaf: {  	[dreg:$0x3] =	wrdreg s24  }
0xb0: {  	[dreg:$0x4] =	wrdreg $0x0  }
0xb1: {  	[dreg:$0x5] =	wrdreg $0x9  }
0xb2: {  	_ =	task.clear_ibuf [dreg:s7], $0x6FFFF;
	_ =	strace $0x9000004C  }
0xb3: {  	s29 =	simm.s32 $0x9;
	_ =	strace $0x8000004E  }
0xb4: {  	_ =	swait.ge [sflag:s29], $0x1  }
0xb5: {  	[sflag:s29] =	ssyncadd.s32 $0xFFFFFFFF  }
0xb6: {  	_ =	strace $0x9000004E  }
0xb7: {  	_ =	sfence  }
0xb8: {  	s30 =	sld [smem:$0x0];
	_ =	sdelay $0x2  }
0xb9: {  	s31 =	sshll.u32 s1, $0xD;
	s1 =	sshrl.u32 s1, $0x2  }
0xba: {  	s3 =	sand.u32 $0x4000, s31;
	s1 =	sadd.s32 s1, s30  }
0xbb: {  	s0 =	sor.u32 s3, s0;
	s1 =	sshll.u32 s1, $0x11  }
0xbc: {  	s0 =	sor.u32 s1, s0  }
0xbd: {  	s0 =	sadd.s32 $0x8F2B, s0  }
0xbe: {  	[sflag:s0] =	ssyncadd.remote.s32 $0x1  }
0xbf: {  	_ =	sfence.sel $0xFFFF  }
0xc0: {  	[dreg:$0x0] =	wrdreg $0xFFFFFFFF;
	(pc) =	sbr.abs _section_cstart, $3  }
0xc1: {  	[dreg:$0x1] =	wrdreg $0xFFFFFFFF  }
0xc2: {  	_ =	task.clear_ibuf [dreg:s7], $0x2FFFF;
	_ =	strace $0x9FFFFFFF  }
0xc3: {  	(tm) =	ssettm $0x7FFFFFFF  }
tec
execute0_lowered:
.L_overlay_start_1:
0x0: {  	(tag) =	ssettag $0x1  }
0x1: {  	s0 =	rddreg [dreg:$0x0]  }
0x2: {  	s1 =	srdreg.scid;
	s2 =	rddreg [dreg:$0x1]  }
0x3: {  	s17 =	stileid.u32;
	s3 =	rddreg [dreg:$0x2];
	s18 =	simm.s32 $0x16280  }
0x4: {  	s19 =	simm.s32 $0x17680;
	s20 =	simm.s32 $0x1;
	s21 =	simm.s32 $0x2  }
0x5: {  	s22 =	simm.s32 $0x40;
	s24 =	simm.s32 $0x19680;
	s29 =	simm.s32 $0x1D680  }
0x6: {  	s30 =	simm.s32 $0x80;
	s31 =	simm.s32 $0x3;
	s7 =	smul.u32 $0x4E000, s17  }
0x7: {  	s23 =	simm.s32 $0x0;
	s1 =	sand.u32 $0x1, s1;
	s14 =	smul.u32 $0x13800, s17  }
0x8: {  	s12 =	sadd.s32 $0x138000, s3;
	p0 =	sne.s32 s17, $0x0;
	s4 =	sshll.u32 s1, $0x4  }
0x9: {  	s6 =	ssub.s32 $0x2, s1;
	s1 =	smul.u32 $0x138800, s1;
	s5 =	sor.u32 s17, s4  }
0xa: {  	s4 =	simm.s32 $0x0;
	s26 =	sshrl.u32 s6, $0x1;
	s28 =	sshrl.u32 s7, $0x2  }
0xb: {  	s17 =	simm.s32 $0x13A80;
	s5 =	smul.u32 $0x2800, s5;
	[smem:$0x7FF] =	sst s4  }
0xc: {  	s16 =	ssub.s32 s6, s26;
	s6 =	sadd.s32 s28, s3;
	s14 =	sadd.s32 s14, s1  }
0xd: {  	s1 =	sshrl.u32 s1, $0x3;
	s26 =	simm.s32 $0x1B680;
	_ =	strace $0x8000004D  }
0xe: {  	s8 =	sadd.s32 $0x4000, s6;
	s9 =	sadd.s32 $0x8000, s6;
	s10 =	sadd.s32 $0xC000, s6  }
0xf: {  	s11 =	sadd.s32 $0x10000, s6;
	s14 =	sshrl.u32 s14, $0x3;
	s5 =	sshrl.u32 s5, $0x3  }
0x10: {  	s16 =	smax.u32 s16, $0x1;
	s13 =	sadd.s32 s5, s2;
	s2 =	sadd.s32 $0x16400, s2  }
0x11: {  	s5 =	sadd.s32 $0x2400, s13;
	s7 =	sadd.s32 $0xC400, s13;
	s1 =	sadd.s32 s2, s1  }
0x12: {  	v0 =	vimm.f32 $0.0e+00;
	s13 =	sadd.s32 $0xC680, s13;
	s14 =	sadd.s32 s2, s14;
	s15 =	sadd.s32 $0x27000, s1  }
.LBB2_1:
0x13: {  	s1 =	sand.u32 $0xFE00, s4  }
0x14: {  	s28 =	sand.u32 $0x70, s4;
	s1 =	sshrl.u32 s1, $0x2  }
0x15: {  	s25 =	simm.s32 $0x40;
	s1 =	sor.u32 s28, s1;
	s28 =	simm.s32 $0x0  }
.LBB2_2:
0x16: {  	p1 =	sne.s32 s25, $0xFFC0  }
0x17: {  	[tilespmem:s1+$0x17680] =	vst v0;
	s28 =	sadd.s32 $0x10, s28;
	s1 =	smov.u32 s25;
	s25 =	sadd.s32 $0x40, s25  }
.Ltmp0:
0x18: {  	(pc) =	sbr.rel @p1 .LBB2_2-.Ltmp0, $4  }
0x19: {  	_ = 	snop  }
0x1a: {  	s1 =	sand.u32 $0xFE00, s1  }
0x1b: {  	s2 =	sand.u32 $0x70, s28;
	s1 =	sshrl.u32 s1, $0x2  }
0x1c: {  	s1 =	sor.u32 s2, s1  }
0x1d: {  	[tilespmem:s1+$0x17680] =	vst v0  }
0x1e: {  	[tilespmem:s17], [sflag:$0x2] =	stream.linear.gather [hbm4b:s5+s4], $0x2800, $0x38;
	[tilespmem:$0x1F680] =	vst v63  }
0x1f: {  	_ = 	snop  }
0x20: {  	[tilespmem:s18], [sflag:$0x2] =	stream.linear.gather [hbm4b:s7+s4], $0x1400, $0x38;
	[tilespmem:$0x1F680] =	vst v63  }
0x21: {  	_ = 	snop  }
0x22: {  	[spmem:s6] =	stream.linear.scatter [tilespmem:s19], [sflag:$0x1], $0x4000, $0x38;
	[tilespmem:$0x1F680] =	vst v63  }
0x23: {  	_ = 	snop  }
0x24: {  	[spmem:s8] =	stream.linear.scatter [tilespmem:s19], [sflag:$0x1], $0x4000, $0x38;
	[tilespmem:$0x1F680] =	vst v63  }
0x25: {  	_ = 	snop  }
0x26: {  	[spmem:s9] =	stream.linear.scatter [tilespmem:s19], [sflag:$0x1], $0x4000, $0x38;
	[tilespmem:$0x1F680] =	vst v63  }
0x27: {  	_ = 	snop  }
0x28: {  	[spmem:s10] =	stream.linear.scatter [tilespmem:s19], [sflag:$0x1], $0x4000, $0x38;
	[tilespmem:$0x1F680] =	vst v63  }
0x29: {  	_ = 	snop  }
0x2a: {  	[spmem:s11] =	stream.linear.scatter [tilespmem:s19], [sflag:$0x1], $0x3800, $0x38;
	[tilespmem:$0x1F680] =	vst v63  }
0x2b: {  	s1 =	simm.s32 @!p0 $0x17680  }
0x2c: {  	[spmem:s12] =	stream.linear.scatter @!p0 [tilespmem:s1], [sflag:$0x1], $0x2800, $0x38;
	[tilespmem:$0x1F680] =	vst v63  }
0x2d: {  	_ =	swait.ge [sflag:s20], $0x4000  }
0x2e: {  	[sflag:s20] =	ssyncset.done $0x0  }
0x2f: {  	[sflag:s20] =	ssyncadd.s32 $0xFFFFC000  }
0x30: {  	_ =	swait.ge [sflag:s20], $0x4000  }
0x31: {  	[sflag:s20] =	ssyncset.done $0x0  }
0x32: {  	[sflag:s20] =	ssyncadd.s32 $0xFFFFC000  }
0x33: {  	_ =	swait.ge [sflag:s20], $0x4000  }
0x34: {  	[sflag:s20] =	ssyncset.done $0x0  }
0x35: {  	[sflag:s20] =	ssyncadd.s32 $0xFFFFC000  }
0x36: {  	_ =	swait.ge [sflag:s20], $0x4000  }
0x37: {  	[sflag:s20] =	ssyncset.done $0x0  }
0x38: {  	[sflag:s20] =	ssyncadd.s32 $0xFFFFC000  }
0x39: {  	_ =	swait.ge [sflag:s20], $0x3800  }
0x3a: {  	[sflag:s20] =	ssyncset.done $0x0  }
0x3b: {  	s1 =	simm.s32 @!p0 $0x1;
	[sflag:s20] =	ssyncadd.s32 $0xFFFFC800  }
0x3c: {  	_ =	swait.ge @!p0 [sflag:s1], $0x2800  }
0x3d: {  	[sflag:s1] =	ssyncset.done @!p0 $0x0  }
0x3e: {  	[sflag:s1] =	ssyncadd.s32 @!p0 $0xFFFFD800  }
0x3f: {  	_ =	swait.ge [sflag:s21], $0x2800  }
0x40: {  	[sflag:s21] =	ssyncset.done $0x0  }
0x41: {  	[sflag:s21] =	ssyncadd.s32 $0xFFFFD800  }
0x42: {  	_ =	swait.ge [sflag:s21], $0x1400  }
0x43: {  	[sflag:s21] =	ssyncset.done $0x0  }
0x44: {  	[sflag:s21] =	ssyncadd.s32 $0xFFFFEC00  }
0x45: {  	[bflag:$0x0] =	sbarrier.arrive $0xFFFF  }
0x46: {  	[tilespmem:s19], [sflag:$0x1] =	stream.indirect.gather [hbm4b:s0+s22], $0x80, s17, s22, $0xb8;
	[tilespmem:$0x1F680] =	vst v63  }
0x47: {  	s25 =	simm.s32 $0x13AC0  }
0x48: {  	[tilespmem:s24], [sflag:$0x1] =	stream.indirect.gather [hbm4b:s0+s22], $0x80, s25, s22, $0xb8;
	[tilespmem:$0x1F680] =	vst v63  }
0x49: {  	s28 =	simm.s32 $0x13B00  }
0x4a: {  	[tilespmem:s26], [sflag:$0x2] =	stream.indirect.gather [hbm4b:s0+s22], $0x80, s28, s22, $0xb8;
	[tilespmem:$0x1F680] =	vst v63  }
0x4b: {  	s2 =	simm.s32 $0x13B40  }
0x4c: {  	[tilespmem:s29], [sflag:$0x2] =	stream.indirect.gather [hbm4b:s0+s22], $0x80, s2, s22, $0xb8;
	[tilespmem:$0x1F680] =	vst v63  }
0x4d: {  	_ =	swait.ge [sflag:s20], $0x2000  }
0x4e: {  	[sflag:s20] =	ssyncset.done $0x0  }
0x4f: {  	[sflag:s20] =	ssyncadd.s32 $0xFFFFE000  }
0x50: {  	_ =	swait.ge [sflag:s20], $0x2000  }
0x51: {  	[sflag:s20] =	ssyncset.done $0x0  }
0x52: {  	s25 =	simm.s32 $0x16280;
	[sflag:s20] =	ssyncadd.s32 $0xFFFFE000  }
0x53: {  	[spmem:s3] =	stream.indirect.scatter.add.f32 [tilespmem:s19], [sflag:$0x3], $0x80, s25, s30, $0xb8;
	[tilespmem:$0x1F680] =	vst v63  }
0x54: {  	_ =	swait.ge [sflag:s31], $0x4000  }
0x55: {  	[sflag:s31] =	ssyncset.done $0x0  }
0x56: {  	s28 =	simm.s32 $0x13B80;
	[sflag:s31] =	ssyncadd.s32 $0xFFFFC000  }
0x57: {  	[tilespmem:s19], [sflag:$0x1] =	stream.indirect.gather [hbm4b:s0+s22], $0x80, s28, s22, $0xb8;
	[tilespmem:$0x1F680] =	vst v63  }
0x58: {  	s2 =	simm.s32 $0x13BC0  }
0x59: {  	[tilespmem:s24], [sflag:$0x1] =	stream.indirect.gather [hbm4b:s0+s22], $0x80, s2, s22, $0xb8;
	[tilespmem:$0x1F680] =	vst v63  }
0x5a: {  	_ =	swait.ge [sflag:s21], $0x2000  }
0x5b: {  	[sflag:s21] =	ssyncset.done $0x0  }
0x5c: {  	[sflag:s21] =	ssyncadd.s32 $0xFFFFE000  }
0x5d: {  	_ =	swait.ge [sflag:s21], $0x2000  }
0x5e: {  	[sflag:s21] =	ssyncset.done $0x0  }
0x5f: {  	s25 =	simm.s32 $0x16300;
	[sflag:s21] =	ssyncadd.s32 $0xFFFFE000  }
0x60: {  	[spmem:s3] =	stream.indirect.scatter.add.f32 [tilespmem:s26], [sflag:$0x3], $0x80, s25, s30, $0xb8;
	[tilespmem:$0x1F680] =	vst v63  }
0x61: {  	_ =	swait.ge [sflag:s31], $0x4000  }
0x62: {  	s1 =	simm.s32 $0x13C40;
	[sflag:s31] =	ssyncset.done $0x0  }
0x63: {  	s28 =	simm.s32 $0x13C00;
	s25 =	simm.s32 $0x400;
	[sflag:s31] =	ssyncadd.s32 $0xFFFFC000  }
0x64: {  	[tilespmem:s26], [sflag:$0x2] =	stream.indirect.gather [hbm4b:s0+s22], $0x80, s28, s22, $0xb8;
	[tilespmem:$0x1F680] =	vst v63  }
.LBB2_4:
0x65: {  	[tilespmem:s29], [sflag:$0x2] =	stream.indirect.gather [hbm4b:s0+s22], $0x80, s1, s22, $0xb8;
	[tilespmem:$0x1F680] =	vst v63  }
0x66: {  	s1 =	smov.u32 s25  }
0x67: {  	p1 =	sne.s32 s25, $0x4C00;
	s25 =	sadd.s32 $0x400, s25;
	_ =	swait.ge [sflag:s20], $0x2000  }
0x68: {  	[sflag:s20] =	ssyncset.done $0x0  }
0x69: {  	[sflag:s20] =	ssyncadd.s32 $0xFFFFE000  }
0x6a: {  	_ =	swait.ge [sflag:s20], $0x2000  }
0x6b: {  	s1 =	sshra.s32 s1, $0x2;
	[sflag:s20] =	ssyncset.done $0x0  }
0x6c: {  	s2 =	sadd.s32 $0x16280, s1;
	[sflag:s20] =	ssyncadd.s32 $0xFFFFE000  }
0x6d: {  	[spmem:s3] =	stream.indirect.scatter.add.f32 [tilespmem:s19], [sflag:$0x3], $0x80, s2, s30, $0xb8;
	[tilespmem:$0x1F680] =	vst v63  }
0x6e: {  	_ =	swait.ge [sflag:s31], $0x4000  }
0x6f: {  	[sflag:s31] =	ssyncset.done $0x0  }
0x70: {  	s2 =	sadd.s32 $0x13B80, s1;
	[sflag:s31] =	ssyncadd.s32 $0xFFFFC000  }
0x71: {  	[tilespmem:s19], [sflag:$0x1] =	stream.indirect.gather [hbm4b:s0+s22], $0x80, s2, s22, $0xb8;
	[tilespmem:$0x1F680] =	vst v63  }
0x72: {  	s2 =	sadd.s32 $0x13BC0, s1  }
0x73: {  	[tilespmem:s24], [sflag:$0x1] =	stream.indirect.gather [hbm4b:s0+s22], $0x80, s2, s22, $0xb8;
	[tilespmem:$0x1F680] =	vst v63  }
0x74: {  	_ =	swait.ge [sflag:s21], $0x2000  }
0x75: {  	[sflag:s21] =	ssyncset.done $0x0  }
0x76: {  	[sflag:s21] =	ssyncadd.s32 $0xFFFFE000  }
0x77: {  	_ =	swait.ge [sflag:s21], $0x2000  }
0x78: {  	[sflag:s21] =	ssyncset.done $0x0  }
0x79: {  	s2 =	sadd.s32 $0x16300, s1;
	[sflag:s21] =	ssyncadd.s32 $0xFFFFE000  }
0x7a: {  	[spmem:s3] =	stream.indirect.scatter.add.f32 [tilespmem:s26], [sflag:$0x3], $0x80, s2, s30, $0xb8;
	[tilespmem:$0x1F680] =	vst v63  }
.Ltmp1:
0x7b: {  	_ =	swait.ge [sflag:s31], $0x4000;
	(pc) =	sbr.rel @p1 .LBB2_4-.Ltmp1, $4  }
0x7c: {  	[sflag:s31] =	ssyncset.done $0x0  }
0x7d: {  	s2 =	sadd.s32 $0x13C00, s1;
	[sflag:s31] =	ssyncadd.s32 $0xFFFFC000  }
0x7e: {  	[tilespmem:s26], [sflag:$0x2] =	stream.indirect.gather [hbm4b:s0+s22], $0x80, s2, s22, $0xb8;
	[tilespmem:$0x1F680] =	vst v63  }
0x7f: {  	s1 =	sadd.s32 $0x13C40, s1  }
0x80: {  	[tilespmem:s29], [sflag:$0x2] =	stream.indirect.gather [hbm4b:s0+s22], $0x80, s1, s22, $0xb8;
	[tilespmem:$0x1F680] =	vst v63  }
0x81: {  	s2 =	simm.s32 $0x0  }
0x82: {  	[tilespmem:s18], [sflag:$0x3] =	stream.linear.gather [hbm4b:s13+s2], $0x1400, $0x38;
	[tilespmem:$0x1F680] =	vst v63  }
0x83: {  	_ =	swait.ge [sflag:s31], $0x1400  }
0x84: {  	[sflag:s31] =	ssyncset.done $0x0  }
0x85: {  	[sflag:s31] =	ssyncadd.s32 $0xFFFFEC00  }
0x86: {  	_ =	swait.ge [sflag:s20], $0x2000  }
0x87: {  	[sflag:s20] =	ssyncset.done $0x0  }
0x88: {  	[sflag:s20] =	ssyncadd.s32 $0xFFFFE000  }
0x89: {  	_ =	swait.ge [sflag:s20], $0x2000  }
0x8a: {  	[sflag:s20] =	ssyncset.done $0x0  }
0x8b: {  	s25 =	simm.s32 $0x16280;
	[sflag:s20] =	ssyncadd.s32 $0xFFFFE000  }
0x8c: {  	[spmem:s3] =	stream.indirect.scatter.add.f32 [tilespmem:s19], [sflag:$0x3], $0x80, s25, s30, $0xb8;
	[tilespmem:$0x1F680] =	vst v63  }
0x8d: {  	_ =	swait.ge [sflag:s31], $0x4000  }
0x8e: {  	[sflag:s31] =	ssyncset.done $0x0  }
0x8f: {  	s28 =	simm.s32 $0x14F80;
	[sflag:s31] =	ssyncadd.s32 $0xFFFFC000  }
0x90: {  	[tilespmem:s19], [sflag:$0x1] =	stream.indirect.gather [hbm4b:s0+s22], $0x80, s28, s22, $0xb8;
	[tilespmem:$0x1F680] =	vst v63  }
0x91: {  	s2 =	simm.s32 $0x14FC0  }
0x92: {  	[tilespmem:s24], [sflag:$0x1] =	stream.indirect.gather [hbm4b:s0+s22], $0x80, s2, s22, $0xb8;
	[tilespmem:$0x1F680] =	vst v63  }
0x93: {  	_ =	swait.ge [sflag:s21], $0x2000  }
0x94: {  	[sflag:s21] =	ssyncset.done $0x0  }
0x95: {  	[sflag:s21] =	ssyncadd.s32 $0xFFFFE000  }
0x96: {  	_ =	swait.ge [sflag:s21], $0x2000  }
0x97: {  	[sflag:s21] =	ssyncset.done $0x0  }
0x98: {  	s25 =	simm.s32 $0x16300;
	[sflag:s21] =	ssyncadd.s32 $0xFFFFE000  }
0x99: {  	[spmem:s3] =	stream.indirect.scatter.add.f32 [tilespmem:s26], [sflag:$0x3], $0x80, s25, s30, $0xb8;
	[tilespmem:$0x1F680] =	vst v63  }
0x9a: {  	_ =	swait.ge [sflag:s31], $0x4000  }
0x9b: {  	s1 =	simm.s32 $0x15040;
	[sflag:s31] =	ssyncset.done $0x0  }
0x9c: {  	s28 =	simm.s32 $0x15000;
	s25 =	simm.s32 $0x400;
	[sflag:s31] =	ssyncadd.s32 $0xFFFFC000  }
0x9d: {  	[tilespmem:s26], [sflag:$0x2] =	stream.indirect.gather [hbm4b:s0+s22], $0x80, s28, s22, $0xb8;
	[tilespmem:$0x1F680] =	vst v63  }
.LBB2_6:
0x9e: {  	[tilespmem:s29], [sflag:$0x2] =	stream.indirect.gather [hbm4b:s0+s22], $0x80, s1, s22, $0xb8;
	[tilespmem:$0x1F680] =	vst v63  }
0x9f: {  	s1 =	smov.u32 s25  }
0xa0: {  	p1 =	sne.s32 s25, $0x4800;
	s25 =	sadd.s32 $0x400, s25;
	_ =	swait.ge [sflag:s20], $0x2000  }
0xa1: {  	[sflag:s20] =	ssyncset.done $0x0  }
0xa2: {  	[sflag:s20] =	ssyncadd.s32 $0xFFFFE000  }
0xa3: {  	_ =	swait.ge [sflag:s20], $0x2000  }
0xa4: {  	s1 =	sshra.s32 s1, $0x2;
	[sflag:s20] =	ssyncset.done $0x0  }
0xa5: {  	s2 =	sadd.s32 $0x16280, s1;
	[sflag:s20] =	ssyncadd.s32 $0xFFFFE000  }
0xa6: {  	[spmem:s3] =	stream.indirect.scatter.add.f32 [tilespmem:s19], [sflag:$0x3], $0x80, s2, s30, $0xb8;
	[tilespmem:$0x1F680] =	vst v63  }
0xa7: {  	_ =	swait.ge [sflag:s31], $0x4000  }
0xa8: {  	[sflag:s31] =	ssyncset.done $0x0  }
0xa9: {  	s2 =	sadd.s32 $0x14F80, s1;
	[sflag:s31] =	ssyncadd.s32 $0xFFFFC000  }
0xaa: {  	[tilespmem:s19], [sflag:$0x1] =	stream.indirect.gather [hbm4b:s0+s22], $0x80, s2, s22, $0xb8;
	[tilespmem:$0x1F680] =	vst v63  }
0xab: {  	s2 =	sadd.s32 $0x14FC0, s1  }
0xac: {  	[tilespmem:s24], [sflag:$0x1] =	stream.indirect.gather [hbm4b:s0+s22], $0x80, s2, s22, $0xb8;
	[tilespmem:$0x1F680] =	vst v63  }
0xad: {  	_ =	swait.ge [sflag:s21], $0x2000  }
0xae: {  	[sflag:s21] =	ssyncset.done $0x0  }
0xaf: {  	[sflag:s21] =	ssyncadd.s32 $0xFFFFE000  }
0xb0: {  	_ =	swait.ge [sflag:s21], $0x2000  }
0xb1: {  	[sflag:s21] =	ssyncset.done $0x0  }
0xb2: {  	s2 =	sadd.s32 $0x16300, s1;
	[sflag:s21] =	ssyncadd.s32 $0xFFFFE000  }
0xb3: {  	[spmem:s3] =	stream.indirect.scatter.add.f32 [tilespmem:s26], [sflag:$0x3], $0x80, s2, s30, $0xb8;
	[tilespmem:$0x1F680] =	vst v63  }
.Ltmp2:
0xb4: {  	_ =	swait.ge [sflag:s31], $0x4000;
	(pc) =	sbr.rel @p1 .LBB2_6-.Ltmp2, $4  }
0xb5: {  	[sflag:s31] =	ssyncset.done $0x0  }
0xb6: {  	s2 =	sadd.s32 $0x15000, s1;
	[sflag:s31] =	ssyncadd.s32 $0xFFFFC000  }
0xb7: {  	[tilespmem:s26], [sflag:$0x2] =	stream.indirect.gather [hbm4b:s0+s22], $0x80, s2, s22, $0xb8;
	[tilespmem:$0x1F680] =	vst v63  }
0xb8: {  	s1 =	sadd.s32 $0x15040, s1  }
0xb9: {  	[tilespmem:s29], [sflag:$0x2] =	stream.indirect.gather [hbm4b:s0+s22], $0x80, s1, s22, $0xb8;
	[tilespmem:$0x1F680] =	vst v63  }
0xba: {  	_ =	swait.ge [sflag:s20], $0x2000  }
0xbb: {  	[sflag:s20] =	ssyncset.done $0x0  }
0xbc: {  	[sflag:s20] =	ssyncadd.s32 $0xFFFFE000  }
0xbd: {  	_ =	swait.ge [sflag:s20], $0x2000  }
0xbe: {  	[sflag:s20] =	ssyncset.done $0x0  }
0xbf: {  	s2 =	simm.s32 $0x17580;
	[sflag:s20] =	ssyncadd.s32 $0xFFFFE000  }
0xc0: {  	[spmem:s3] =	stream.indirect.scatter.add.f32 [tilespmem:s19], [sflag:$0x3], $0x80, s2, s30, $0xb8;
	[tilespmem:$0x1F680] =	vst v63  }
0xc1: {  	_ =	swait.ge [sflag:s31], $0x4000  }
0xc2: {  	[sflag:s31] =	ssyncset.done $0x0  }
0xc3: {  	[sflag:s31] =	ssyncadd.s32 $0xFFFFC000  }
0xc4: {  	_ =	swait.ge [sflag:s21], $0x2000  }
0xc5: {  	[sflag:s21] =	ssyncset.done $0x0  }
0xc6: {  	[sflag:s21] =	ssyncadd.s32 $0xFFFFE000  }
0xc7: {  	_ =	swait.ge [sflag:s21], $0x2000  }
0xc8: {  	[sflag:s21] =	ssyncset.done $0x0  }
0xc9: {  	s25 =	simm.s32 $0x17600;
	[sflag:s21] =	ssyncadd.s32 $0xFFFFE000  }
0xca: {  	[spmem:s3] =	stream.indirect.scatter.add.f32 [tilespmem:s26], [sflag:$0x3], $0x80, s25, s30, $0xb8;
	[tilespmem:$0x1F680] =	vst v63  }
0xcb: {  	_ =	swait.ge [sflag:s31], $0x4000  }
0xcc: {  	s28 =	stileid.u32;
	[sflag:s31] =	ssyncset.done $0x0  }
0xcd: {  	s1 =	sshll.u32 s28, $0x6;
	[sflag:s31] =	ssyncadd.s32 $0xFFFFC000  }
0xce: {  	s1 =	sor.u32 $0x1C03, s1;
	s2 =	sshrl.u32 s6, $0x3;
	[bflag:$0x0] =	sbarrier.arrive $0xFFFF  }
0xcf: {  	[hbm:s14], [sflag:s1] =	dma.local [spmem:s2], $0x2700  }
0xd0: {  	_ =	swait.ge [sflag:s31], $0x2700  }
0xd1: {  	s23 =	sadd.s32 $0x1, s23;
	[sflag:s31] =	ssyncset.done $0x0  }
0xd2: {  	p1 =	sne.s32 s23, s16;
	s2 =	sshrl.u32 @!p0 s12, $0x3;
	[sflag:s31] =	ssyncadd.s32 $0xFFFFD900  }
0xd3: {  	[hbm:s15], [sflag:s1] =	dma.local @!p0 [spmem:s2], $0x100  }
.Ltmp3:
0xd4: {  	_ = 	snop;
	(pc) =	sbr.rel @p1 .LBB2_1-.Ltmp3, $4  }
0xd5: {  	s1 =	simm.s32 @!p0 $0x3  }
0xd6: {  	_ =	swait.ge @!p0 [sflag:s1], $0x100  }
0xd7: {  	[sflag:s1] =	ssyncset.done @!p0 $0x0  }
0xd8: {  	[sflag:s1] =	ssyncadd.s32 @!p0 $0xFFFFFF00  }
0xd9: {  	_ =	sfence.sel $0x180000  }
0xda: {  	[bflag:$0x0] =	sbarrier.arrive $0xFFFF  }
0xdb: {  	_ =	strace $0x9000004D  }
0xdc: {  	[bflag:$0x2] =	sbarrier.arrive $0xFFFF  }
0xdd: {  	s0 =	rddreg [dreg:$0x3]  }
0xde: {  	s0 =	sadd.s32 @!p0 $0x100000, s0  }
0xdf: {  	[sflag:s0] =	ssyncadd.tile.s32 @!p0 $0x1;
	_ =	shalt  }
.Lfunc_end2:
_tile_overlayer_lowered:
.L_overlay_start_2:
0xe0: {  	(tag) =	ssettag $0x2  }
0xe1: {  	s0 =	rddreg [dreg:$0x0];
	s2 =	stileid.u32  }
0xe2: {  	s1 =	rddreg [dreg:$0x1];
	p0 =	sne.s32 s2, $0x0  }
0xe3: {  	s3 =	rddreg [dreg:$0x2];
	[bflag:$0x3] =	sbarrier.arrive $0xFFFF;
	s2 =	simm.s32 @!p0 $0x1C03  }
0xe4: {  	[timem:s3], [sflag:s2] =	dma.local @!p0 [hbm:s0], s1  }
0xe5: {  	s0 =	simm.s32 @!p0 $0x3  }
0xe6: {  	_ =	swait.ge @!p0 [sflag:s0], s1  }
0xe7: {  	s1 =	ssub.s32 @!p0 $0x0, s1;
	[sflag:s0] =	ssyncset.done @!p0 $0x0  }
0xe8: {  	[sflag:s0] =	ssyncadd.s32 @!p0 s1  }
0xe9: {  	[bflag:$0x3] =	sbarrier.arrive $0xFFFF  }
0xea: {  	_ =	shalt  }

// kernel: kernel.8.cloned.1.call-start
scs
__scs_entry_jumppad:
0x0: {  	(pc) =	sbr.rel $0x88, $3  }
0x1: {  	(tag) =	ssettag $0x0;
	lr =	simm.s32 $0x1  }
0x2: {  	[smem:$0x3F9B] =	sst lr;
	_ =	strace $0xD0000000  }
0x3: {  	_ = 	snop  }
0x4: {  	_ = 	snop  }
0x5: {  	_ = 	snop  }
0x6: {  	_ = 	snop  }
0x7: {  	_ = 	snop  }
__scs_overlays_trampoline_lowered:
0x8: {  	[smem:$0x3FAA] =	sst s0  }
0x9: {  	[smem:$0x3FAB] =	sst s1  }
0xa: {  	[smem:$0x3FAC] =	sst s2  }
0xb: {  	[smem:$0x3FAD] =	sst s3  }
0xc: {  	[smem:$0x3FAE] =	sst s4  }
0xd: {  	[smem:$0x3FAF] =	sst s5  }
0xe: {  	[smem:$0x3FB0] =	sst s6  }
0xf: {  	[smem:$0x3FB1] =	sst s7  }
0x10: {  	[smem:$0x3FB2] =	sst s8  }
0x11: {  	[smem:$0x3FB3] =	sst s9;
	s0 =	simm.s32 @!p0 $0x0  }
0x12: {  	s1 =	sld [smem:$0x3F99];
	s0 =	simm.s32 @p0 $0x1  }
0x13: {  	[smem:$0x3FB4] =	sst s0;
	s0 =	simm.s32 @!p1 $0x0  }
0x14: {  	s2 =	sld [smem:$0x3F98];
	s0 =	simm.s32 @p1 $0x1  }
0x15: {  	[smem:$0x3FB5] =	sst s0;
	s0 =	simm.s32 @!p2 $0x0  }
0x16: {  	s3 =	sld [smem:$0x3FDB];
	s0 =	simm.s32 @p2 $0x1  }
0x17: {  	s4 =	simm.s32 $0x1BF5;
	[smem:$0x3FB7] =	sst s0  }
0x18: {  	s0 =	sld [smem:$0x3F9A];
	_ =	swait.ge [sflag:s4], $0x0  }
0x19: {  	s7 =	sld [smem:$0x3F9B]  }
0x1a: {  	s8 =	sadd.s32 $0xFFFFE003, lr  }
0x1b: {  	s9 =	sadd.s32 $0xFFFFFEF7, lr;
	s5 =	simm.s32 $0xFFFFFFFF;
	p2 =	slt.u32 s8, $0xFFFFF086  }
0x1c: {  	p1 =	slt.u32 s9, $0xF7A;
	s5 =	simm.s32 @!p2 $0x0  }
0x1d: {  	s5 =	simm.s32 @p1 $0x1;
	p0 =	seq.s32 s7, s2  }
0x1e: {  	s7 =	smul.u32 @!p0 $0xF7A, s2;
	p2 =	seq.s32 @!p0 s5, $0x0  }
0x1f: {  	s9 =	smul.u32 $0xF7A, s1;
	s8 =	simm.s32 @!p0 $0x1BF5;
	p2 =	por !p2, p0  }
0x20: {  	[sflag:s8] =	ssyncset.s32 @!p0 $0xFFFFF086;
	s6 =	sadd.s32 @!p0 s3, s7;
	s7 =	simm.s32 @!p0 $0x108  }
0x21: {  	s3 =	sadd.s32 s3, s9;
	s6 =	sadd.s32 @!p0 $0x88, s6;
	s7 =	simm.s32 @p2 $0x1082  }
0x22: {  	[simem:s7], [sflag:s8] =	dma.local @!p0 [hbm:s6], $0xF7A  }
0x23: {  	s9 =	sor.u32 $0xD0000000, s2;
	s6 =	simm.s32 $0x108;
	_ =	swait.ge @!p0 [sflag:s8], $0x0  }
0x24: {  	s3 =	sadd.s32 $0x88, s3;
	s6 =	simm.s32 @!p1 $0x1082;
	[sflag:s4] =	ssyncset.s32 $0xFFFFF086  }
0x25: {  	[simem:s6], [sflag:s4] =	dma.local [hbm:s3], $0xF7A  }
0x26: {  	[smem:$0x3F9B] =	sst s1;
	(tag) =	ssettag s2;
	_ =	strace s9  }
0x27: {  	s1 =	sld [smem:$0x3FAB]  }
0x28: {  	s2 =	sld [smem:$0x3FAC]  }
0x29: {  	s4 =	sld [smem:$0x3FAE]  }
0x2a: {  	p0 =	seq.s32 s5, $0x0;
	s5 =	sld [smem:$0x3FAF]  }
0x2b: {  	s6 =	sld [smem:$0x3FB0]  }
0x2c: {  	s7 =	sld [smem:$0x3FB1]  }
0x2d: {  	s3 =	simm.s32 $0x108;
	s8 =	sld [smem:$0x3FB2]  }
0x2e: {  	s3 =	simm.s32 @!p0 $0x1082;
	s9 =	sld [smem:$0x3FB3]  }
0x2f: {  	lr =	sadd.s32 s0, s3;
	s0 =	sld [smem:$0x3FAA]  }
0x30: {  	s3 =	sld [smem:$0x3FAD]  }
0x31: {  	[smem:$0x3FB6] =	sst s10  }
0x32: {  	s10 =	sld [smem:$0x3FB4];
	_ =	sdelay $0x3  }
0x33: {  	p0 =	seq.s32 s10, $0x1;
	s10 =	sld [smem:$0x3FB6];
	_ =	sdelay $0x3  }
0x34: {  	[smem:$0x3FB6] =	sst s10  }
0x35: {  	s10 =	sld [smem:$0x3FB5];
	_ =	sdelay $0x3  }
0x36: {  	p1 =	seq.s32 s10, $0x1;
	s10 =	sld [smem:$0x3FB6];
	_ =	sdelay $0x3  }
0x37: {  	[smem:$0x3FB6] =	sst s10  }
0x38: {  	s10 =	sld [smem:$0x3FB7]  }
0x39: {  	_ = 	snop;
	(pc) =	sbr.ind lr, $3  }
0x3a: {  	_ = 	snop  }
0x3b: {  	_ = 	snop  }
0x3c: {  	p2 =	seq.s32 s10, $0x1;
	s10 =	sld [smem:$0x3FB6]  }
0x3d: {  	_ =	shalt  }
0x3e: {  	_ =	shalt  }
0x3f: {  	_ =	shalt  }
0x40: {  	_ =	shalt  }
0x41: {  	_ =	shalt  }
0x42: {  	_ =	shalt  }
0x43: {  	_ =	shalt  }
0x44: {  	_ =	shalt  }
0x45: {  	_ =	shalt  }
0x46: {  	_ =	shalt  }
0x47: {  	_ =	shalt  }
0x48: {  	_ =	shalt  }
0x49: {  	_ =	shalt  }
0x4a: {  	_ =	shalt  }
0x4b: {  	_ =	shalt  }
0x4c: {  	_ =	shalt  }
0x4d: {  	_ =	shalt  }
0x4e: {  	_ =	shalt  }
0x4f: {  	_ =	shalt  }
0x50: {  	_ =	shalt  }
0x51: {  	_ =	shalt  }
0x52: {  	_ =	shalt  }
0x53: {  	_ =	shalt  }
0x54: {  	_ =	shalt  }
0x55: {  	_ =	shalt  }
0x56: {  	_ =	shalt  }
0x57: {  	_ =	shalt  }
0x58: {  	_ =	shalt  }
0x59: {  	_ =	shalt  }
0x5a: {  	_ =	shalt  }
0x5b: {  	_ =	shalt  }
0x5c: {  	_ =	shalt  }
0x5d: {  	_ =	shalt  }
0x5e: {  	_ =	shalt  }
0x5f: {  	_ =	shalt  }
0x60: {  	_ =	shalt  }
0x61: {  	_ =	shalt  }
0x62: {  	_ =	shalt  }
0x63: {  	_ =	shalt  }
0x64: {  	_ =	shalt  }
0x65: {  	_ =	shalt  }
0x66: {  	_ =	shalt  }
0x67: {  	_ =	shalt  }
0x68: {  	_ =	shalt  }
0x69: {  	_ =	shalt  }
0x6a: {  	_ =	shalt  }
0x6b: {  	_ =	shalt  }
0x6c: {  	_ =	shalt  }
0x6d: {  	_ =	shalt  }
0x6e: {  	_ =	shalt  }
0x6f: {  	_ =	shalt  }
0x70: {  	_ =	shalt  }
0x71: {  	_ =	shalt  }
0x72: {  	_ =	shalt  }
0x73: {  	_ =	shalt  }
0x74: {  	_ =	shalt  }
0x75: {  	_ =	shalt  }
0x76: {  	_ =	shalt  }
0x77: {  	_ =	shalt  }
0x78: {  	_ =	shalt  }
0x79: {  	_ =	shalt  }
0x7a: {  	_ =	shalt  }
0x7b: {  	_ =	shalt  }
0x7c: {  	_ =	shalt  }
0x7d: {  	_ =	shalt  }
0x7e: {  	_ =	shalt  }
0x7f: {  	_ =	shalt  }
0x80: {  	_ =	shalt  }
0x81: {  	_ =	shalt  }
0x82: {  	_ =	shalt  }
0x83: {  	_ =	shalt  }
0x84: {  	_ =	shalt  }
0x85: {  	_ =	shalt  }
0x86: {  	_ =	shalt  }
0x87: {  	_ =	shalt  }
.Lfunc_end0:
.L_simem_size_0:
called_computation_lowered:
.L_overlay_start_0:
0x88: {  	s2 =	sld [smem:$0x3FD9]  }
0x89: {  	s3 =	sld [smem:$0x3FFE];
	_ =	sdelay $0x1  }
0x8a: {  	s1 =	srdreg.scid  }
0x8b: {  	s0 =	sand.u32 $0x1, s1  }
0x8c: {  	s17 =	sshll.u32 s0, $0xA;
	s2 =	sadd.s32 s3, s2  }
0x8d: {  	s2 =	sadd.s32 s2, s17  }
0x8e: {  	[smem:$0x3FC2] =	sst s2  }
0x8f: {  	_ = 	snop  }
0x90: {  	s2 =	sld [smem:$0x3FD0];
	(tm) =	ssettm $0x1  }
0x91: {  	s18 =	sld [smem:$0x3FFB];
	_ =	sdelay $0x3  }
0x92: {  	_ =	strace s18  }
0x93: {  	s3 =	sld [smem:$0x3FFC];
	_ =	sdelay $0x3  }
0x94: {  	_ =	strace s3  }
0x95: {  	s3 =	sld [smem:$0x3FFD];
	_ =	sdelay $0x3  }
0x96: {  	_ =	strace s3  }
0x97: {  	_ =	strace $0x8FFFFFFF  }
0x98: {  	s19 =	sld [smem:$0x3FDB];
	_ =	sdelay $0x1  }
0x99: {  	s4 =	simm.s32 $_scs_section_size  }
0x9a: {  	s5 =	simm.s32 $_size__tile_overlayer_lowered;
	s6 =	simm.s32 $_tile_overlayer_lowered  }
0x9b: {  	s22 =	simm.s32 $0x1BFF;
	s21 =	sshll.u32 s6, $0x1;
	s3 =	sadd.s32 s4, s19  }
0x9c: {  	s7 =	simm.s32 $0x0;
	s20 =	sshll.u32 s5, $0x1;
	s5 =	sadd.s32 s21, s3  }
0x9d: {  	[timem:s7], [sflag:s22] =	dma.local [hbm:s5], s20  }
0x9e: {  	_ =	swait.ge [sflag:s22], s20  }
0x9f: {  	s4 =	ssub.s32 $0x0, s20;
	[sflag:s22] =	ssyncset.done $0x0  }
0xa0: {  	[sflag:s22] =	ssyncadd.s32 s4;
	_ =	sdelay $0x1  }
0xa1: {  	s23 =	simm.s32 $0x1B8B  }
0xa2: {  	_ =	swait.ge [sflag:s23], $0x1  }
0xa3: {  	[sflag:s23] =	ssyncset.done $0x0  }
0xa4: {  	s25 =	simm.s32 $0x1B8E;
	s24 =	sld [smem:$0x3FFE];
	[sflag:s23] =	ssyncadd.s32 $0xFFFFFFFF  }
0xa5: {  	s26 =	simm.s32 $execute0_lowered;
	[smem:$0x3FD2] =	sst s25  }
0xa6: {  	s5 =	sshll.u32 s26, $0x1;
	_ =	strace $0x80000046;
	[dreg:$0x1] =	wrdreg $0xFFFFFFFF  }
0xa7: {  	s28 =	simm.s32 $_size_execute0_lowered;
	s3 =	sadd.s32 s3, s5;
	[dreg:$0x0] =	wrdreg $0x0  }
0xa8: {  	s5 =	sshll.u32 s28, $0x1;
	[dreg:$0x2] =	wrdreg s3  }
0xa9: {  	[dreg:$0x3] =	wrdreg s5  }
0xaa: {  	[dreg:$0x4] =	wrdreg $0xC0  }
0xab: {  	_ =	task [dreg:s7], $0x5FFFF  }
0xac: {  	[dreg:$0x1] =	wrdreg $0xFFFFFFFF  }
0xad: {  	[dreg:$0x0] =	wrdreg $0x60  }
0xae: {  	[dreg:$0x2] =	wrdreg s2  }
0xaf: {  	[dreg:$0x3] =	wrdreg s24  }
0xb0: {  	[dreg:$0x4] =	wrdreg $0x0  }
0xb1: {  	[dreg:$0x5] =	wrdreg $0x2800  }
0xb2: {  	[dreg:$0x6] =	wrdreg $0x9  }
0xb3: {  	_ =	task.clear_ibuf [dreg:s7], $0x7FFFF;
	_ =	strace $0x90000046  }
0xb4: {  	s29 =	simm.s32 $0x9;
	_ =	strace $0x80000048  }
0xb5: {  	_ =	swait.ge [sflag:s29], $0x1  }
0xb6: {  	[sflag:s29] =	ssyncadd.s32 $0xFFFFFFFF  }
0xb7: {  	_ =	strace $0x90000048  }
0xb8: {  	_ =	sfence  }
0xb9: {  	s30 =	sld [smem:$0x0];
	_ =	sdelay $0x2  }
0xba: {  	s31 =	sshll.u32 s1, $0xD;
	s1 =	sshrl.u32 s1, $0x2  }
0xbb: {  	s3 =	sand.u32 $0x4000, s31;
	s1 =	sadd.s32 s1, s30  }
0xbc: {  	s0 =	sor.u32 s3, s0;
	s1 =	sshll.u32 s1, $0x11  }
0xbd: {  	s0 =	sor.u32 s1, s0  }
0xbe: {  	s0 =	sadd.s32 $0x8F2B, s0  }
0xbf: {  	[sflag:s0] =	ssyncadd.remote.s32 $0x1  }
0xc0: {  	_ =	sfence.sel $0xFFFF  }
0xc1: {  	[dreg:$0x0] =	wrdreg $0xFFFFFFFF;
	(pc) =	sbr.abs _section_cstart, $3  }
0xc2: {  	[dreg:$0x1] =	wrdreg $0xFFFFFFFF  }
0xc3: {  	_ =	task.clear_ibuf [dreg:s7], $0x2FFFF;
	_ =	strace $0x9FFFFFFF  }
0xc4: {  	(tm) =	ssettm $0x7FFFFFFF  }
0xc5: {  	_ =	shalt  }
tec
execute0_lowered:
.L_overlay_start_1:
0x0: {  	(tag) =	ssettag $0x1  }
0x1: {  	s0 =	rddreg [dreg:$0x0]  }
0x2: {  	s5 =	rddreg [dreg:$0x1]  }
0x3: {  	s1 =	rddreg [dreg:$0x2]  }
0x4: {  	s2 =	rddreg [dreg:$0x3];
	s3 =	srdreg.scid  }
0x5: {  	s4 =	simm.s32 $0x0;
	s13 =	simm.s32 $0x2;
	s14 =	simm.s32 $0x500  }
0x6: {  	s15 =	simm.s32 $0x2D00;
	s16 =	simm.s32 $0x80;
	s17 =	simm.s32 $0x5500  }
0x7: {  	s29 =	simm.s32 $0x800;
	s30 =	simm.s32 $0x3000;
	s31 =	simm.s32 $0x880  }
0x8: {  	s18 =	simm.s32 $0x1;
	s19 =	simm.s32 $0x20;
	s20 =	simm.s32 $0x10  }
0x9: {  	s21 =	simm.s32 $0x0;
	s6 =	sand.u32 $0x1, s3;
	s3 =	stileid.u32  }
0xa: {  	[smem:$0x7FF] =	sst s4;
	s7 =	sshll.u32 s6, $0x4;
	s8 =	smul.u32 $0x5000, s6  }
0xb: {  	s9 =	smul.u32 $0x500, s3;
	_ =	strace $0x80000047;
	s6 =	ssub.s32 $0x2, s6  }
0xc: {  	s28 =	smul.u32 $0x280, s3;
	s7 =	sor.u32 s3, s7;
	s11 =	sshrl.u32 s6, $0x1  }
0xd: {  	s7 =	smul.u32 $0x500, s7;
	s8 =	sadd.s32 s9, s8;
	s11 =	ssub.s32 s6, s11  }
0xe: {  	s6 =	sadd.s32 s28, s2;
	s8 =	sshrl.u32 s8, $0x3;
	s11 =	smax.u32 s11, $0x1  }
0xf: {  	s10 =	sadd.s32 s7, s5;
	s12 =	sadd.s32 s8, s5;
	s5 =	sadd.s32 s28, s1  }
0x10: {  	s7 =	sadd.s32 s0, s7;
	s0 =	simm.s32 $0x3080;
	s8 =	sadd.s32 $0xC400, s10  }
0x11: {  	v0 =	vimm.f32 $0.0e+00;
	v1 =	vimm.f32 $1.000000000e+00;
	s9 =	sadd.s32 $0x16400, s12;
	s10 =	sadd.s32 $0x16410, s12;
	s12 =	simm.s32 $0x5580  }
.LBB2_1:
0x12: {  	[tilespmem:$0x5580] =	vst v0  }
0x13: {  	[tilespmem:$0x5590] =	vst v0  }
0x14: {  	[tilespmem:$0x55A0] =	vst v0  }
0x15: {  	[tilespmem:$0x55B0] =	vst v0  }
0x16: {  	[tilespmem:$0x55C0] =	vst v0  }
0x17: {  	[tilespmem:$0x55D0] =	vst v0  }
0x18: {  	[tilespmem:$0x55E0] =	vst v0  }
0x19: {  	[tilespmem:$0x55F0] =	vst v0  }
0x1a: {  	[tilespmem:$0x5600] =	vst v0  }
0x1b: {  	[tilespmem:$0x5610] =	vst v0  }
0x1c: {  	[tilespmem:$0x5620] =	vst v0  }
0x1d: {  	[tilespmem:$0x5630] =	vst v0  }
0x1e: {  	[tilespmem:$0x5640] =	vst v0  }
0x1f: {  	[tilespmem:$0x5650] =	vst v0  }
0x20: {  	[tilespmem:$0x5660] =	vst v0  }
0x21: {  	[tilespmem:$0x5670] =	vst v0  }
0x22: {  	[tilespmem:$0x5680] =	vst v0  }
0x23: {  	[tilespmem:$0x5690] =	vst v0  }
0x24: {  	[tilespmem:$0x56A0] =	vst v0  }
0x25: {  	[tilespmem:$0x56B0] =	vst v0  }
0x26: {  	[tilespmem:$0x56C0] =	vst v0  }
0x27: {  	[tilespmem:$0x56D0] =	vst v0  }
0x28: {  	[tilespmem:$0x56E0] =	vst v0  }
0x29: {  	[tilespmem:$0x56F0] =	vst v0  }
0x2a: {  	[tilespmem:$0x5700] =	vst v0  }
0x2b: {  	[tilespmem:$0x5710] =	vst v0  }
0x2c: {  	[tilespmem:$0x5720] =	vst v0  }
0x2d: {  	[tilespmem:$0x5730] =	vst v0  }
0x2e: {  	[tilespmem:$0x5740] =	vst v0  }
0x2f: {  	[tilespmem:$0x5750] =	vst v0  }
0x30: {  	[tilespmem:$0x5760] =	vst v0  }
0x31: {  	[tilespmem:$0x5770] =	vst v0  }
0x32: {  	[tilespmem:$0x5780] =	vst v0  }
0x33: {  	[tilespmem:$0x5790] =	vst v0  }
0x34: {  	[tilespmem:$0x57A0] =	vst v0  }
0x35: {  	[tilespmem:$0x57B0] =	vst v0  }
0x36: {  	[tilespmem:$0x57C0] =	vst v0  }
0x37: {  	[tilespmem:$0x57D0] =	vst v0  }
0x38: {  	[tilespmem:$0x57E0] =	vst v0  }
0x39: {  	[tilespmem:$0x57F0] =	vst v0  }
0x3a: {  	[tilespmem:$0x5500] =	vst v1  }
0x3b: {  	[tilespmem:$0x5510] =	vst v1  }
0x3c: {  	[tilespmem:$0x5520] =	vst v1  }
0x3d: {  	[tilespmem:$0x5530] =	vst v1  }
0x3e: {  	[tilespmem:$0x5540] =	vst v1  }
0x3f: {  	[tilespmem:$0x5550] =	vst v1  }
0x40: {  	[tilespmem:$0x5560] =	vst v1  }
0x41: {  	[tilespmem:$0x5570] =	vst v1  }
0x42: {  	[spmem:s5] =	stream.linear.scatter [tilespmem:s12], [sflag:$0x2], $0x280, $0x38;
	[tilespmem:$0x5800] =	vst v63  }
0x43: {  	_ =	swait.ge [sflag:s13], $0x280  }
0x44: {  	[sflag:s13] =	ssyncset.done $0x0  }
0x45: {  	[sflag:s13] =	ssyncadd.s32 $0xFFFFFD80  }
0x46: {  	[spmem:s6] =	stream.linear.scatter [tilespmem:s12], [sflag:$0x2], $0x280, $0x38;
	[tilespmem:$0x5800] =	vst v63  }
0x47: {  	_ =	swait.ge [sflag:s13], $0x280  }
0x48: {  	[sflag:s13] =	ssyncset.done $0x0  }
0x49: {  	[sflag:s13] =	ssyncadd.s32 $0xFFFFFD80  }
0x4a: {  	[bflag:$0x0] =	sbarrier.arrive $0xFFFF  }
0x4b: {  	[tilespmem:s14], [sflag:$0x2] =	stream.linear.gather [hbm4b:s7+s4], $0x2800, $0x38;
	[tilespmem:$0x5800] =	vst v63  }
0x4c: {  	_ =	swait.ge [sflag:s13], $0x2800  }
0x4d: {  	[sflag:s13] =	ssyncset.done $0x0  }
0x4e: {  	[sflag:s13] =	ssyncadd.s32 $0xFFFFD800  }
0x4f: {  	[tilespmem:s15], [sflag:$0x2] =	stream.linear.gather [hbm4b:s8+s4], $0x2800, $0x38;
	[tilespmem:$0x5800] =	vst v63  }
0x50: {  	_ =	swait.ge [sflag:s13], $0x2800  }
0x51: {  	[sflag:s13] =	ssyncset.done $0x0  }
0x52: {  	[sflag:s13] =	ssyncadd.s32 $0xFFFFD800  }
0x53: {  	[spmem:s1] =	stream.indirect.scatter.add.f32 [tilespmem:s17], [sflag:$0x1], $0x1, s14, s16, $0xb8;
	[tilespmem:$0x5800] =	vst v63  }
0x54: {  	_ = 	snop  }
0x55: {  	[spmem:s2] =	stream.indirect.scatter.add.f32 [tilespmem:s17], [sflag:$0x1], $0x1, s15, s16, $0xb8;
	[tilespmem:$0x5800] =	vst v63  }
0x56: {  	s22 =	simm.s32 $0x580  }
0x57: {  	[spmem:s1] =	stream.indirect.scatter.add.f32 [tilespmem:s17], [sflag:$0x1], $0x1, s22, s16, $0xb8;
	[tilespmem:$0x5800] =	vst v63  }
0x58: {  	s24 =	simm.s32 $0x2D80  }
0x59: {  	[spmem:s2] =	stream.indirect.scatter.add.f32 [tilespmem:s17], [sflag:$0x1], $0x1, s24, s16, $0xb8;
	[tilespmem:$0x5800] =	vst v63  }
0x5a: {  	s25 =	simm.s32 $0x600  }
0x5b: {  	[spmem:s1] =	stream.indirect.scatter.add.f32 [tilespmem:s17], [sflag:$0x1], $0x1, s25, s16, $0xb8;
	[tilespmem:$0x5800] =	vst v63  }
0x5c: {  	s26 =	simm.s32 $0x2E00  }
0x5d: {  	[spmem:s2] =	stream.indirect.scatter.add.f32 [tilespmem:s17], [sflag:$0x1], $0x1, s26, s16, $0xb8;
	[tilespmem:$0x5800] =	vst v63  }
0x5e: {  	s28 =	simm.s32 $0x680  }
0x5f: {  	[spmem:s1] =	stream.indirect.scatter.add.f32 [tilespmem:s17], [sflag:$0x1], $0x1, s28, s16, $0xb8;
	[tilespmem:$0x5800] =	vst v63  }
0x60: {  	s23 =	simm.s32 $0x2E80  }
0x61: {  	[spmem:s2] =	stream.indirect.scatter.add.f32 [tilespmem:s17], [sflag:$0x1], $0x1, s23, s16, $0xb8;
	[tilespmem:$0x5800] =	vst v63  }
0x62: {  	s24 =	simm.s32 $0x700  }
0x63: {  	[spmem:s1] =	stream.indirect.scatter.add.f32 [tilespmem:s17], [sflag:$0x1], $0x1, s24, s16, $0xb8;
	[tilespmem:$0x5800] =	vst v63  }
0x64: {  	s25 =	simm.s32 $0x2F00  }
0x65: {  	[spmem:s2] =	stream.indirect.scatter.add.f32 [tilespmem:s17], [sflag:$0x1], $0x1, s25, s16, $0xb8;
	[tilespmem:$0x5800] =	vst v63  }
0x66: {  	s26 =	simm.s32 $0x780  }
0x67: {  	[spmem:s1] =	stream.indirect.scatter.add.f32 [tilespmem:s17], [sflag:$0x1], $0x1, s26, s16, $0xb8;
	[tilespmem:$0x5800] =	vst v63  }
0x68: {  	s28 =	simm.s32 $0x2F80  }
0x69: {  	[spmem:s2] =	stream.indirect.scatter.add.f32 [tilespmem:s17], [sflag:$0x1], $0x1, s28, s16, $0xb8;
	[tilespmem:$0x5800] =	vst v63  }
0x6a: {  	_ = 	snop  }
0x6b: {  	[spmem:s1] =	stream.indirect.scatter.add.f32 [tilespmem:s17], [sflag:$0x1], $0x1, s29, s16, $0xb8;
	[tilespmem:$0x5800] =	vst v63  }
0x6c: {  	_ = 	snop  }
0x6d: {  	[spmem:s2] =	stream.indirect.scatter.add.f32 [tilespmem:s17], [sflag:$0x1], $0x1, s30, s16, $0xb8;
	[tilespmem:$0x5800] =	vst v63  }
0x6e: {  	_ = 	snop  }
0x6f: {  	[spmem:s1] =	stream.indirect.scatter.add.f32 [tilespmem:s17], [sflag:$0x1], $0x1, s31, s16, $0xb8;
	[tilespmem:$0x5800] =	vst v63  }
0x70: {  	p0 =	por $0x0, $0x0  }
0x71: {  	[spmem:s2] =	stream.indirect.scatter.add.f32 [tilespmem:s17], [sflag:$0x1], $0x1, s0, s16, $0xb8;
	[tilespmem:$0x5800] =	vst v63  }
0x72: {  	s22 =	simm.s32 @!p0 $0x80;
	s23 =	simm.s32 @!p0 $0x900;
	s24 =	simm.s32 @!p0 $0x5500  }
0x73: {  	[spmem:s1] =	stream.indirect.scatter.add.f32 @!p0 [tilespmem:s24], [sflag:$0x1], $0x1, s23, s22, $0xb8;
	[tilespmem:$0x5800] =	vst v63  }
0x74: {  	s23 =	simm.s32 @!p0 $0x3100  }
0x75: {  	[spmem:s2] =	stream.indirect.scatter.add.f32 @!p0 [tilespmem:s24], [sflag:$0x1], $0x1, s23, s22, $0xb8;
	[tilespmem:$0x5800] =	vst v63  }
0x76: {  	s23 =	simm.s32 @!p0 $0x980  }
0x77: {  	[spmem:s1] =	stream.indirect.scatter.add.f32 @!p0 [tilespmem:s24], [sflag:$0x1], $0x1, s23, s22, $0xb8;
	[tilespmem:$0x5800] =	vst v63  }
0x78: {  	s23 =	simm.s32 @!p0 $0x3180  }
0x79: {  	[spmem:s2] =	stream.indirect.scatter.add.f32 @!p0 [tilespmem:s24], [sflag:$0x1], $0x1, s23, s22, $0xb8;
	[tilespmem:$0x5800] =	vst v63  }
0x7a: {  	s23 =	simm.s32 @!p0 $0xA00  }
0x7b: {  	[spmem:s1] =	stream.indirect.scatter.add.f32 @!p0 [tilespmem:s24], [sflag:$0x1], $0x1, s23, s22, $0xb8;
	[tilespmem:$0x5800] =	vst v63  }
0x7c: {  	s23 =	simm.s32 @!p0 $0x3200  }
0x7d: {  	[spmem:s2] =	stream.indirect.scatter.add.f32 @!p0 [tilespmem:s24], [sflag:$0x1], $0x1, s23, s22, $0xb8;
	[tilespmem:$0x5800] =	vst v63  }
0x7e: {  	s23 =	simm.s32 @!p0 $0xA80  }
0x7f: {  	[spmem:s1] =	stream.indirect.scatter.add.f32 @!p0 [tilespmem:s24], [sflag:$0x1], $0x1, s23, s22, $0xb8;
	[tilespmem:$0x5800] =	vst v63  }
0x80: {  	s23 =	simm.s32 @!p0 $0x3280  }
0x81: {  	[spmem:s2] =	stream.indirect.scatter.add.f32 @!p0 [tilespmem:s24], [sflag:$0x1], $0x1, s23, s22, $0xb8;
	[tilespmem:$0x5800] =	vst v63  }
0x82: {  	s23 =	simm.s32 @!p0 $0xB00  }
0x83: {  	[spmem:s1] =	stream.indirect.scatter.add.f32 @!p0 [tilespmem:s24], [sflag:$0x1], $0x1, s23, s22, $0xb8;
	[tilespmem:$0x5800] =	vst v63  }
0x84: {  	s23 =	simm.s32 @!p0 $0x3300  }
0x85: {  	[spmem:s2] =	stream.indirect.scatter.add.f32 @!p0 [tilespmem:s24], [sflag:$0x1], $0x1, s23, s22, $0xb8;
	[tilespmem:$0x5800] =	vst v63  }
0x86: {  	s23 =	simm.s32 @!p0 $0xB80  }
0x87: {  	[spmem:s1] =	stream.indirect.scatter.add.f32 @!p0 [tilespmem:s24], [sflag:$0x1], $0x1, s23, s22, $0xb8;
	[tilespmem:$0x5800] =	vst v63  }
0x88: {  	s23 =	simm.s32 @!p0 $0x3380  }
0x89: {  	[spmem:s2] =	stream.indirect.scatter.add.f32 @!p0 [tilespmem:s24], [sflag:$0x1], $0x1, s23, s22, $0xb8;
	[tilespmem:$0x5800] =	vst v63  }
0x8a: {  	s23 =	simm.s32 @!p0 $0xC00  }
0x8b: {  	[spmem:s1] =	stream.indirect.scatter.add.f32 @!p0 [tilespmem:s24], [sflag:$0x1], $0x1, s23, s22, $0xb8;
	[tilespmem:$0x5800] =	vst v63  }
0x8c: {  	s23 =	simm.s32 @!p0 $0x3400  }
0x8d: {  	[spmem:s2] =	stream.indirect.scatter.add.f32 @!p0 [tilespmem:s24], [sflag:$0x1], $0x1, s23, s22, $0xb8;
	[tilespmem:$0x5800] =	vst v63  }
0x8e: {  	s23 =	simm.s32 @!p0 $0xC80  }
0x8f: {  	[spmem:s1] =	stream.indirect.scatter.add.f32 @!p0 [tilespmem:s24], [sflag:$0x1], $0x1, s23, s22, $0xb8;
	[tilespmem:$0x5800] =	vst v63  }
0x90: {  	s23 =	simm.s32 @!p0 $0x3480  }
0x91: {  	[spmem:s2] =	stream.indirect.scatter.add.f32 @!p0 [tilespmem:s24], [sflag:$0x1], $0x1, s23, s22, $0xb8;
	[tilespmem:$0x5800] =	vst v63  }
0x92: {  	_ =	swait.ge [sflag:s18], $0x80  }
0x93: {  	[sflag:s18] =	ssyncset.done $0x0  }
0x94: {  	[sflag:s18] =	ssyncadd.s32 $0xFFFFFF80  }
0x95: {  	_ =	swait.ge [sflag:s18], $0x80  }
0x96: {  	[sflag:s18] =	ssyncset.done $0x0  }
0x97: {  	[sflag:s18] =	ssyncadd.s32 $0xFFFFFF80  }
0x98: {  	_ =	swait.ge [sflag:s18], $0x80  }
0x99: {  	[sflag:s18] =	ssyncset.done $0x0  }
0x9a: {  	[sflag:s18] =	ssyncadd.s32 $0xFFFFFF80  }
0x9b: {  	_ =	swait.ge [sflag:s18], $0x80  }
0x9c: {  	[sflag:s18] =	ssyncset.done $0x0  }
0x9d: {  	[sflag:s18] =	ssyncadd.s32 $0xFFFFFF80  }
0x9e: {  	_ =	swait.ge [sflag:s18], $0x80  }
0x9f: {  	[sflag:s18] =	ssyncset.done $0x0  }
0xa0: {  	[sflag:s18] =	ssyncadd.s32 $0xFFFFFF80  }
0xa1: {  	_ =	swait.ge [sflag:s18], $0x80  }
0xa2: {  	[sflag:s18] =	ssyncset.done $0x0  }
0xa3: {  	[sflag:s18] =	ssyncadd.s32 $0xFFFFFF80  }
0xa4: {  	_ =	swait.ge [sflag:s18], $0x80  }
0xa5: {  	[sflag:s18] =	ssyncset.done $0x0  }
0xa6: {  	[sflag:s18] =	ssyncadd.s32 $0xFFFFFF80  }
0xa7: {  	_ =	swait.ge [sflag:s18], $0x80  }
0xa8: {  	[sflag:s18] =	ssyncset.done $0x0  }
0xa9: {  	[sflag:s18] =	ssyncadd.s32 $0xFFFFFF80  }
0xaa: {  	_ =	swait.ge [sflag:s18], $0x80  }
0xab: {  	[sflag:s18] =	ssyncset.done $0x0  }
0xac: {  	[sflag:s18] =	ssyncadd.s32 $0xFFFFFF80  }
0xad: {  	_ =	swait.ge [sflag:s18], $0x80  }
0xae: {  	[sflag:s18] =	ssyncset.done $0x0  }
0xaf: {  	[sflag:s18] =	ssyncadd.s32 $0xFFFFFF80  }
0xb0: {  	_ =	swait.ge [sflag:s18], $0x80  }
0xb1: {  	[sflag:s18] =	ssyncset.done $0x0  }
0xb2: {  	[sflag:s18] =	ssyncadd.s32 $0xFFFFFF80  }
0xb3: {  	_ =	swait.ge [sflag:s18], $0x80  }
0xb4: {  	[sflag:s18] =	ssyncset.done $0x0  }
0xb5: {  	[sflag:s18] =	ssyncadd.s32 $0xFFFFFF80  }
0xb6: {  	_ =	swait.ge [sflag:s18], $0x80  }
0xb7: {  	[sflag:s18] =	ssyncset.done $0x0  }
0xb8: {  	[sflag:s18] =	ssyncadd.s32 $0xFFFFFF80  }
0xb9: {  	_ =	swait.ge [sflag:s18], $0x80  }
0xba: {  	[sflag:s18] =	ssyncset.done $0x0  }
0xbb: {  	[sflag:s18] =	ssyncadd.s32 $0xFFFFFF80  }
0xbc: {  	_ =	swait.ge [sflag:s18], $0x80  }
0xbd: {  	[sflag:s18] =	ssyncset.done $0x0  }
0xbe: {  	p1 =	por $0x0, $0x0;
	[sflag:s18] =	ssyncadd.s32 $0xFFFFFF80  }
0xbf: {  	s25 =	simm.s32 @!p1 $0x400;
	_ =	swait.ge [sflag:s18], $0x80  }
0xc0: {  	s22 =	simm.s32 $0x2000;
	s24 =	simm.s32 @!p1 $0x80;
	[sflag:s18] =	ssyncset.done $0x0  }
.LBB2_2:
0xc1: {  	s23 =	sadd.s32 @!p1 $0x900, s25;
	s26 =	simm.s32 @!p1 $0x5500;
	[sflag:s18] =	ssyncadd.s32 $0xFFFFFF80  }
0xc2: {  	[spmem:s1] =	stream.indirect.scatter.add.f32 @!p1 [tilespmem:s26], [sflag:$0x1], $0x1, s23, s24, $0xb8;
	[tilespmem:$0x5800] =	vst v63  }
0xc3: {  	s28 =	sadd.s32 @!p1 $0x3100, s25;
	s23 =	smov.u32 s22;
	s22 =	sadd.s32 $0x1000, s22  }
0xc4: {  	[spmem:s2] =	stream.indirect.scatter.add.f32 @!p1 [tilespmem:s26], [sflag:$0x1], $0x1, s28, s24, $0xb8;
	[tilespmem:$0x5800] =	vst v63  }
0xc5: {  	p0 =	sne.s32 s22, $0xA000;
	s28 =	sadd.s32 @!p1 $0x980, s25  }
0xc6: {  	[spmem:s1] =	stream.indirect.scatter.add.f32 @!p1 [tilespmem:s26], [sflag:$0x1], $0x1, s28, s24, $0xb8;
	[tilespmem:$0x5800] =	vst v63  }
0xc7: {  	s28 =	sadd.s32 @!p1 $0x3180, s25  }
0xc8: {  	[spmem:s2] =	stream.indirect.scatter.add.f32 @!p1 [tilespmem:s26], [sflag:$0x1], $0x1, s28, s24, $0xb8;
	[tilespmem:$0x5800] =	vst v63  }
0xc9: {  	s28 =	sadd.s32 @!p1 $0xA00, s25  }
0xca: {  	[spmem:s1] =	stream.indirect.scatter.add.f32 @!p1 [tilespmem:s26], [sflag:$0x1], $0x1, s28, s24, $0xb8;
	[tilespmem:$0x5800] =	vst v63  }
0xcb: {  	s28 =	sadd.s32 @!p1 $0x3200, s25  }
0xcc: {  	[spmem:s2] =	stream.indirect.scatter.add.f32 @!p1 [tilespmem:s26], [sflag:$0x1], $0x1, s28, s24, $0xb8;
	[tilespmem:$0x5800] =	vst v63  }
0xcd: {  	s28 =	sadd.s32 @!p1 $0xA80, s25  }
0xce: {  	[spmem:s1] =	stream.indirect.scatter.add.f32 @!p1 [tilespmem:s26], [sflag:$0x1], $0x1, s28, s24, $0xb8;
	[tilespmem:$0x5800] =	vst v63  }
0xcf: {  	s28 =	sadd.s32 @!p1 $0x3280, s25  }
0xd0: {  	[spmem:s2] =	stream.indirect.scatter.add.f32 @!p1 [tilespmem:s26], [sflag:$0x1], $0x1, s28, s24, $0xb8;
	[tilespmem:$0x5800] =	vst v63  }
0xd1: {  	s28 =	sadd.s32 @!p1 $0xB00, s25  }
0xd2: {  	[spmem:s1] =	stream.indirect.scatter.add.f32 @!p1 [tilespmem:s26], [sflag:$0x1], $0x1, s28, s24, $0xb8;
	[tilespmem:$0x5800] =	vst v63  }
0xd3: {  	s28 =	sadd.s32 @!p1 $0x3300, s25  }
0xd4: {  	[spmem:s2] =	stream.indirect.scatter.add.f32 @!p1 [tilespmem:s26], [sflag:$0x1], $0x1, s28, s24, $0xb8;
	[tilespmem:$0x5800] =	vst v63  }
0xd5: {  	s28 =	sadd.s32 @!p1 $0xB80, s25  }
0xd6: {  	[spmem:s1] =	stream.indirect.scatter.add.f32 @!p1 [tilespmem:s26], [sflag:$0x1], $0x1, s28, s24, $0xb8;
	[tilespmem:$0x5800] =	vst v63  }
0xd7: {  	s28 =	sadd.s32 @!p1 $0x3380, s25  }
0xd8: {  	[spmem:s2] =	stream.indirect.scatter.add.f32 @!p1 [tilespmem:s26], [sflag:$0x1], $0x1, s28, s24, $0xb8;
	[tilespmem:$0x5800] =	vst v63  }
0xd9: {  	s28 =	sadd.s32 @!p1 $0xC00, s25  }
0xda: {  	[spmem:s1] =	stream.indirect.scatter.add.f32 @!p1 [tilespmem:s26], [sflag:$0x1], $0x1, s28, s24, $0xb8;
	[tilespmem:$0x5800] =	vst v63  }
0xdb: {  	s28 =	sadd.s32 @!p1 $0x3400, s25  }
0xdc: {  	[spmem:s2] =	stream.indirect.scatter.add.f32 @!p1 [tilespmem:s26], [sflag:$0x1], $0x1, s28, s24, $0xb8;
	[tilespmem:$0x5800] =	vst v63  }
0xdd: {  	s28 =	sadd.s32 @!p1 $0xC80, s25  }
0xde: {  	[spmem:s1] =	stream.indirect.scatter.add.f32 @!p1 [tilespmem:s26], [sflag:$0x1], $0x1, s28, s24, $0xb8;
	[tilespmem:$0x5800] =	vst v63  }
0xdf: {  	s25 =	sadd.s32 @!p1 $0x3480, s25  }
0xe0: {  	[spmem:s2] =	stream.indirect.scatter.add.f32 @!p1 [tilespmem:s26], [sflag:$0x1], $0x1, s25, s24, $0xb8;
	[tilespmem:$0x5800] =	vst v63  }
0xe1: {  	_ =	swait.ge [sflag:s18], $0x80  }
0xe2: {  	[sflag:s18] =	ssyncset.done $0x0  }
0xe3: {  	[sflag:s18] =	ssyncadd.s32 $0xFFFFFF80  }
0xe4: {  	_ =	swait.ge [sflag:s18], $0x80  }
0xe5: {  	[sflag:s18] =	ssyncset.done $0x0  }
0xe6: {  	[sflag:s18] =	ssyncadd.s32 $0xFFFFFF80  }
0xe7: {  	_ =	swait.ge [sflag:s18], $0x80  }
0xe8: {  	[sflag:s18] =	ssyncset.done $0x0  }
0xe9: {  	[sflag:s18] =	ssyncadd.s32 $0xFFFFFF80  }
0xea: {  	_ =	swait.ge [sflag:s18], $0x80  }
0xeb: {  	[sflag:s18] =	ssyncset.done $0x0  }
0xec: {  	[sflag:s18] =	ssyncadd.s32 $0xFFFFFF80  }
0xed: {  	_ =	swait.ge [sflag:s18], $0x80  }
0xee: {  	[sflag:s18] =	ssyncset.done $0x0  }
0xef: {  	[sflag:s18] =	ssyncadd.s32 $0xFFFFFF80  }
0xf0: {  	_ =	swait.ge [sflag:s18], $0x80  }
0xf1: {  	[sflag:s18] =	ssyncset.done $0x0  }
0xf2: {  	[sflag:s18] =	ssyncadd.s32 $0xFFFFFF80  }
0xf3: {  	_ =	swait.ge [sflag:s18], $0x80  }
0xf4: {  	[sflag:s18] =	ssyncset.done $0x0  }
0xf5: {  	[sflag:s18] =	ssyncadd.s32 $0xFFFFFF80  }
0xf6: {  	_ =	swait.ge [sflag:s18], $0x80  }
0xf7: {  	[sflag:s18] =	ssyncset.done $0x0  }
0xf8: {  	[sflag:s18] =	ssyncadd.s32 $0xFFFFFF80  }
0xf9: {  	_ =	swait.ge [sflag:s18], $0x80  }
0xfa: {  	[sflag:s18] =	ssyncset.done $0x0  }
0xfb: {  	[sflag:s18] =	ssyncadd.s32 $0xFFFFFF80  }
0xfc: {  	_ =	swait.ge [sflag:s18], $0x80  }
0xfd: {  	[sflag:s18] =	ssyncset.done $0x0  }
0xfe: {  	[sflag:s18] =	ssyncadd.s32 $0xFFFFFF80  }
0xff: {  	_ =	swait.ge [sflag:s18], $0x80  }
0x100: {  	[sflag:s18] =	ssyncset.done $0x0  }
0x101: {  	[sflag:s18] =	ssyncadd.s32 $0xFFFFFF80  }
0x102: {  	_ =	swait.ge [sflag:s18], $0x80  }
0x103: {  	[sflag:s18] =	ssyncset.done $0x0  }
0x104: {  	[sflag:s18] =	ssyncadd.s32 $0xFFFFFF80  }
0x105: {  	_ =	swait.ge [sflag:s18], $0x80  }
0x106: {  	[sflag:s18] =	ssyncset.done $0x0  }
0x107: {  	[sflag:s18] =	ssyncadd.s32 $0xFFFFFF80  }
0x108: {  	_ =	swait.ge [sflag:s18], $0x80  }
0x109: {  	[sflag:s18] =	ssyncset.done $0x0  }
0x10a: {  	[sflag:s18] =	ssyncadd.s32 $0xFFFFFF80  }
.Ltmp0:
0x10b: {  	_ =	swait.ge [sflag:s18], $0x80;
	(pc) =	sbr.rel @p0 .LBB2_2-.Ltmp0, $4  }
0x10c: {  	[sflag:s18] =	ssyncset.done $0x0  }
0x10d: {  	[sflag:s18] =	ssyncadd.s32 $0xFFFFFF80  }
0x10e: {  	p1 =	seq.s32 s23, $0x9000;
	_ =	swait.ge [sflag:s18], $0x80  }
0x10f: {  	s25 =	sshra.s32 @!p1 s23, $0x2;
	s24 =	simm.s32 @!p1 $0x80;
	[sflag:s18] =	ssyncset.done $0x0  }
0x110: {  	s22 =	sadd.s32 @!p1 $0x900, s25;
	s23 =	simm.s32 @!p1 $0x5500;
	[sflag:s18] =	ssyncadd.s32 $0xFFFFFF80  }
0x111: {  	[spmem:s1] =	stream.indirect.scatter.add.f32 @!p1 [tilespmem:s23], [sflag:$0x1], $0x1, s22, s24, $0xb8;
	[tilespmem:$0x5800] =	vst v63  }
0x112: {  	s22 =	sadd.s32 @!p1 $0x3100, s25  }
0x113: {  	[spmem:s2] =	stream.indirect.scatter.add.f32 @!p1 [tilespmem:s23], [sflag:$0x1], $0x1, s22, s24, $0xb8;
	[tilespmem:$0x5800] =	vst v63  }
0x114: {  	s22 =	sadd.s32 @!p1 $0x980, s25  }
0x115: {  	[spmem:s1] =	stream.indirect.scatter.add.f32 @!p1 [tilespmem:s23], [sflag:$0x1], $0x1, s22, s24, $0xb8;
	[tilespmem:$0x5800] =	vst v63  }
0x116: {  	s22 =	sadd.s32 @!p1 $0x3180, s25  }
0x117: {  	[spmem:s2] =	stream.indirect.scatter.add.f32 @!p1 [tilespmem:s23], [sflag:$0x1], $0x1, s22, s24, $0xb8;
	[tilespmem:$0x5800] =	vst v63  }
0x118: {  	s22 =	sadd.s32 @!p1 $0xA00, s25  }
0x119: {  	[spmem:s1] =	stream.indirect.scatter.add.f32 @!p1 [tilespmem:s23], [sflag:$0x1], $0x1, s22, s24, $0xb8;
	[tilespmem:$0x5800] =	vst v63  }
0x11a: {  	s22 =	sadd.s32 @!p1 $0x3200, s25  }
0x11b: {  	[spmem:s2] =	stream.indirect.scatter.add.f32 @!p1 [tilespmem:s23], [sflag:$0x1], $0x1, s22, s24, $0xb8;
	[tilespmem:$0x5800] =	vst v63  }
0x11c: {  	s22 =	sadd.s32 @!p1 $0xA80, s25  }
0x11d: {  	[spmem:s1] =	stream.indirect.scatter.add.f32 @!p1 [tilespmem:s23], [sflag:$0x1], $0x1, s22, s24, $0xb8;
	[tilespmem:$0x5800] =	vst v63  }
0x11e: {  	s22 =	sadd.s32 @!p1 $0x3280, s25  }
0x11f: {  	[spmem:s2] =	stream.indirect.scatter.add.f32 @!p1 [tilespmem:s23], [sflag:$0x1], $0x1, s22, s24, $0xb8;
	[tilespmem:$0x5800] =	vst v63  }
0x120: {  	s22 =	sadd.s32 @!p1 $0xB00, s25  }
0x121: {  	[spmem:s1] =	stream.indirect.scatter.add.f32 @!p1 [tilespmem:s23], [sflag:$0x1], $0x1, s22, s24, $0xb8;
	[tilespmem:$0x5800] =	vst v63  }
0x122: {  	s22 =	sadd.s32 @!p1 $0x3300, s25  }
0x123: {  	[spmem:s2] =	stream.indirect.scatter.add.f32 @!p1 [tilespmem:s23], [sflag:$0x1], $0x1, s22, s24, $0xb8;
	[tilespmem:$0x5800] =	vst v63  }
0x124: {  	s22 =	sadd.s32 @!p1 $0xB80, s25  }
0x125: {  	[spmem:s1] =	stream.indirect.scatter.add.f32 @!p1 [tilespmem:s23], [sflag:$0x1], $0x1, s22, s24, $0xb8;
	[tilespmem:$0x5800] =	vst v63  }
0x126: {  	s22 =	sadd.s32 @!p1 $0x3380, s25  }
0x127: {  	[spmem:s2] =	stream.indirect.scatter.add.f32 @!p1 [tilespmem:s23], [sflag:$0x1], $0x1, s22, s24, $0xb8;
	[tilespmem:$0x5800] =	vst v63  }
0x128: {  	s22 =	sadd.s32 @!p1 $0xC00, s25  }
0x129: {  	[spmem:s1] =	stream.indirect.scatter.add.f32 @!p1 [tilespmem:s23], [sflag:$0x1], $0x1, s22, s24, $0xb8;
	[tilespmem:$0x5800] =	vst v63  }
0x12a: {  	s22 =	sadd.s32 @!p1 $0x3400, s25  }
0x12b: {  	[spmem:s2] =	stream.indirect.scatter.add.f32 @!p1 [tilespmem:s23], [sflag:$0x1], $0x1, s22, s24, $0xb8;
	[tilespmem:$0x5800] =	vst v63  }
0x12c: {  	s22 =	sadd.s32 @!p1 $0xC80, s25  }
0x12d: {  	[spmem:s1] =	stream.indirect.scatter.add.f32 @!p1 [tilespmem:s23], [sflag:$0x1], $0x1, s22, s24, $0xb8;
	[tilespmem:$0x5800] =	vst v63  }
0x12e: {  	s22 =	sadd.s32 @!p1 $0x3480, s25  }
0x12f: {  	[spmem:s2] =	stream.indirect.scatter.add.f32 @!p1 [tilespmem:s23], [sflag:$0x1], $0x1, s22, s24, $0xb8;
	[tilespmem:$0x5800] =	vst v63  }
0x130: {  	_ =	swait.ge [sflag:s18], $0x80  }
0x131: {  	[sflag:s18] =	ssyncset.done $0x0  }
0x132: {  	[sflag:s18] =	ssyncadd.s32 $0xFFFFFF80  }
0x133: {  	_ =	swait.ge [sflag:s18], $0x80  }
0x134: {  	[sflag:s18] =	ssyncset.done $0x0  }
0x135: {  	[sflag:s18] =	ssyncadd.s32 $0xFFFFFF80  }
0x136: {  	_ =	swait.ge [sflag:s18], $0x80  }
0x137: {  	[sflag:s18] =	ssyncset.done $0x0  }
0x138: {  	[sflag:s18] =	ssyncadd.s32 $0xFFFFFF80  }
0x139: {  	_ =	swait.ge [sflag:s18], $0x80  }
0x13a: {  	[sflag:s18] =	ssyncset.done $0x0  }
0x13b: {  	[sflag:s18] =	ssyncadd.s32 $0xFFFFFF80  }
0x13c: {  	_ =	swait.ge [sflag:s18], $0x80  }
0x13d: {  	[sflag:s18] =	ssyncset.done $0x0  }
0x13e: {  	[sflag:s18] =	ssyncadd.s32 $0xFFFFFF80  }
0x13f: {  	_ =	swait.ge [sflag:s18], $0x80  }
0x140: {  	[sflag:s18] =	ssyncset.done $0x0  }
0x141: {  	[sflag:s18] =	ssyncadd.s32 $0xFFFFFF80  }
0x142: {  	_ =	swait.ge [sflag:s18], $0x80  }
0x143: {  	[sflag:s18] =	ssyncset.done $0x0  }
0x144: {  	[sflag:s18] =	ssyncadd.s32 $0xFFFFFF80  }
0x145: {  	_ =	swait.ge [sflag:s18], $0x80  }
0x146: {  	[sflag:s18] =	ssyncset.done $0x0  }
0x147: {  	[sflag:s18] =	ssyncadd.s32 $0xFFFFFF80  }
0x148: {  	_ =	swait.ge [sflag:s18], $0x80  }
0x149: {  	[sflag:s18] =	ssyncset.done $0x0  }
0x14a: {  	[sflag:s18] =	ssyncadd.s32 $0xFFFFFF80  }
0x14b: {  	_ =	swait.ge [sflag:s18], $0x80  }
0x14c: {  	[sflag:s18] =	ssyncset.done $0x0  }
0x14d: {  	[sflag:s18] =	ssyncadd.s32 $0xFFFFFF80  }
0x14e: {  	_ =	swait.ge [sflag:s18], $0x80  }
0x14f: {  	[sflag:s18] =	ssyncset.done $0x0  }
0x150: {  	[sflag:s18] =	ssyncadd.s32 $0xFFFFFF80  }
0x151: {  	_ =	swait.ge [sflag:s18], $0x80  }
0x152: {  	[sflag:s18] =	ssyncset.done $0x0  }
0x153: {  	[sflag:s18] =	ssyncadd.s32 $0xFFFFFF80  }
0x154: {  	_ =	swait.ge [sflag:s18], $0x80  }
0x155: {  	[sflag:s18] =	ssyncset.done $0x0  }
0x156: {  	[sflag:s18] =	ssyncadd.s32 $0xFFFFFF80  }
0x157: {  	_ =	swait.ge [sflag:s18], $0x80  }
0x158: {  	[sflag:s18] =	ssyncset.done $0x0  }
0x159: {  	[sflag:s18] =	ssyncadd.s32 $0xFFFFFF80  }
0x15a: {  	_ =	swait.ge [sflag:s18], $0x80  }
0x15b: {  	[sflag:s18] =	ssyncset.done $0x0  }
0x15c: {  	[sflag:s18] =	ssyncadd.s32 $0xFFFFFF80  }
0x15d: {  	_ =	swait.ge [sflag:s18], $0x80  }
0x15e: {  	[sflag:s18] =	ssyncset.done $0x0  }
0x15f: {  	s25 =	sshll.u32 s3, $0x6;
	[sflag:s18] =	ssyncadd.s32 $0xFFFFFF80  }
0x160: {  	s26 =	sshrl.u32 s5, $0x3;
	s22 =	sor.u32 $0x1C02, s25;
	[bflag:$0x0] =	sbarrier.arrive $0xFFFF  }
0x161: {  	[hbm:s9@s19], [sflag:s22] =	dma.strided [spmem:s26@s20], $0x50, s18, $0x10   }
0x162: {  	s21 =	sadd.s32 $0x1, s21;
	_ =	swait.ge [sflag:s13], $0x50  }
0x163: {  	p0 =	sne.s32 s21, s11;
	[sflag:s13] =	ssyncset.done $0x0  }
.Ltmp1:
0x164: {  	s28 =	sshrl.u32 s6, $0x3;
	[sflag:s13] =	ssyncadd.s32 $0xFFFFFFB0;
	(pc) =	sbr.rel @p0 .LBB2_1-.Ltmp1, $4  }
0x165: {  	[hbm:s10@s19], [sflag:s22] =	dma.strided [spmem:s28@s20], $0x50, s18, $0x10   }
0x166: {  	_ =	swait.ge [sflag:s13], $0x50  }
0x167: {  	[sflag:s13] =	ssyncset.done $0x0  }
0x168: {  	[sflag:s13] =	ssyncadd.s32 $0xFFFFFFB0  }
0x169: {  	_ =	sfence.sel $0x180000  }
0x16a: {  	[bflag:$0x0] =	sbarrier.arrive $0xFFFF  }
0x16b: {  	_ =	strace $0x90000047  }
0x16c: {  	[bflag:$0x2] =	sbarrier.arrive $0xFFFF  }
0x16d: {  	p0 =	sne.s32 s3, $0x0;
	s0 =	rddreg [dreg:$0x4]  }
0x16e: {  	s0 =	sadd.s32 @!p0 $0x100000, s0  }
0x16f: {  	[sflag:s0] =	ssyncadd.tile.s32 @!p0 $0x1;
	_ =	shalt  }
.Lfunc_end2:
_tile_overlayer_lowered:
.L_overlay_start_2:
0x170: {  	(tag) =	ssettag $0x2  }
0x171: {  	s0 =	rddreg [dreg:$0x0];
	s2 =	stileid.u32  }
0x172: {  	s1 =	rddreg [dreg:$0x1];
	p0 =	sne.s32 s2, $0x0  }
0x173: {  	s3 =	rddreg [dreg:$0x2];
	[bflag:$0x3] =	sbarrier.arrive $0xFFFF;
	s2 =	simm.s32 @!p0 $0x1C02  }
0x174: {  	[timem:s3], [sflag:s2] =	dma.local @!p0 [hbm:s0], s1  }
0x175: {  	s0 =	simm.s32 @!p0 $0x2  }
0x176: {  	_ =	swait.ge @!p0 [sflag:s0], s1  }
0x177: {  	s1 =	ssub.s32 @!p0 $0x0, s1;
	[sflag:s0] =	ssyncset.done @!p0 $0x0  }
0x178: {  	[sflag:s0] =	ssyncadd.s32 @!p0 s1  }
0x179: {  	[bflag:$0x3] =	sbarrier.arrive $0xFFFF  }
0x17a: {  	_ =	shalt  }

</sc_bundles>
